<compile_context>
chip_gen: v7x
topology: tpu7x:2x2x1
jax: 0.10.2.dev20260603
libtpu: 0.0.44.dev20260713+nightly
codegen_flags: <defaults>
</compile_context>

<pallas_src>
import functools

import jax
import jax.numpy as jnp
from jax import lax
from jax.experimental import pallas as pl
from jax.experimental.pallas import tpu as pltpu
from jax.experimental.pallas import tpu_sc as plsc

_VOCAB = 100000
_EMBED_DIM = 64
_BATCH = 4096
_SEQ_LEN = 200

_NUM_WORKERS = 32
_BBLK = _BATCH // _NUM_WORKERS

_mesh = plsc.VectorSubcoreMesh(core_axis_name="c", subcore_axis_name="s")


@functools.partial(
    pl.kernel,
    mesh=_mesh,
    out_type=jax.ShapeDtypeStruct((_SEQ_LEN, 8, _NUM_WORKERS, 8, 128), jnp.float32),
    scratch_types=[
        pltpu.VMEM((_SEQ_LEN // 8, 8, _BBLK), jnp.int32),
        pltpu.VMEM((_BBLK, _EMBED_DIM), jnp.float32),
        pltpu.VMEM((_BBLK, _EMBED_DIM), jnp.float32),
        pltpu.VMEM((8, 8, 128), jnp.float32),
        pltpu.VMEM((8, 8, 128), jnp.float32),
        pltpu.SemaphoreType.DMA,
        pltpu.SemaphoreType.DMA,
        pltpu.SemaphoreType.DMA,
        pltpu.SemaphoreType.DMA,
    ],
    compiler_params=pltpu.CompilerParams(
        use_tc_tiling_on_sc=False, needs_layout_passes=False
    ),
)
def _embedding_gather(idx_hbm, table_hbm, out_hbm,
                      idx_v, rows0, rows1, tbuf0, tbuf1,
                      gsem0, gsem1, osem0, osem1):
    wid = lax.axis_index("s") * 2 + lax.axis_index("c")
    pltpu.sync_copy(idx_hbm.at[:, wid], idx_v)

    @plsc.parallel_loop(0, _SEQ_LEN, 1, unroll=4)
    def _double(st):
        lt = st >> 3
        ls = st & 7
        for c in range(8):
            v = idx_v[lt, ls, pl.ds(16 * c, 16)]
            idx_v[lt, ls, pl.ds(16 * c, 16)] = v + v

    iota = jax.lax.iota(jnp.int32, 16)
    diags = [(iota + k) & 15 for k in range(16)]

    def transpose_tile(rows, tbuf):
        @plsc.parallel_loop(0, 32, 1, unroll=4)
        def stbody(st):
            dc = st >> 3
            bb = st & 7
            row = iota + bb * 16
            d0 = dc * 16
            for k in range(16):
                d = diags[k] + d0
                vals = plsc.load_gather(rows, [row, d])
                plsc.store_scatter(tbuf, [d >> 3, d & 7, row], vals)

    def gather(l, rows, sem):
        pltpu.async_copy(table_hbm.at[idx_v.at[l >> 3, l & 7]], rows, sem)

    def gather_wait(l, rows, sem):
        pltpu.make_async_copy(
            table_hbm.at[idx_v.at[l >> 3, l & 7]], rows, sem
        ).wait()

    def store(l, tbuf, sem):
        pltpu.async_copy(tbuf, out_hbm.at[l, :, wid], sem)

    def store_wait(l, tbuf, sem):
        pltpu.make_async_copy(tbuf, out_hbm.at[l, :, wid], sem).wait()

    gather(0, rows0, gsem0)
    gather(1, rows1, gsem1)

    def body(i, carry):
        l = 2 * i
        gather_wait(l, rows0, gsem0)

        @pl.when(i > 0)
        def _():
            store_wait(l - 2, tbuf0, osem0)
        transpose_tile(rows0, tbuf0)
        store(l, tbuf0, osem0)

        @pl.when(l + 2 < _SEQ_LEN)
        def _():
            gather(l + 2, rows0, gsem0)

        gather_wait(l + 1, rows1, gsem1)

        @pl.when(i > 0)
        def _():
            store_wait(l - 1, tbuf1, osem1)
        transpose_tile(rows1, tbuf1)
        store(l + 1, tbuf1, osem1)

        @pl.when(l + 3 < _SEQ_LEN)
        def _():
            gather(l + 3, rows1, gsem1)

        return carry

    lax.fori_loop(0, _SEQ_LEN // 2, body, 0)
    store_wait(_SEQ_LEN - 2, tbuf0, osem0)
    store_wait(_SEQ_LEN - 1, tbuf1, osem1)


def kernel(indices, embedding_matrix):
    idx = indices.astype(jnp.int32).reshape(_NUM_WORKERS, _BBLK, _SEQ_LEN // 8, 8)
    idx = idx.transpose(2, 0, 3, 1)
    table = jnp.pad(embedding_matrix, ((0, 0), (0, 64)))
    table = table.reshape(_VOCAB * 2, _EMBED_DIM)
    out = _embedding_gather(idx, table)
    return out.transpose(2, 4, 0, 1, 3).reshape(_BATCH, _SEQ_LEN, _EMBED_DIM)

# --- scband reference (transcript-rebuilt; emitter-appended) ---
"""Pipeline reference for scband-word-embedding-76922864271813 (READ-ONLY COPY).

The authoritative reference and input builder live on the scoring server;
editing this copy changes nothing except your own understanding.
"""

import jax, jax.numpy as jnp
import numpy as np

VOCAB = 100000
EMBED_DIM = 64
BATCH = 4096
SEQ_LEN = 200


def setup_inputs(seed: int = 0) -> dict:
    key = jax.random.key(seed)
    k_idx, k_tab = jax.random.split(key)
    indices = jax.random.randint(k_idx, (BATCH, SEQ_LEN), 0, VOCAB, dtype=jnp.int32).astype(jnp.int64)
    embedding_matrix = jax.random.normal(k_tab, (VOCAB, EMBED_DIM), dtype=jnp.float32) * 0.02
    return {"indices": indices, "embedding_matrix": embedding_matrix}


def reference(indices, embedding_matrix):
    # WordEmbedding.call: a plain Embedding lookup (mask_zero only affects the
    # Keras mask metadata, not the returned values).
    out = jnp.take(embedding_matrix, indices, axis=0)  # [B, L, D]
    return out

if __name__ == "__main__":
    import jax
    _d = setup_inputs()
    print(jax.jit(kernel)(*tuple(_d.values())))

</pallas_src>

<mosaic_0001>
#map = affine_map<(d0, d1) -> (0, 0, 0, 0)>
#map1 = affine_map<(d0, d1) -> (0, 0)>
#map2 = affine_map<(d0, d1) -> (0, 0, 0, 0, 0)>
module attributes {stable_mosaic.version = 14 : i64} {
  func.func @_embedding_gather(%arg0: i32, %arg1: i32, %arg2: memref<25x32x8x128xi32, #tpu.memory_space<hbm>>, %arg3: memref<200000x64xf32, #tpu.memory_space<hbm>>, %arg4: memref<200x8x32x8x128xf32, #tpu.memory_space<hbm>>, %arg5: memref<25x8x128xi32, #tpu.memory_space<vmem>>, %arg6: memref<128x64xf32, #tpu.memory_space<vmem>>, %arg7: memref<128x64xf32, #tpu.memory_space<vmem>>, %arg8: memref<8x8x128xf32, #tpu.memory_space<vmem>>, %arg9: memref<8x8x128xf32, #tpu.memory_space<vmem>>, %arg10: memref<!tpu.dma_semaphore, #tpu.memory_space<semaphore_mem>>, %arg11: memref<!tpu.dma_semaphore, #tpu.memory_space<semaphore_mem>>, %arg12: memref<!tpu.dma_semaphore, #tpu.memory_space<semaphore_mem>>, %arg13: memref<!tpu.dma_semaphore, #tpu.memory_space<semaphore_mem>>) attributes {dimension_semantics = [#tpu.dimension_semantics<core_parallel>, #tpu.dimension_semantics<subcore_parallel>], iteration_bounds = array<i64: 2, 16>, scalar_prefetch = 0 : i64, scratch_operands = 9 : i64, tpu.core_type = #tpu.core_type<sc_vector_subcore>, window_params = [{transform_indices = #map}, {transform_indices = #map1}, {transform_indices = #map2}]} {
    %mul3A = arith.constant 2 : i32
    %mul3A_0 = arith.muli %arg1, %mul3A : i32
    %add3A = arith.addi %mul3A_0, %arg0 : i32
    "tpu.region"() ({
      %run_scoped3A = tpu.sem_alloc : memref<!tpu.dma_semaphore, #tpu.memory_space<semaphore_mem>>
      %dma_start3A_139 = arith.constant 0 : i32
      %dma_start3A_140 = arith.constant 0 : i32
      %dma_start3A_141 = arith.constant 0 : i32
      %dma_start3A_142 = tpu.memref_slice %arg2[%dma_start3A_139, %add3A, %dma_start3A_140, %dma_start3A_141] : memref<25x32x8x128xi32, #tpu.memory_space<hbm>> -> memref<25x1x8x128xi32, #tpu.memory_space<hbm>>
      %dma_start3A_143 = tpu.memref_squeeze %dma_start3A_142 : memref<25x1x8x128xi32, #tpu.memory_space<hbm>> -> memref<25x8x128xi32, #tpu.memory_space<hbm>>
      %dma_start3A_144 = arith.constant 0 : i32
      %dma_start3A_145 = arith.constant 0 : i32
      %dma_start3A_146 = arith.constant 0 : i32
      %dma_start3A_147 = tpu.memref_slice %arg2[%dma_start3A_144, %add3A, %dma_start3A_145, %dma_start3A_146] : memref<25x32x8x128xi32, #tpu.memory_space<hbm>> -> memref<25x1x8x128xi32, #tpu.memory_space<hbm>>
      %dma_start3A_148 = tpu.memref_squeeze %dma_start3A_147 : memref<25x1x8x128xi32, #tpu.memory_space<hbm>> -> memref<25x8x128xi32, #tpu.memory_space<hbm>>
      tpu.enqueue_dma source(%dma_start3A_148 : memref<25x8x128xi32, #tpu.memory_space<hbm>>) target(%arg5 : memref<25x8x128xi32, #tpu.memory_space<vmem>>) target_semaphore(%run_scoped3A : memref<!tpu.dma_semaphore, #tpu.memory_space<semaphore_mem>>)
      %dma_wait3A_149 = arith.constant 0 : i32
      %dma_wait3A_150 = arith.constant 0 : i32
      %dma_wait3A_151 = arith.constant 0 : i32
      %dma_wait3A_152 = tpu.memref_slice %arg2[%dma_wait3A_149, %add3A, %dma_wait3A_150, %dma_wait3A_151] : memref<25x32x8x128xi32, #tpu.memory_space<hbm>> -> memref<25x1x8x128xi32, #tpu.memory_space<hbm>>
      %dma_wait3A_153 = tpu.memref_squeeze %dma_wait3A_152 : memref<25x1x8x128xi32, #tpu.memory_space<hbm>> -> memref<25x8x128xi32, #tpu.memory_space<hbm>>
      %dma_wait3A_154 = arith.constant 0 : i32
      %dma_wait3A_155 = arith.constant 0 : i32
      %dma_wait3A_156 = arith.constant 0 : i32
      %dma_wait3A_157 = tpu.memref_slice %arg2[%dma_wait3A_154, %add3A, %dma_wait3A_155, %dma_wait3A_156] : memref<25x32x8x128xi32, #tpu.memory_space<hbm>> -> memref<25x1x8x128xi32, #tpu.memory_space<hbm>>
      %dma_wait3A_158 = tpu.memref_squeeze %dma_wait3A_157 : memref<25x1x8x128xi32, #tpu.memory_space<hbm>> -> memref<25x8x128xi32, #tpu.memory_space<hbm>>
      tpu.wait_dma2 semaphore(%run_scoped3A : memref<!tpu.dma_semaphore, #tpu.memory_space<semaphore_mem>>) src(%dma_wait3A_158 : memref<25x8x128xi32, #tpu.memory_space<hbm>>) dst(%arg5 : memref<25x8x128xi32, #tpu.memory_space<vmem>>)
      tpu.yield
    }) : () -> ()
    %parallel_loop3A = arith.constant 0 : i32
    %parallel_loop3A_1 = arith.constant 200 : i32
    %parallel_loop3A_2 = arith.constant 1 : i32
    scf.for %parallel_loop3A_139 = %parallel_loop3A to %parallel_loop3A_1 step %parallel_loop3A_2  : i32 {
      %parallel_loop3A_140 = arith.constant 3 : i32
      %parallel_loop3A_141 = arith.shrsi %parallel_loop3A_139, %parallel_loop3A_140 : i32
      %parallel_loop3A_142 = arith.constant 7 : i32
      %parallel_loop3A_143 = arith.andi %parallel_loop3A_139, %parallel_loop3A_142 : i32
      %parallel_loop3A_144 = arith.index_cast %parallel_loop3A_141 : i32 to index
      %parallel_loop3A_145 = arith.index_cast %parallel_loop3A_143 : i32 to index
      %parallel_loop3A_146 = arith.constant 0 : index
      %parallel_loop3A_147 = tpu.vector_load %arg5[%parallel_loop3A_144, %parallel_loop3A_145, %parallel_loop3A_146] {strides = array<i32>} : memref<25x8x128xi32, #tpu.memory_space<vmem>>, vector<16xi32>,
      %parallel_loop3A_148 = arith.addi %parallel_loop3A_147, %parallel_loop3A_147 : vector<16xi32>
      %parallel_loop3A_149 = arith.index_cast %parallel_loop3A_141 : i32 to index
      %parallel_loop3A_150 = arith.index_cast %parallel_loop3A_143 : i32 to index
      %parallel_loop3A_151 = arith.constant 0 : index
      %parallel_loop3A_152 = tpu.vector_load %arg5[%parallel_loop3A_149, %parallel_loop3A_150, %parallel_loop3A_151] {strides = array<i32>} : memref<25x8x128xi32, #tpu.memory_space<vmem>>, vector<16xi32>,
      tpu.vector_store %arg5[%parallel_loop3A_149, %parallel_loop3A_150, %parallel_loop3A_151], %parallel_loop3A_148 {strides = array<i32>} : memref<25x8x128xi32, #tpu.memory_space<vmem>>, vector<16xi32>,
      %parallel_loop3A_153 = arith.index_cast %parallel_loop3A_141 : i32 to index
      %parallel_loop3A_154 = arith.index_cast %parallel_loop3A_143 : i32 to index
      %parallel_loop3A_155 = arith.constant 16 : index
      %parallel_loop3A_156 = tpu.vector_load %arg5[%parallel_loop3A_153, %parallel_loop3A_154, %parallel_loop3A_155] {strides = array<i32>} : memref<25x8x128xi32, #tpu.memory_space<vmem>>, vector<16xi32>,
      %parallel_loop3A_157 = arith.addi %parallel_loop3A_156, %parallel_loop3A_156 : vector<16xi32>
      %parallel_loop3A_158 = arith.index_cast %parallel_loop3A_141 : i32 to index
      %parallel_loop3A_159 = arith.index_cast %parallel_loop3A_143 : i32 to index
      %parallel_loop3A_160 = arith.constant 16 : index
      %parallel_loop3A_161 = tpu.vector_load %arg5[%parallel_loop3A_158, %parallel_loop3A_159, %parallel_loop3A_160] {strides = array<i32>} : memref<25x8x128xi32, #tpu.memory_space<vmem>>, vector<16xi32>,
      tpu.vector_store %arg5[%parallel_loop3A_158, %parallel_loop3A_159, %parallel_loop3A_160], %parallel_loop3A_157 {strides = array<i32>} : memref<25x8x128xi32, #tpu.memory_space<vmem>>, vector<16xi32>,
      %parallel_loop3A_162 = arith.index_cast %parallel_loop3A_141 : i32 to index
      %parallel_loop3A_163 = arith.index_cast %parallel_loop3A_143 : i32 to index
      %parallel_loop3A_164 = arith.constant 32 : index
      %parallel_loop3A_165 = tpu.vector_load %arg5[%parallel_loop3A_162, %parallel_loop3A_163, %parallel_loop3A_164] {strides = array<i32>} : memref<25x8x128xi32, #tpu.memory_space<vmem>>, vector<16xi32>,
      %parallel_loop3A_166 = arith.addi %parallel_loop3A_165, %parallel_loop3A_165 : vector<16xi32>
      %parallel_loop3A_167 = arith.index_cast %parallel_loop3A_141 : i32 to index
      %parallel_loop3A_168 = arith.index_cast %parallel_loop3A_143 : i32 to index
      %parallel_loop3A_169 = arith.constant 32 : index
      %parallel_loop3A_170 = tpu.vector_load %arg5[%parallel_loop3A_167, %parallel_loop3A_168, %parallel_loop3A_169] {strides = array<i32>} : memref<25x8x128xi32, #tpu.memory_space<vmem>>, vector<16xi32>,
      tpu.vector_store %arg5[%parallel_loop3A_167, %parallel_loop3A_168, %parallel_loop3A_169], %parallel_loop3A_166 {strides = array<i32>} : memref<25x8x128xi32, #tpu.memory_space<vmem>>, vector<16xi32>,
      %parallel_loop3A_171 = arith.index_cast %parallel_loop3A_141 : i32 to index
      %parallel_loop3A_172 = arith.index_cast %parallel_loop3A_143 : i32 to index
      %parallel_loop3A_173 = arith.constant 48 : index
      %parallel_loop3A_174 = tpu.vector_load %arg5[%parallel_loop3A_171, %parallel_loop3A_172, %parallel_loop3A_173] {strides = array<i32>} : memref<25x8x128xi32, #tpu.memory_space<vmem>>, vector<16xi32>,
      %parallel_loop3A_175 = arith.addi %parallel_loop3A_174, %parallel_loop3A_174 : vector<16xi32>
      %parallel_loop3A_176 = arith.index_cast %parallel_loop3A_141 : i32 to index
      %parallel_loop3A_177 = arith.index_cast %parallel_loop3A_143 : i32 to index
      %parallel_loop3A_178 = arith.constant 48 : index
      %parallel_loop3A_179 = tpu.vector_load %arg5[%parallel_loop3A_176, %parallel_loop3A_177, %parallel_loop3A_178] {strides = array<i32>} : memref<25x8x128xi32, #tpu.memory_space<vmem>>, vector<16xi32>,
      tpu.vector_store %arg5[%parallel_loop3A_176, %parallel_loop3A_177, %parallel_loop3A_178], %parallel_loop3A_175 {strides = array<i32>} : memref<25x8x128xi32, #tpu.memory_space<vmem>>, vector<16xi32>,
      %parallel_loop3A_180 = arith.index_cast %parallel_loop3A_141 : i32 to index
      %parallel_loop3A_181 = arith.index_cast %parallel_loop3A_143 : i32 to index
      %parallel_loop3A_182 = arith.constant 64 : index
      %parallel_loop3A_183 = tpu.vector_load %arg5[%parallel_loop3A_180, %parallel_loop3A_181, %parallel_loop3A_182] {strides = array<i32>} : memref<25x8x128xi32, #tpu.memory_space<vmem>>, vector<16xi32>,
      %parallel_loop3A_184 = arith.addi %parallel_loop3A_183, %parallel_loop3A_183 : vector<16xi32>
      %parallel_loop3A_185 = arith.index_cast %parallel_loop3A_141 : i32 to index
      %parallel_loop3A_186 = arith.index_cast %parallel_loop3A_143 : i32 to index
      %parallel_loop3A_187 = arith.constant 64 : index
      %parallel_loop3A_188 = tpu.vector_load %arg5[%parallel_loop3A_185, %parallel_loop3A_186, %parallel_loop3A_187] {strides = array<i32>} : memref<25x8x128xi32, #tpu.memory_space<vmem>>, vector<16xi32>,
      tpu.vector_store %arg5[%parallel_loop3A_185, %parallel_loop3A_186, %parallel_loop3A_187], %parallel_loop3A_184 {strides = array<i32>} : memref<25x8x128xi32, #tpu.memory_space<vmem>>, vector<16xi32>,
      %parallel_loop3A_189 = arith.index_cast %parallel_loop3A_141 : i32 to index
      %parallel_loop3A_190 = arith.index_cast %parallel_loop3A_143 : i32 to index
      %parallel_loop3A_191 = arith.constant 80 : index
      %parallel_loop3A_192 = tpu.vector_load %arg5[%parallel_loop3A_189, %parallel_loop3A_190, %parallel_loop3A_191] {strides = array<i32>} : memref<25x8x128xi32, #tpu.memory_space<vmem>>, vector<16xi32>,
      %parallel_loop3A_193 = arith.addi %parallel_loop3A_192, %parallel_loop3A_192 : vector<16xi32>
      %parallel_loop3A_194 = arith.index_cast %parallel_loop3A_141 : i32 to index
      %parallel_loop3A_195 = arith.index_cast %parallel_loop3A_143 : i32 to index
      %parallel_loop3A_196 = arith.constant 80 : index
      %parallel_loop3A_197 = tpu.vector_load %arg5[%parallel_loop3A_194, %parallel_loop3A_195, %parallel_loop3A_196] {strides = array<i32>} : memref<25x8x128xi32, #tpu.memory_space<vmem>>, vector<16xi32>,
      tpu.vector_store %arg5[%parallel_loop3A_194, %parallel_loop3A_195, %parallel_loop3A_196], %parallel_loop3A_193 {strides = array<i32>} : memref<25x8x128xi32, #tpu.memory_space<vmem>>, vector<16xi32>,
      %parallel_loop3A_198 = arith.index_cast %parallel_loop3A_141 : i32 to index
      %parallel_loop3A_199 = arith.index_cast %parallel_loop3A_143 : i32 to index
      %parallel_loop3A_200 = arith.constant 96 : index
      %parallel_loop3A_201 = tpu.vector_load %arg5[%parallel_loop3A_198, %parallel_loop3A_199, %parallel_loop3A_200] {strides = array<i32>} : memref<25x8x128xi32, #tpu.memory_space<vmem>>, vector<16xi32>,
      %parallel_loop3A_202 = arith.addi %parallel_loop3A_201, %parallel_loop3A_201 : vector<16xi32>
      %parallel_loop3A_203 = arith.index_cast %parallel_loop3A_141 : i32 to index
      %parallel_loop3A_204 = arith.index_cast %parallel_loop3A_143 : i32 to index
      %parallel_loop3A_205 = arith.constant 96 : index
      %parallel_loop3A_206 = tpu.vector_load %arg5[%parallel_loop3A_203, %parallel_loop3A_204, %parallel_loop3A_205] {strides = array<i32>} : memref<25x8x128xi32, #tpu.memory_space<vmem>>, vector<16xi32>,
      tpu.vector_store %arg5[%parallel_loop3A_203, %parallel_loop3A_204, %parallel_loop3A_205], %parallel_loop3A_202 {strides = array<i32>} : memref<25x8x128xi32, #tpu.memory_space<vmem>>, vector<16xi32>,
      %parallel_loop3A_207 = arith.index_cast %parallel_loop3A_141 : i32 to index
      %parallel_loop3A_208 = arith.index_cast %parallel_loop3A_143 : i32 to index
      %parallel_loop3A_209 = arith.constant 112 : index
      %parallel_loop3A_210 = tpu.vector_load %arg5[%parallel_loop3A_207, %parallel_loop3A_208, %parallel_loop3A_209] {strides = array<i32>} : memref<25x8x128xi32, #tpu.memory_space<vmem>>, vector<16xi32>,
      %parallel_loop3A_211 = arith.addi %parallel_loop3A_210, %parallel_loop3A_210 : vector<16xi32>
      %parallel_loop3A_212 = arith.index_cast %parallel_loop3A_141 : i32 to index
      %parallel_loop3A_213 = arith.index_cast %parallel_loop3A_143 : i32 to index
      %parallel_loop3A_214 = arith.constant 112 : index
      %parallel_loop3A_215 = tpu.vector_load %arg5[%parallel_loop3A_212, %parallel_loop3A_213, %parallel_loop3A_214] {strides = array<i32>} : memref<25x8x128xi32, #tpu.memory_space<vmem>>, vector<16xi32>,
      tpu.vector_store %arg5[%parallel_loop3A_212, %parallel_loop3A_213, %parallel_loop3A_214], %parallel_loop3A_211 {strides = array<i32>} : memref<25x8x128xi32, #tpu.memory_space<vmem>>, vector<16xi32>,
    } {sc.loop_unroll_factor = 4 : i64, sc.parallel_access}
    %iota3A = tpu.iota {dimensions = array<i32: 0>} : vector<16xi32>
    %add3A_3 = arith.constant 0 : i32
    %add3A_4 = vector.broadcast %add3A_3 : i32 to vector<16xi32>
    %add3A_5 = arith.addi %iota3A, %add3A_4 : vector<16xi32>
    %and3A = arith.constant 15 : i32
    %and3A_6 = vector.broadcast %and3A : i32 to vector<16xi32>
    %and3A_7 = arith.andi %add3A_5, %and3A_6 : vector<16xi32>
    %add3A_8 = arith.constant 1 : i32
    %add3A_9 = vector.broadcast %add3A_8 : i32 to vector<16xi32>
    %add3A_10 = arith.addi %iota3A, %add3A_9 : vector<16xi32>
    %and3A_11 = arith.constant 15 : i32
    %and3A_12 = vector.broadcast %and3A_11 : i32 to vector<16xi32>
    %and3A_13 = arith.andi %add3A_10, %and3A_12 : vector<16xi32>
    %add3A_14 = arith.constant 2 : i32
    %add3A_15 = vector.broadcast %add3A_14 : i32 to vector<16xi32>
    %add3A_16 = arith.addi %iota3A, %add3A_15 : vector<16xi32>
    %and3A_17 = arith.constant 15 : i32
    %and3A_18 = vector.broadcast %and3A_17 : i32 to vector<16xi32>
    %and3A_19 = arith.andi %add3A_16, %and3A_18 : vector<16xi32>
    %add3A_20 = arith.constant 3 : i32
    %add3A_21 = vector.broadcast %add3A_20 : i32 to vector<16xi32>
    %add3A_22 = arith.addi %iota3A, %add3A_21 : vector<16xi32>
    %and3A_23 = arith.constant 15 : i32
    %and3A_24 = vector.broadcast %and3A_23 : i32 to vector<16xi32>
    %and3A_25 = arith.andi %add3A_22, %and3A_24 : vector<16xi32>
    %add3A_26 = arith.constant 4 : i32
    %add3A_27 = vector.broadcast %add3A_26 : i32 to vector<16xi32>
    %add3A_28 = arith.addi %iota3A, %add3A_27 : vector<16xi32>
    %and3A_29 = arith.constant 15 : i32
    %and3A_30 = vector.broadcast %and3A_29 : i32 to vector<16xi32>
    %and3A_31 = arith.andi %add3A_28, %and3A_30 : vector<16xi32>
    %add3A_32 = arith.constant 5 : i32
    %add3A_33 = vector.broadcast %add3A_32 : i32 to vector<16xi32>
    %add3A_34 = arith.addi %iota3A, %add3A_33 : vector<16xi32>
    %and3A_35 = arith.constant 15 : i32
    %and3A_36 = vector.broadcast %and3A_35 : i32 to vector<16xi32>
    %and3A_37 = arith.andi %add3A_34, %and3A_36 : vector<16xi32>
    %add3A_38 = arith.constant 6 : i32
    %add3A_39 = vector.broadcast %add3A_38 : i32 to vector<16xi32>
    %add3A_40 = arith.addi %iota3A, %add3A_39 : vector<16xi32>
    %and3A_41 = arith.constant 15 : i32
    %and3A_42 = vector.broadcast %and3A_41 : i32 to vector<16xi32>
    %and3A_43 = arith.andi %add3A_40, %and3A_42 : vector<16xi32>
    %add3A_44 = arith.constant 7 : i32
    %add3A_45 = vector.broadcast %add3A_44 : i32 to vector<16xi32>
    %add3A_46 = arith.addi %iota3A, %add3A_45 : vector<16xi32>
    %and3A_47 = arith.constant 15 : i32
    %and3A_48 = vector.broadcast %and3A_47 : i32 to vector<16xi32>
    %and3A_49 = arith.andi %add3A_46, %and3A_48 : vector<16xi32>
    %add3A_50 = arith.constant 8 : i32
    %add3A_51 = vector.broadcast %add3A_50 : i32 to vector<16xi32>
    %add3A_52 = arith.addi %iota3A, %add3A_51 : vector<16xi32>
    %and3A_53 = arith.constant 15 : i32
    %and3A_54 = vector.broadcast %and3A_53 : i32 to vector<16xi32>
    %and3A_55 = arith.andi %add3A_52, %and3A_54 : vector<16xi32>
    %add3A_56 = arith.constant 9 : i32
    %add3A_57 = vector.broadcast %add3A_56 : i32 to vector<16xi32>
    %add3A_58 = arith.addi %iota3A, %add3A_57 : vector<16xi32>
    %and3A_59 = arith.constant 15 : i32
    %and3A_60 = vector.broadcast %and3A_59 : i32 to vector<16xi32>
    %and3A_61 = arith.andi %add3A_58, %and3A_60 : vector<16xi32>
    %add3A_62 = arith.constant 10 : i32
    %add3A_63 = vector.broadcast %add3A_62 : i32 to vector<16xi32>
    %add3A_64 = arith.addi %iota3A, %add3A_63 : vector<16xi32>
    %and3A_65 = arith.constant 15 : i32
    %and3A_66 = vector.broadcast %and3A_65 : i32 to vector<16xi32>
    %and3A_67 = arith.andi %add3A_64, %and3A_66 : vector<16xi32>
    %add3A_68 = arith.constant 11 : i32
    %add3A_69 = vector.broadcast %add3A_68 : i32 to vector<16xi32>
    %add3A_70 = arith.addi %iota3A, %add3A_69 : vector<16xi32>
    %and3A_71 = arith.constant 15 : i32
    %and3A_72 = vector.broadcast %and3A_71 : i32 to vector<16xi32>
    %and3A_73 = arith.andi %add3A_70, %and3A_72 : vector<16xi32>
    %add3A_74 = arith.constant 12 : i32
    %add3A_75 = vector.broadcast %add3A_74 : i32 to vector<16xi32>
    %add3A_76 = arith.addi %iota3A, %add3A_75 : vector<16xi32>
    %and3A_77 = arith.constant 15 : i32
    %and3A_78 = vector.broadcast %and3A_77 : i32 to vector<16xi32>
    %and3A_79 = arith.andi %add3A_76, %and3A_78 : vector<16xi32>
    %add3A_80 = arith.constant 13 : i32
    %add3A_81 = vector.broadcast %add3A_80 : i32 to vector<16xi32>
    %add3A_82 = arith.addi %iota3A, %add3A_81 : vector<16xi32>
    %and3A_83 = arith.constant 15 : i32
    %and3A_84 = vector.broadcast %and3A_83 : i32 to vector<16xi32>
    %and3A_85 = arith.andi %add3A_82, %and3A_84 : vector<16xi32>
    %add3A_86 = arith.constant 14 : i32
    %add3A_87 = vector.broadcast %add3A_86 : i32 to vector<16xi32>
    %add3A_88 = arith.addi %iota3A, %add3A_87 : vector<16xi32>
    %and3A_89 = arith.constant 15 : i32
    %and3A_90 = vector.broadcast %and3A_89 : i32 to vector<16xi32>
    %and3A_91 = arith.andi %add3A_88, %and3A_90 : vector<16xi32>
    %add3A_92 = arith.constant 15 : i32
    %add3A_93 = vector.broadcast %add3A_92 : i32 to vector<16xi32>
    %add3A_94 = arith.addi %iota3A, %add3A_93 : vector<16xi32>
    %and3A_95 = arith.constant 15 : i32
    %and3A_96 = vector.broadcast %and3A_95 : i32 to vector<16xi32>
    %and3A_97 = arith.andi %add3A_94, %and3A_96 : vector<16xi32>
    %dma_start3A = arith.constant 0 : i32
    %dma_start3A_98 = arith.constant 0 : i32
    %dma_start3A_99 = arith.constant 0 : i32
    %dma_start3A_100 = tpu.memref_slice %arg5[%dma_start3A, %dma_start3A_98, %dma_start3A_99] : memref<25x8x128xi32, #tpu.memory_space<vmem>> -> memref<1x1x128xi32, #tpu.memory_space<vmem>>
    %dma_start3A_101 = tpu.memref_squeeze %dma_start3A_100 : memref<1x1x128xi32, #tpu.memory_space<vmem>> -> memref<128xi32, #tpu.memory_space<vmem>>
    %dma_start3A_102 = arith.constant 0 : i32
    %dma_start3A_103 = arith.constant 0 : i32
    %dma_start3A_104 = tpu.memref_slice %arg3[%dma_start3A_102, %dma_start3A_103] : memref<200000x64xf32, #tpu.memory_space<hbm>> -> memref<200000x64xf32, #tpu.memory_space<hbm>>
    tpu.enqueue_indirect_dma source(%dma_start3A_104 : memref<200000x64xf32, #tpu.memory_space<hbm>>) target(%arg6 : memref<128x64xf32, #tpu.memory_space<vmem>>) offsets(%dma_start3A_101 : memref<128xi32, #tpu.memory_space<vmem>>) semaphore(%arg10 : memref<!tpu.dma_semaphore, #tpu.memory_space<semaphore_mem>>)
    %dma_start3A_105 = arith.constant 0 : i32
    %dma_start3A_106 = arith.constant 1 : i32
    %dma_start3A_107 = arith.constant 0 : i32
    %dma_start3A_108 = tpu.memref_slice %arg5[%dma_start3A_105, %dma_start3A_106, %dma_start3A_107] : memref<25x8x128xi32, #tpu.memory_space<vmem>> -> memref<1x1x128xi32, #tpu.memory_space<vmem>>
    %dma_start3A_109 = tpu.memref_squeeze %dma_start3A_108 : memref<1x1x128xi32, #tpu.memory_space<vmem>> -> memref<128xi32, #tpu.memory_space<vmem>>
    %dma_start3A_110 = arith.constant 0 : i32
    %dma_start3A_111 = arith.constant 0 : i32
    %dma_start3A_112 = tpu.memref_slice %arg3[%dma_start3A_110, %dma_start3A_111] : memref<200000x64xf32, #tpu.memory_space<hbm>> -> memref<200000x64xf32, #tpu.memory_space<hbm>>
    tpu.enqueue_indirect_dma source(%dma_start3A_112 : memref<200000x64xf32, #tpu.memory_space<hbm>>) target(%arg7 : memref<128x64xf32, #tpu.memory_space<vmem>>) offsets(%dma_start3A_109 : memref<128xi32, #tpu.memory_space<vmem>>) semaphore(%arg11 : memref<!tpu.dma_semaphore, #tpu.memory_space<semaphore_mem>>)
    %scan3A = arith.constant 0 : i32
    %scan3A_113 = arith.constant 0 : i32
    %scan3A_114 = arith.constant 100 : i32
    %scan3A_115 = arith.addi %scan3A_113, %scan3A_114 : i32
    %scan3A_116 = arith.constant 1 : i32
    scf.for %scan3A_139 = %scan3A_113 to %scan3A_115 step %scan3A_116  : i32 {
      %mul3A_140 = arith.constant 2 : i32
      %mul3A_141 = arith.muli %mul3A_140, %scan3A_139 : i32
      %shift_right_arithmetic3A = arith.constant 3 : i32
      %shift_right_arithmetic3A_142 = arith.shrsi %mul3A_141, %shift_right_arithmetic3A : i32
      %and3A_143 = arith.constant 7 : i32
      %and3A_144 = arith.andi %mul3A_141, %and3A_143 : i32
      %dma_wait3A_145 = arith.constant 0 : i32
      %dma_wait3A_146 = tpu.memref_slice %arg5[%shift_right_arithmetic3A_142, %and3A_144, %dma_wait3A_145] : memref<25x8x128xi32, #tpu.memory_space<vmem>> -> memref<1x1x128xi32, #tpu.memory_space<vmem>>
      %dma_wait3A_147 = tpu.memref_squeeze %dma_wait3A_146 : memref<1x1x128xi32, #tpu.memory_space<vmem>> -> memref<128xi32, #tpu.memory_space<vmem>>
      %dma_wait3A_148 = arith.constant 0 : i32
      %dma_wait3A_149 = arith.constant 0 : i32
      %dma_wait3A_150 = tpu.memref_slice %arg3[%dma_wait3A_148, %dma_wait3A_149] : memref<200000x64xf32, #tpu.memory_space<hbm>> -> memref<200000x64xf32, #tpu.memory_space<hbm>>
      tpu.wait_indirect_dma semaphore(%arg10 : memref<!tpu.dma_semaphore, #tpu.memory_space<semaphore_mem>>) src(%dma_wait3A_150 : memref<200000x64xf32, #tpu.memory_space<hbm>>) dst(%arg6 : memref<128x64xf32, #tpu.memory_space<vmem>>)
      %gt3A = arith.constant 0 : i32
      %gt3A_151 = arith.cmpi sgt, %scan3A_139, %gt3A : i32
      %convert_element_type3A = arith.extui %gt3A_151 : i1 to i32
      %cond3A = arith.constant 0 : i32
      %cond3A_152 = arith.cmpi ne, %convert_element_type3A, %cond3A : i32
      scf.if %cond3A_152 {
        %sub3A = arith.constant 2 : i32
        %sub3A_211 = arith.subi %mul3A_141, %sub3A : i32
        %dma_wait3A_212 = arith.constant 0 : i32
        %dma_wait3A_213 = arith.constant 0 : i32
        %dma_wait3A_214 = arith.constant 0 : i32
        %dma_wait3A_215 = tpu.memref_slice %arg4[%sub3A_211, %dma_wait3A_212, %add3A, %dma_wait3A_213, %dma_wait3A_214] : memref<200x8x32x8x128xf32, #tpu.memory_space<hbm>> -> memref<1x8x1x8x128xf32, #tpu.memory_space<hbm>>
        %dma_wait3A_216 = tpu.memref_squeeze %dma_wait3A_215 : memref<1x8x1x8x128xf32, #tpu.memory_space<hbm>> -> memref<8x8x128xf32, #tpu.memory_space<hbm>>
        %dma_wait3A_217 = arith.constant 0 : i32
        %dma_wait3A_218 = arith.constant 0 : i32
        %dma_wait3A_219 = arith.constant 0 : i32
        %dma_wait3A_220 = tpu.memref_slice %arg4[%sub3A_211, %dma_wait3A_217, %add3A, %dma_wait3A_218, %dma_wait3A_219] : memref<200x8x32x8x128xf32, #tpu.memory_space<hbm>> -> memref<1x8x1x8x128xf32, #tpu.memory_space<hbm>>
        %dma_wait3A_221 = tpu.memref_squeeze %dma_wait3A_220 : memref<1x8x1x8x128xf32, #tpu.memory_space<hbm>> -> memref<8x8x128xf32, #tpu.memory_space<hbm>>
        tpu.wait_dma2 semaphore(%arg12 : memref<!tpu.dma_semaphore, #tpu.memory_space<semaphore_mem>>) src(%arg8 : memref<8x8x128xf32, #tpu.memory_space<vmem>>) dst(%dma_wait3A_221 : memref<8x8x128xf32, #tpu.memory_space<hbm>>)
      } else {
      }
      %parallel_loop3A_153 = arith.constant 0 : i32
      %parallel_loop3A_154 = arith.constant 32 : i32
      %parallel_loop3A_155 = arith.constant 1 : i32
      scf.for %parallel_loop3A_211 = %parallel_loop3A_153 to %parallel_loop3A_154 step %parallel_loop3A_155  : i32 {
        %parallel_loop3A_212 = arith.constant 3 : i32
        %parallel_loop3A_213 = arith.shrsi %parallel_loop3A_211, %parallel_loop3A_212 : i32
        %parallel_loop3A_214 = arith.constant 7 : i32
        %parallel_loop3A_215 = arith.andi %parallel_loop3A_211, %parallel_loop3A_214 : i32
        %parallel_loop3A_216 = arith.constant 16 : i32
        %parallel_loop3A_217 = arith.muli %parallel_loop3A_215, %parallel_loop3A_216 : i32
        %parallel_loop3A_218 = vector.broadcast %parallel_loop3A_217 : i32 to vector<16xi32>
        %parallel_loop3A_219 = arith.addi %iota3A, %parallel_loop3A_218 : vector<16xi32>
        %parallel_loop3A_220 = arith.constant 16 : i32
        %parallel_loop3A_221 = arith.muli %parallel_loop3A_213, %parallel_loop3A_220 : i32
        %parallel_loop3A_222 = vector.broadcast %parallel_loop3A_221 : i32 to vector<16xi32>
        %parallel_loop3A_223 = arith.addi %and3A_7, %parallel_loop3A_222 : vector<16xi32>
        %parallel_loop3A_224 = tpu.vector_load_idx %arg6[%parallel_loop3A_219, %parallel_loop3A_223] : memref<128x64xf32, #tpu.memory_space<vmem>>[vector<16xi32>, vector<16xi32>], vector<16xf32>,
        %parallel_loop3A_225 = arith.constant 3 : i32
        %parallel_loop3A_226 = vector.broadcast %parallel_loop3A_225 : i32 to vector<16xi32>
        %parallel_loop3A_227 = arith.shrsi %parallel_loop3A_223, %parallel_loop3A_226 : vector<16xi32>
        %parallel_loop3A_228 = arith.constant 7 : i32
        %parallel_loop3A_229 = vector.broadcast %parallel_loop3A_228 : i32 to vector<16xi32>
        %parallel_loop3A_230 = arith.andi %parallel_loop3A_223, %parallel_loop3A_229 : vector<16xi32>
        tpu.vector_store_idx %arg8[%parallel_loop3A_227, %parallel_loop3A_230, %parallel_loop3A_219], %parallel_loop3A_224 : memref<8x8x128xf32, #tpu.memory_space<vmem>>[vector<16xi32>, vector<16xi32>, vector<16xi32>], vector<16xf32>,
        %parallel_loop3A_231 = vector.broadcast %parallel_loop3A_221 : i32 to vector<16xi32>
        %parallel_loop3A_232 = arith.addi %and3A_13, %parallel_loop3A_231 : vector<16xi32>
        %parallel_loop3A_233 = tpu.vector_load_idx %arg6[%parallel_loop3A_219, %parallel_loop3A_232] : memref<128x64xf32, #tpu.memory_space<vmem>>[vector<16xi32>, vector<16xi32>], vector<16xf32>,
        %parallel_loop3A_234 = arith.constant 3 : i32
        %parallel_loop3A_235 = vector.broadcast %parallel_loop3A_234 : i32 to vector<16xi32>
        %parallel_loop3A_236 = arith.shrsi %parallel_loop3A_232, %parallel_loop3A_235 : vector<16xi32>
        %parallel_loop3A_237 = arith.constant 7 : i32
        %parallel_loop3A_238 = vector.broadcast %parallel_loop3A_237 : i32 to vector<16xi32>
        %parallel_loop3A_239 = arith.andi %parallel_loop3A_232, %parallel_loop3A_238 : vector<16xi32>
        tpu.vector_store_idx %arg8[%parallel_loop3A_236, %parallel_loop3A_239, %parallel_loop3A_219], %parallel_loop3A_233 : memref<8x8x128xf32, #tpu.memory_space<vmem>>[vector<16xi32>, vector<16xi32>, vector<16xi32>], vector<16xf32>,
        %parallel_loop3A_240 = vector.broadcast %parallel_loop3A_221 : i32 to vector<16xi32>
        %parallel_loop3A_241 = arith.addi %and3A_19, %parallel_loop3A_240 : vector<16xi32>
        %parallel_loop3A_242 = tpu.vector_load_idx %arg6[%parallel_loop3A_219, %parallel_loop3A_241] : memref<128x64xf32, #tpu.memory_space<vmem>>[vector<16xi32>, vector<16xi32>], vector<16xf32>,
        %parallel_loop3A_243 = arith.constant 3 : i32
        %parallel_loop3A_244 = vector.broadcast %parallel_loop3A_243 : i32 to vector<16xi32>
        %parallel_loop3A_245 = arith.shrsi %parallel_loop3A_241, %parallel_loop3A_244 : vector<16xi32>
        %parallel_loop3A_246 = arith.constant 7 : i32
        %parallel_loop3A_247 = vector.broadcast %parallel_loop3A_246 : i32 to vector<16xi32>
        %parallel_loop3A_248 = arith.andi %parallel_loop3A_241, %parallel_loop3A_247 : vector<16xi32>
        tpu.vector_store_idx %arg8[%parallel_loop3A_245, %parallel_loop3A_248, %parallel_loop3A_219], %parallel_loop3A_242 : memref<8x8x128xf32, #tpu.memory_space<vmem>>[vector<16xi32>, vector<16xi32>, vector<16xi32>], vector<16xf32>,
        %parallel_loop3A_249 = vector.broadcast %parallel_loop3A_221 : i32 to vector<16xi32>
        %parallel_loop3A_250 = arith.addi %and3A_25, %parallel_loop3A_249 : vector<16xi32>
        %parallel_loop3A_251 = tpu.vector_load_idx %arg6[%parallel_loop3A_219, %parallel_loop3A_250] : memref<128x64xf32, #tpu.memory_space<vmem>>[vector<16xi32>, vector<16xi32>], vector<16xf32>,
        %parallel_loop3A_252 = arith.constant 3 : i32
        %parallel_loop3A_253 = vector.broadcast %parallel_loop3A_252 : i32 to vector<16xi32>
        %parallel_loop3A_254 = arith.shrsi %parallel_loop3A_250, %parallel_loop3A_253 : vector<16xi32>
        %parallel_loop3A_255 = arith.constant 7 : i32
        %parallel_loop3A_256 = vector.broadcast %parallel_loop3A_255 : i32 to vector<16xi32>
        %parallel_loop3A_257 = arith.andi %parallel_loop3A_250, %parallel_loop3A_256 : vector<16xi32>
        tpu.vector_store_idx %arg8[%parallel_loop3A_254, %parallel_loop3A_257, %parallel_loop3A_219], %parallel_loop3A_251 : memref<8x8x128xf32, #tpu.memory_space<vmem>>[vector<16xi32>, vector<16xi32>, vector<16xi32>], vector<16xf32>,
        %parallel_loop3A_258 = vector.broadcast %parallel_loop3A_221 : i32 to vector<16xi32>
        %parallel_loop3A_259 = arith.addi %and3A_31, %parallel_loop3A_258 : vector<16xi32>
        %parallel_loop3A_260 = tpu.vector_load_idx %arg6[%parallel_loop3A_219, %parallel_loop3A_259] : memref<128x64xf32, #tpu.memory_space<vmem>>[vector<16xi32>, vector<16xi32>], vector<16xf32>,
        %parallel_loop3A_261 = arith.constant 3 : i32
        %parallel_loop3A_262 = vector.broadcast %parallel_loop3A_261 : i32 to vector<16xi32>
        %parallel_loop3A_263 = arith.shrsi %parallel_loop3A_259, %parallel_loop3A_262 : vector<16xi32>
        %parallel_loop3A_264 = arith.constant 7 : i32
        %parallel_loop3A_265 = vector.broadcast %parallel_loop3A_264 : i32 to vector<16xi32>
        %parallel_loop3A_266 = arith.andi %parallel_loop3A_259, %parallel_loop3A_265 : vector<16xi32>
        tpu.vector_store_idx %arg8[%parallel_loop3A_263, %parallel_loop3A_266, %parallel_loop3A_219], %parallel_loop3A_260 : memref<8x8x128xf32, #tpu.memory_space<vmem>>[vector<16xi32>, vector<16xi32>, vector<16xi32>], vector<16xf32>,
        %parallel_loop3A_267 = vector.broadcast %parallel_loop3A_221 : i32 to vector<16xi32>
        %parallel_loop3A_268 = arith.addi %and3A_37, %parallel_loop3A_267 : vector<16xi32>
        %parallel_loop3A_269 = tpu.vector_load_idx %arg6[%parallel_loop3A_219, %parallel_loop3A_268] : memref<128x64xf32, #tpu.memory_space<vmem>>[vector<16xi32>, vector<16xi32>], vector<16xf32>,
        %parallel_loop3A_270 = arith.constant 3 : i32
        %parallel_loop3A_271 = vector.broadcast %parallel_loop3A_270 : i32 to vector<16xi32>
        %parallel_loop3A_272 = arith.shrsi %parallel_loop3A_268, %parallel_loop3A_271 : vector<16xi32>
        %parallel_loop3A_273 = arith.constant 7 : i32
        %parallel_loop3A_274 = vector.broadcast %parallel_loop3A_273 : i32 to vector<16xi32>
        %parallel_loop3A_275 = arith.andi %parallel_loop3A_268, %parallel_loop3A_274 : vector<16xi32>
        tpu.vector_store_idx %arg8[%parallel_loop3A_272, %parallel_loop3A_275, %parallel_loop3A_219], %parallel_loop3A_269 : memref<8x8x128xf32, #tpu.memory_space<vmem>>[vector<16xi32>, vector<16xi32>, vector<16xi32>], vector<16xf32>,
        %parallel_loop3A_276 = vector.broadcast %parallel_loop3A_221 : i32 to vector<16xi32>
        %parallel_loop3A_277 = arith.addi %and3A_43, %parallel_loop3A_276 : vector<16xi32>
        %parallel_loop3A_278 = tpu.vector_load_idx %arg6[%parallel_loop3A_219, %parallel_loop3A_277] : memref<128x64xf32, #tpu.memory_space<vmem>>[vector<16xi32>, vector<16xi32>], vector<16xf32>,
        %parallel_loop3A_279 = arith.constant 3 : i32
        %parallel_loop3A_280 = vector.broadcast %parallel_loop3A_279 : i32 to vector<16xi32>
        %parallel_loop3A_281 = arith.shrsi %parallel_loop3A_277, %parallel_loop3A_280 : vector<16xi32>
        %parallel_loop3A_282 = arith.constant 7 : i32
        %parallel_loop3A_283 = vector.broadcast %parallel_loop3A_282 : i32 to vector<16xi32>
        %parallel_loop3A_284 = arith.andi %parallel_loop3A_277, %parallel_loop3A_283 : vector<16xi32>
        tpu.vector_store_idx %arg8[%parallel_loop3A_281, %parallel_loop3A_284, %parallel_loop3A_219], %parallel_loop3A_278 : memref<8x8x128xf32, #tpu.memory_space<vmem>>[vector<16xi32>, vector<16xi32>, vector<16xi32>], vector<16xf32>,
        %parallel_loop3A_285 = vector.broadcast %parallel_loop3A_221 : i32 to vector<16xi32>
        %parallel_loop3A_286 = arith.addi %and3A_49, %parallel_loop3A_285 : vector<16xi32>
        %parallel_loop3A_287 = tpu.vector_load_idx %arg6[%parallel_loop3A_219, %parallel_loop3A_286] : memref<128x64xf32, #tpu.memory_space<vmem>>[vector<16xi32>, vector<16xi32>], vector<16xf32>,
        %parallel_loop3A_288 = arith.constant 3 : i32
        %parallel_loop3A_289 = vector.broadcast %parallel_loop3A_288 : i32 to vector<16xi32>
        %parallel_loop3A_290 = arith.shrsi %parallel_loop3A_286, %parallel_loop3A_289 : vector<16xi32>
        %parallel_loop3A_291 = arith.constant 7 : i32
        %parallel_loop3A_292 = vector.broadcast %parallel_loop3A_291 : i32 to vector<16xi32>
        %parallel_loop3A_293 = arith.andi %parallel_loop3A_286, %parallel_loop3A_292 : vector<16xi32>
        tpu.vector_store_idx %arg8[%parallel_loop3A_290, %parallel_loop3A_293, %parallel_loop3A_219], %parallel_loop3A_287 : memref<8x8x128xf32, #tpu.memory_space<vmem>>[vector<16xi32>, vector<16xi32>, vector<16xi32>], vector<16xf32>,
        %parallel_loop3A_294 = vector.broadcast %parallel_loop3A_221 : i32 to vector<16xi32>
        %parallel_loop3A_295 = arith.addi %and3A_55, %parallel_loop3A_294 : vector<16xi32>
        %parallel_loop3A_296 = tpu.vector_load_idx %arg6[%parallel_loop3A_219, %parallel_loop3A_295] : memref<128x64xf32, #tpu.memory_space<vmem>>[vector<16xi32>, vector<16xi32>], vector<16xf32>,
        %parallel_loop3A_297 = arith.constant 3 : i32
        %parallel_loop3A_298 = vector.broadcast %parallel_loop3A_297 : i32 to vector<16xi32>
        %parallel_loop3A_299 = arith.shrsi %parallel_loop3A_295, %parallel_loop3A_298 : vector<16xi32>
        %parallel_loop3A_300 = arith.constant 7 : i32
        %parallel_loop3A_301 = vector.broadcast %parallel_loop3A_300 : i32 to vector<16xi32>
        %parallel_loop3A_302 = arith.andi %parallel_loop3A_295, %parallel_loop3A_301 : vector<16xi32>
        tpu.vector_store_idx %arg8[%parallel_loop3A_299, %parallel_loop3A_302, %parallel_loop3A_219], %parallel_loop3A_296 : memref<8x8x128xf32, #tpu.memory_space<vmem>>[vector<16xi32>, vector<16xi32>, vector<16xi32>], vector<16xf32>,
        %parallel_loop3A_303 = vector.broadcast %parallel_loop3A_221 : i32 to vector<16xi32>
        %parallel_loop3A_304 = arith.addi %and3A_61, %parallel_loop3A_303 : vector<16xi32>
        %parallel_loop3A_305 = tpu.vector_load_idx %arg6[%parallel_loop3A_219, %parallel_loop3A_304] : memref<128x64xf32, #tpu.memory_space<vmem>>[vector<16xi32>, vector<16xi32>], vector<16xf32>,
        %parallel_loop3A_306 = arith.constant 3 : i32
        %parallel_loop3A_307 = vector.broadcast %parallel_loop3A_306 : i32 to vector<16xi32>
        %parallel_loop3A_308 = arith.shrsi %parallel_loop3A_304, %parallel_loop3A_307 : vector<16xi32>
        %parallel_loop3A_309 = arith.constant 7 : i32
        %parallel_loop3A_310 = vector.broadcast %parallel_loop3A_309 : i32 to vector<16xi32>
        %parallel_loop3A_311 = arith.andi %parallel_loop3A_304, %parallel_loop3A_310 : vector<16xi32>
        tpu.vector_store_idx %arg8[%parallel_loop3A_308, %parallel_loop3A_311, %parallel_loop3A_219], %parallel_loop3A_305 : memref<8x8x128xf32, #tpu.memory_space<vmem>>[vector<16xi32>, vector<16xi32>, vector<16xi32>], vector<16xf32>,
        %parallel_loop3A_312 = vector.broadcast %parallel_loop3A_221 : i32 to vector<16xi32>
        %parallel_loop3A_313 = arith.addi %and3A_67, %parallel_loop3A_312 : vector<16xi32>
        %parallel_loop3A_314 = tpu.vector_load_idx %arg6[%parallel_loop3A_219, %parallel_loop3A_313] : memref<128x64xf32, #tpu.memory_space<vmem>>[vector<16xi32>, vector<16xi32>], vector<16xf32>,
        %parallel_loop3A_315 = arith.constant 3 : i32
        %parallel_loop3A_316 = vector.broadcast %parallel_loop3A_315 : i32 to vector<16xi32>
        %parallel_loop3A_317 = arith.shrsi %parallel_loop3A_313, %parallel_loop3A_316 : vector<16xi32>
        %parallel_loop3A_318 = arith.constant 7 : i32
        %parallel_loop3A_319 = vector.broadcast %parallel_loop3A_318 : i32 to vector<16xi32>
        %parallel_loop3A_320 = arith.andi %parallel_loop3A_313, %parallel_loop3A_319 : vector<16xi32>
        tpu.vector_store_idx %arg8[%parallel_loop3A_317, %parallel_loop3A_320, %parallel_loop3A_219], %parallel_loop3A_314 : memref<8x8x128xf32, #tpu.memory_space<vmem>>[vector<16xi32>, vector<16xi32>, vector<16xi32>], vector<16xf32>,
        %parallel_loop3A_321 = vector.broadcast %parallel_loop3A_221 : i32 to vector<16xi32>
        %parallel_loop3A_322 = arith.addi %and3A_73, %parallel_loop3A_321 : vector<16xi32>
        %parallel_loop3A_323 = tpu.vector_load_idx %arg6[%parallel_loop3A_219, %parallel_loop3A_322] : memref<128x64xf32, #tpu.memory_space<vmem>>[vector<16xi32>, vector<16xi32>], vector<16xf32>,
        %parallel_loop3A_324 = arith.constant 3 : i32
        %parallel_loop3A_325 = vector.broadcast %parallel_loop3A_324 : i32 to vector<16xi32>
        %parallel_loop3A_326 = arith.shrsi %parallel_loop3A_322, %parallel_loop3A_325 : vector<16xi32>
        %parallel_loop3A_327 = arith.constant 7 : i32
        %parallel_loop3A_328 = vector.broadcast %parallel_loop3A_327 : i32 to vector<16xi32>
        %parallel_loop3A_329 = arith.andi %parallel_loop3A_322, %parallel_loop3A_328 : vector<16xi32>
        tpu.vector_store_idx %arg8[%parallel_loop3A_326, %parallel_loop3A_329, %parallel_loop3A_219], %parallel_loop3A_323 : memref<8x8x128xf32, #tpu.memory_space<vmem>>[vector<16xi32>, vector<16xi32>, vector<16xi32>], vector<16xf32>,
        %parallel_loop3A_330 = vector.broadcast %parallel_loop3A_221 : i32 to vector<16xi32>
        %parallel_loop3A_331 = arith.addi %and3A_79, %parallel_loop3A_330 : vector<16xi32>
        %parallel_loop3A_332 = tpu.vector_load_idx %arg6[%parallel_loop3A_219, %parallel_loop3A_331] : memref<128x64xf32, #tpu.memory_space<vmem>>[vector<16xi32>, vector<16xi32>], vector<16xf32>,
        %parallel_loop3A_333 = arith.constant 3 : i32
        %parallel_loop3A_334 = vector.broadcast %parallel_loop3A_333 : i32 to vector<16xi32>
        %parallel_loop3A_335 = arith.shrsi %parallel_loop3A_331, %parallel_loop3A_334 : vector<16xi32>
        %parallel_loop3A_336 = arith.constant 7 : i32
        %parallel_loop3A_337 = vector.broadcast %parallel_loop3A_336 : i32 to vector<16xi32>
        %parallel_loop3A_338 = arith.andi %parallel_loop3A_331, %parallel_loop3A_337 : vector<16xi32>
        tpu.vector_store_idx %arg8[%parallel_loop3A_335, %parallel_loop3A_338, %parallel_loop3A_219], %parallel_loop3A_332 : memref<8x8x128xf32, #tpu.memory_space<vmem>>[vector<16xi32>, vector<16xi32>, vector<16xi32>], vector<16xf32>,
        %parallel_loop3A_339 = vector.broadcast %parallel_loop3A_221 : i32 to vector<16xi32>
        %parallel_loop3A_340 = arith.addi %and3A_85, %parallel_loop3A_339 : vector<16xi32>
        %parallel_loop3A_341 = tpu.vector_load_idx %arg6[%parallel_loop3A_219, %parallel_loop3A_340] : memref<128x64xf32, #tpu.memory_space<vmem>>[vector<16xi32>, vector<16xi32>], vector<16xf32>,
        %parallel_loop3A_342 = arith.constant 3 : i32
        %parallel_loop3A_343 = vector.broadcast %parallel_loop3A_342 : i32 to vector<16xi32>
        %parallel_loop3A_344 = arith.shrsi %parallel_loop3A_340, %parallel_loop3A_343 : vector<16xi32>
        %parallel_loop3A_345 = arith.constant 7 : i32
        %parallel_loop3A_346 = vector.broadcast %parallel_loop3A_345 : i32 to vector<16xi32>
        %parallel_loop3A_347 = arith.andi %parallel_loop3A_340, %parallel_loop3A_346 : vector<16xi32>
        tpu.vector_store_idx %arg8[%parallel_loop3A_344, %parallel_loop3A_347, %parallel_loop3A_219], %parallel_loop3A_341 : memref<8x8x128xf32, #tpu.memory_space<vmem>>[vector<16xi32>, vector<16xi32>, vector<16xi32>], vector<16xf32>,
        %parallel_loop3A_348 = vector.broadcast %parallel_loop3A_221 : i32 to vector<16xi32>
        %parallel_loop3A_349 = arith.addi %and3A_91, %parallel_loop3A_348 : vector<16xi32>
        %parallel_loop3A_350 = tpu.vector_load_idx %arg6[%parallel_loop3A_219, %parallel_loop3A_349] : memref<128x64xf32, #tpu.memory_space<vmem>>[vector<16xi32>, vector<16xi32>], vector<16xf32>,
        %parallel_loop3A_351 = arith.constant 3 : i32
        %parallel_loop3A_352 = vector.broadcast %parallel_loop3A_351 : i32 to vector<16xi32>
        %parallel_loop3A_353 = arith.shrsi %parallel_loop3A_349, %parallel_loop3A_352 : vector<16xi32>
        %parallel_loop3A_354 = arith.constant 7 : i32
        %parallel_loop3A_355 = vector.broadcast %parallel_loop3A_354 : i32 to vector<16xi32>
        %parallel_loop3A_356 = arith.andi %parallel_loop3A_349, %parallel_loop3A_355 : vector<16xi32>
        tpu.vector_store_idx %arg8[%parallel_loop3A_353, %parallel_loop3A_356, %parallel_loop3A_219], %parallel_loop3A_350 : memref<8x8x128xf32, #tpu.memory_space<vmem>>[vector<16xi32>, vector<16xi32>, vector<16xi32>], vector<16xf32>,
        %parallel_loop3A_357 = vector.broadcast %parallel_loop3A_221 : i32 to vector<16xi32>
        %parallel_loop3A_358 = arith.addi %and3A_97, %parallel_loop3A_357 : vector<16xi32>
        %parallel_loop3A_359 = tpu.vector_load_idx %arg6[%parallel_loop3A_219, %parallel_loop3A_358] : memref<128x64xf32, #tpu.memory_space<vmem>>[vector<16xi32>, vector<16xi32>], vector<16xf32>,
        %parallel_loop3A_360 = arith.constant 3 : i32
        %parallel_loop3A_361 = vector.broadcast %parallel_loop3A_360 : i32 to vector<16xi32>
        %parallel_loop3A_362 = arith.shrsi %parallel_loop3A_358, %parallel_loop3A_361 : vector<16xi32>
        %parallel_loop3A_363 = arith.constant 7 : i32
        %parallel_loop3A_364 = vector.broadcast %parallel_loop3A_363 : i32 to vector<16xi32>
        %parallel_loop3A_365 = arith.andi %parallel_loop3A_358, %parallel_loop3A_364 : vector<16xi32>
        tpu.vector_store_idx %arg8[%parallel_loop3A_362, %parallel_loop3A_365, %parallel_loop3A_219], %parallel_loop3A_359 : memref<8x8x128xf32, #tpu.memory_space<vmem>>[vector<16xi32>, vector<16xi32>, vector<16xi32>], vector<16xf32>,
      } {sc.loop_unroll_factor = 4 : i64, sc.parallel_access}
      %dma_start3A_156 = arith.constant 0 : i32
      %dma_start3A_157 = arith.constant 0 : i32
      %dma_start3A_158 = arith.constant 0 : i32
      %dma_start3A_159 = tpu.memref_slice %arg4[%mul3A_141, %dma_start3A_156, %add3A, %dma_start3A_157, %dma_start3A_158] : memref<200x8x32x8x128xf32, #tpu.memory_space<hbm>> -> memref<1x8x1x8x128xf32, #tpu.memory_space<hbm>>
      %dma_start3A_160 = tpu.memref_squeeze %dma_start3A_159 : memref<1x8x1x8x128xf32, #tpu.memory_space<hbm>> -> memref<8x8x128xf32, #tpu.memory_space<hbm>>
      %dma_start3A_161 = arith.constant 0 : i32
      %dma_start3A_162 = arith.constant 0 : i32
      %dma_start3A_163 = arith.constant 0 : i32
      %dma_start3A_164 = tpu.memref_slice %arg4[%mul3A_141, %dma_start3A_161, %add3A, %dma_start3A_162, %dma_start3A_163] : memref<200x8x32x8x128xf32, #tpu.memory_space<hbm>> -> memref<1x8x1x8x128xf32, #tpu.memory_space<hbm>>
      %dma_start3A_165 = tpu.memref_squeeze %dma_start3A_164 : memref<1x8x1x8x128xf32, #tpu.memory_space<hbm>> -> memref<8x8x128xf32, #tpu.memory_space<hbm>>
      tpu.enqueue_dma source(%arg8 : memref<8x8x128xf32, #tpu.memory_space<vmem>>) target(%dma_start3A_165 : memref<8x8x128xf32, #tpu.memory_space<hbm>>) target_semaphore(%arg12 : memref<!tpu.dma_semaphore, #tpu.memory_space<semaphore_mem>>)
      %add3A_166 = arith.constant 2 : i32
      %add3A_167 = arith.addi %mul3A_141, %add3A_166 : i32
      %lt3A = arith.constant 200 : i32
      %lt3A_168 = arith.cmpi slt, %add3A_167, %lt3A : i32
      %convert_element_type3A_169 = arith.extui %lt3A_168 : i1 to i32
      %cond3A_170 = arith.constant 0 : i32
      %cond3A_171 = arith.cmpi ne, %convert_element_type3A_169, %cond3A_170 : i32
      scf.if %cond3A_171 {
        %add3A_211 = arith.constant 2 : i32
        %add3A_212 = arith.addi %mul3A_141, %add3A_211 : i32
        %shift_right_arithmetic3A_213 = arith.constant 3 : i32
        %shift_right_arithmetic3A_214 = arith.shrsi %add3A_212, %shift_right_arithmetic3A_213 : i32
        %and3A_215 = arith.constant 7 : i32
        %and3A_216 = arith.andi %add3A_212, %and3A_215 : i32
        %dma_start3A_217 = arith.constant 0 : i32
        %dma_start3A_218 = tpu.memref_slice %arg5[%shift_right_arithmetic3A_214, %and3A_216, %dma_start3A_217] : memref<25x8x128xi32, #tpu.memory_space<vmem>> -> memref<1x1x128xi32, #tpu.memory_space<vmem>>
        %dma_start3A_219 = tpu.memref_squeeze %dma_start3A_218 : memref<1x1x128xi32, #tpu.memory_space<vmem>> -> memref<128xi32, #tpu.memory_space<vmem>>
        %dma_start3A_220 = arith.constant 0 : i32
        %dma_start3A_221 = arith.constant 0 : i32
        %dma_start3A_222 = tpu.memref_slice %arg3[%dma_start3A_220, %dma_start3A_221] : memref<200000x64xf32, #tpu.memory_space<hbm>> -> memref<200000x64xf32, #tpu.memory_space<hbm>>
        tpu.enqueue_indirect_dma source(%dma_start3A_222 : memref<200000x64xf32, #tpu.memory_space<hbm>>) target(%arg6 : memref<128x64xf32, #tpu.memory_space<vmem>>) offsets(%dma_start3A_219 : memref<128xi32, #tpu.memory_space<vmem>>) semaphore(%arg10 : memref<!tpu.dma_semaphore, #tpu.memory_space<semaphore_mem>>)
      } else {
      }
      %add3A_172 = arith.constant 1 : i32
      %add3A_173 = arith.addi %mul3A_141, %add3A_172 : i32
      %shift_right_arithmetic3A_174 = arith.constant 3 : i32
      %shift_right_arithmetic3A_175 = arith.shrsi %add3A_173, %shift_right_arithmetic3A_174 : i32
      %and3A_176 = arith.constant 7 : i32
      %and3A_177 = arith.andi %add3A_173, %and3A_176 : i32
      %dma_wait3A_178 = arith.constant 0 : i32
      %dma_wait3A_179 = tpu.memref_slice %arg5[%shift_right_arithmetic3A_175, %and3A_177, %dma_wait3A_178] : memref<25x8x128xi32, #tpu.memory_space<vmem>> -> memref<1x1x128xi32, #tpu.memory_space<vmem>>
      %dma_wait3A_180 = tpu.memref_squeeze %dma_wait3A_179 : memref<1x1x128xi32, #tpu.memory_space<vmem>> -> memref<128xi32, #tpu.memory_space<vmem>>
      %dma_wait3A_181 = arith.constant 0 : i32
      %dma_wait3A_182 = arith.constant 0 : i32
      %dma_wait3A_183 = tpu.memref_slice %arg3[%dma_wait3A_181, %dma_wait3A_182] : memref<200000x64xf32, #tpu.memory_space<hbm>> -> memref<200000x64xf32, #tpu.memory_space<hbm>>
      tpu.wait_indirect_dma semaphore(%arg11 : memref<!tpu.dma_semaphore, #tpu.memory_space<semaphore_mem>>) src(%dma_wait3A_183 : memref<200000x64xf32, #tpu.memory_space<hbm>>) dst(%arg7 : memref<128x64xf32, #tpu.memory_space<vmem>>)
      %gt3A_184 = arith.constant 0 : i32
      %gt3A_185 = arith.cmpi sgt, %scan3A_139, %gt3A_184 : i32
      %convert_element_type3A_186 = arith.extui %gt3A_185 : i1 to i32
      %cond3A_187 = arith.constant 0 : i32
      %cond3A_188 = arith.cmpi ne, %convert_element_type3A_186, %cond3A_187 : i32
      scf.if %cond3A_188 {
        %sub3A = arith.constant 1 : i32
        %sub3A_211 = arith.subi %mul3A_141, %sub3A : i32
        %dma_wait3A_212 = arith.constant 0 : i32
        %dma_wait3A_213 = arith.constant 0 : i32
        %dma_wait3A_214 = arith.constant 0 : i32
        %dma_wait3A_215 = tpu.memref_slice %arg4[%sub3A_211, %dma_wait3A_212, %add3A, %dma_wait3A_213, %dma_wait3A_214] : memref<200x8x32x8x128xf32, #tpu.memory_space<hbm>> -> memref<1x8x1x8x128xf32, #tpu.memory_space<hbm>>
        %dma_wait3A_216 = tpu.memref_squeeze %dma_wait3A_215 : memref<1x8x1x8x128xf32, #tpu.memory_space<hbm>> -> memref<8x8x128xf32, #tpu.memory_space<hbm>>
        %dma_wait3A_217 = arith.constant 0 : i32
        %dma_wait3A_218 = arith.constant 0 : i32
        %dma_wait3A_219 = arith.constant 0 : i32
        %dma_wait3A_220 = tpu.memref_slice %arg4[%sub3A_211, %dma_wait3A_217, %add3A, %dma_wait3A_218, %dma_wait3A_219] : memref<200x8x32x8x128xf32, #tpu.memory_space<hbm>> -> memref<1x8x1x8x128xf32, #tpu.memory_space<hbm>>
        %dma_wait3A_221 = tpu.memref_squeeze %dma_wait3A_220 : memref<1x8x1x8x128xf32, #tpu.memory_space<hbm>> -> memref<8x8x128xf32, #tpu.memory_space<hbm>>
        tpu.wait_dma2 semaphore(%arg13 : memref<!tpu.dma_semaphore, #tpu.memory_space<semaphore_mem>>) src(%arg9 : memref<8x8x128xf32, #tpu.memory_space<vmem>>) dst(%dma_wait3A_221 : memref<8x8x128xf32, #tpu.memory_space<hbm>>)
      } else {
      }
      %parallel_loop3A_189 = arith.constant 0 : i32
      %parallel_loop3A_190 = arith.constant 32 : i32
      %parallel_loop3A_191 = arith.constant 1 : i32
      scf.for %parallel_loop3A_211 = %parallel_loop3A_189 to %parallel_loop3A_190 step %parallel_loop3A_191  : i32 {
        %parallel_loop3A_212 = arith.constant 3 : i32
        %parallel_loop3A_213 = arith.shrsi %parallel_loop3A_211, %parallel_loop3A_212 : i32
        %parallel_loop3A_214 = arith.constant 7 : i32
        %parallel_loop3A_215 = arith.andi %parallel_loop3A_211, %parallel_loop3A_214 : i32
        %parallel_loop3A_216 = arith.constant 16 : i32
        %parallel_loop3A_217 = arith.muli %parallel_loop3A_215, %parallel_loop3A_216 : i32
        %parallel_loop3A_218 = vector.broadcast %parallel_loop3A_217 : i32 to vector<16xi32>
        %parallel_loop3A_219 = arith.addi %iota3A, %parallel_loop3A_218 : vector<16xi32>
        %parallel_loop3A_220 = arith.constant 16 : i32
        %parallel_loop3A_221 = arith.muli %parallel_loop3A_213, %parallel_loop3A_220 : i32
        %parallel_loop3A_222 = vector.broadcast %parallel_loop3A_221 : i32 to vector<16xi32>
        %parallel_loop3A_223 = arith.addi %and3A_7, %parallel_loop3A_222 : vector<16xi32>
        %parallel_loop3A_224 = tpu.vector_load_idx %arg7[%parallel_loop3A_219, %parallel_loop3A_223] : memref<128x64xf32, #tpu.memory_space<vmem>>[vector<16xi32>, vector<16xi32>], vector<16xf32>,
        %parallel_loop3A_225 = arith.constant 3 : i32
        %parallel_loop3A_226 = vector.broadcast %parallel_loop3A_225 : i32 to vector<16xi32>
        %parallel_loop3A_227 = arith.shrsi %parallel_loop3A_223, %parallel_loop3A_226 : vector<16xi32>
        %parallel_loop3A_228 = arith.constant 7 : i32
        %parallel_loop3A_229 = vector.broadcast %parallel_loop3A_228 : i32 to vector<16xi32>
        %parallel_loop3A_230 = arith.andi %parallel_loop3A_223, %parallel_loop3A_229 : vector<16xi32>
        tpu.vector_store_idx %arg9[%parallel_loop3A_227, %parallel_loop3A_230, %parallel_loop3A_219], %parallel_loop3A_224 : memref<8x8x128xf32, #tpu.memory_space<vmem>>[vector<16xi32>, vector<16xi32>, vector<16xi32>], vector<16xf32>,
        %parallel_loop3A_231 = vector.broadcast %parallel_loop3A_221 : i32 to vector<16xi32>
        %parallel_loop3A_232 = arith.addi %and3A_13, %parallel_loop3A_231 : vector<16xi32>
        %parallel_loop3A_233 = tpu.vector_load_idx %arg7[%parallel_loop3A_219, %parallel_loop3A_232] : memref<128x64xf32, #tpu.memory_space<vmem>>[vector<16xi32>, vector<16xi32>], vector<16xf32>,
        %parallel_loop3A_234 = arith.constant 3 : i32
        %parallel_loop3A_235 = vector.broadcast %parallel_loop3A_234 : i32 to vector<16xi32>
        %parallel_loop3A_236 = arith.shrsi %parallel_loop3A_232, %parallel_loop3A_235 : vector<16xi32>
        %parallel_loop3A_237 = arith.constant 7 : i32
        %parallel_loop3A_238 = vector.broadcast %parallel_loop3A_237 : i32 to vector<16xi32>
        %parallel_loop3A_239 = arith.andi %parallel_loop3A_232, %parallel_loop3A_238 : vector<16xi32>
        tpu.vector_store_idx %arg9[%parallel_loop3A_236, %parallel_loop3A_239, %parallel_loop3A_219], %parallel_loop3A_233 : memref<8x8x128xf32, #tpu.memory_space<vmem>>[vector<16xi32>, vector<16xi32>, vector<16xi32>], vector<16xf32>,
        %parallel_loop3A_240 = vector.broadcast %parallel_loop3A_221 : i32 to vector<16xi32>
        %parallel_loop3A_241 = arith.addi %and3A_19, %parallel_loop3A_240 : vector<16xi32>
        %parallel_loop3A_242 = tpu.vector_load_idx %arg7[%parallel_loop3A_219, %parallel_loop3A_241] : memref<128x64xf32, #tpu.memory_space<vmem>>[vector<16xi32>, vector<16xi32>], vector<16xf32>,
        %parallel_loop3A_243 = arith.constant 3 : i32
        %parallel_loop3A_244 = vector.broadcast %parallel_loop3A_243 : i32 to vector<16xi32>
        %parallel_loop3A_245 = arith.shrsi %parallel_loop3A_241, %parallel_loop3A_244 : vector<16xi32>
        %parallel_loop3A_246 = arith.constant 7 : i32
        %parallel_loop3A_247 = vector.broadcast %parallel_loop3A_246 : i32 to vector<16xi32>
        %parallel_loop3A_248 = arith.andi %parallel_loop3A_241, %parallel_loop3A_247 : vector<16xi32>
        tpu.vector_store_idx %arg9[%parallel_loop3A_245, %parallel_loop3A_248, %parallel_loop3A_219], %parallel_loop3A_242 : memref<8x8x128xf32, #tpu.memory_space<vmem>>[vector<16xi32>, vector<16xi32>, vector<16xi32>], vector<16xf32>,
        %parallel_loop3A_249 = vector.broadcast %parallel_loop3A_221 : i32 to vector<16xi32>
        %parallel_loop3A_250 = arith.addi %and3A_25, %parallel_loop3A_249 : vector<16xi32>
        %parallel_loop3A_251 = tpu.vector_load_idx %arg7[%parallel_loop3A_219, %parallel_loop3A_250] : memref<128x64xf32, #tpu.memory_space<vmem>>[vector<16xi32>, vector<16xi32>], vector<16xf32>,
        %parallel_loop3A_252 = arith.constant 3 : i32
        %parallel_loop3A_253 = vector.broadcast %parallel_loop3A_252 : i32 to vector<16xi32>
        %parallel_loop3A_254 = arith.shrsi %parallel_loop3A_250, %parallel_loop3A_253 : vector<16xi32>
        %parallel_loop3A_255 = arith.constant 7 : i32
        %parallel_loop3A_256 = vector.broadcast %parallel_loop3A_255 : i32 to vector<16xi32>
        %parallel_loop3A_257 = arith.andi %parallel_loop3A_250, %parallel_loop3A_256 : vector<16xi32>
        tpu.vector_store_idx %arg9[%parallel_loop3A_254, %parallel_loop3A_257, %parallel_loop3A_219], %parallel_loop3A_251 : memref<8x8x128xf32, #tpu.memory_space<vmem>>[vector<16xi32>, vector<16xi32>, vector<16xi32>], vector<16xf32>,
        %parallel_loop3A_258 = vector.broadcast %parallel_loop3A_221 : i32 to vector<16xi32>
        %parallel_loop3A_259 = arith.addi %and3A_31, %parallel_loop3A_258 : vector<16xi32>
        %parallel_loop3A_260 = tpu.vector_load_idx %arg7[%parallel_loop3A_219, %parallel_loop3A_259] : memref<128x64xf32, #tpu.memory_space<vmem>>[vector<16xi32>, vector<16xi32>], vector<16xf32>,
        %parallel_loop3A_261 = arith.constant 3 : i32
        %parallel_loop3A_262 = vector.broadcast %parallel_loop3A_261 : i32 to vector<16xi32>
        %parallel_loop3A_263 = arith.shrsi %parallel_loop3A_259, %parallel_loop3A_262 : vector<16xi32>
        %parallel_loop3A_264 = arith.constant 7 : i32
        %parallel_loop3A_265 = vector.broadcast %parallel_loop3A_264 : i32 to vector<16xi32>
        %parallel_loop3A_266 = arith.andi %parallel_loop3A_259, %parallel_loop3A_265 : vector<16xi32>
        tpu.vector_store_idx %arg9[%parallel_loop3A_263, %parallel_loop3A_266, %parallel_loop3A_219], %parallel_loop3A_260 : memref<8x8x128xf32, #tpu.memory_space<vmem>>[vector<16xi32>, vector<16xi32>, vector<16xi32>], vector<16xf32>,
        %parallel_loop3A_267 = vector.broadcast %parallel_loop3A_221 : i32 to vector<16xi32>
        %parallel_loop3A_268 = arith.addi %and3A_37, %parallel_loop3A_267 : vector<16xi32>
        %parallel_loop3A_269 = tpu.vector_load_idx %arg7[%parallel_loop3A_219, %parallel_loop3A_268] : memref<128x64xf32, #tpu.memory_space<vmem>>[vector<16xi32>, vector<16xi32>], vector<16xf32>,
        %parallel_loop3A_270 = arith.constant 3 : i32
        %parallel_loop3A_271 = vector.broadcast %parallel_loop3A_270 : i32 to vector<16xi32>
        %parallel_loop3A_272 = arith.shrsi %parallel_loop3A_268, %parallel_loop3A_271 : vector<16xi32>
        %parallel_loop3A_273 = arith.constant 7 : i32
        %parallel_loop3A_274 = vector.broadcast %parallel_loop3A_273 : i32 to vector<16xi32>
        %parallel_loop3A_275 = arith.andi %parallel_loop3A_268, %parallel_loop3A_274 : vector<16xi32>
        tpu.vector_store_idx %arg9[%parallel_loop3A_272, %parallel_loop3A_275, %parallel_loop3A_219], %parallel_loop3A_269 : memref<8x8x128xf32, #tpu.memory_space<vmem>>[vector<16xi32>, vector<16xi32>, vector<16xi32>], vector<16xf32>,
        %parallel_loop3A_276 = vector.broadcast %parallel_loop3A_221 : i32 to vector<16xi32>
        %parallel_loop3A_277 = arith.addi %and3A_43, %parallel_loop3A_276 : vector<16xi32>
        %parallel_loop3A_278 = tpu.vector_load_idx %arg7[%parallel_loop3A_219, %parallel_loop3A_277] : memref<128x64xf32, #tpu.memory_space<vmem>>[vector<16xi32>, vector<16xi32>], vector<16xf32>,
        %parallel_loop3A_279 = arith.constant 3 : i32
        %parallel_loop3A_280 = vector.broadcast %parallel_loop3A_279 : i32 to vector<16xi32>
        %parallel_loop3A_281 = arith.shrsi %parallel_loop3A_277, %parallel_loop3A_280 : vector<16xi32>
        %parallel_loop3A_282 = arith.constant 7 : i32
        %parallel_loop3A_283 = vector.broadcast %parallel_loop3A_282 : i32 to vector<16xi32>
        %parallel_loop3A_284 = arith.andi %parallel_loop3A_277, %parallel_loop3A_283 : vector<16xi32>
        tpu.vector_store_idx %arg9[%parallel_loop3A_281, %parallel_loop3A_284, %parallel_loop3A_219], %parallel_loop3A_278 : memref<8x8x128xf32, #tpu.memory_space<vmem>>[vector<16xi32>, vector<16xi32>, vector<16xi32>], vector<16xf32>,
        %parallel_loop3A_285 = vector.broadcast %parallel_loop3A_221 : i32 to vector<16xi32>
        %parallel_loop3A_286 = arith.addi %and3A_49, %parallel_loop3A_285 : vector<16xi32>
        %parallel_loop3A_287 = tpu.vector_load_idx %arg7[%parallel_loop3A_219, %parallel_loop3A_286] : memref<128x64xf32, #tpu.memory_space<vmem>>[vector<16xi32>, vector<16xi32>], vector<16xf32>,
        %parallel_loop3A_288 = arith.constant 3 : i32
        %parallel_loop3A_289 = vector.broadcast %parallel_loop3A_288 : i32 to vector<16xi32>
        %parallel_loop3A_290 = arith.shrsi %parallel_loop3A_286, %parallel_loop3A_289 : vector<16xi32>
        %parallel_loop3A_291 = arith.constant 7 : i32
        %parallel_loop3A_292 = vector.broadcast %parallel_loop3A_291 : i32 to vector<16xi32>
        %parallel_loop3A_293 = arith.andi %parallel_loop3A_286, %parallel_loop3A_292 : vector<16xi32>
        tpu.vector_store_idx %arg9[%parallel_loop3A_290, %parallel_loop3A_293, %parallel_loop3A_219], %parallel_loop3A_287 : memref<8x8x128xf32, #tpu.memory_space<vmem>>[vector<16xi32>, vector<16xi32>, vector<16xi32>], vector<16xf32>,
        %parallel_loop3A_294 = vector.broadcast %parallel_loop3A_221 : i32 to vector<16xi32>
        %parallel_loop3A_295 = arith.addi %and3A_55, %parallel_loop3A_294 : vector<16xi32>
        %parallel_loop3A_296 = tpu.vector_load_idx %arg7[%parallel_loop3A_219, %parallel_loop3A_295] : memref<128x64xf32, #tpu.memory_space<vmem>>[vector<16xi32>, vector<16xi32>], vector<16xf32>,
        %parallel_loop3A_297 = arith.constant 3 : i32
        %parallel_loop3A_298 = vector.broadcast %parallel_loop3A_297 : i32 to vector<16xi32>
        %parallel_loop3A_299 = arith.shrsi %parallel_loop3A_295, %parallel_loop3A_298 : vector<16xi32>
        %parallel_loop3A_300 = arith.constant 7 : i32
        %parallel_loop3A_301 = vector.broadcast %parallel_loop3A_300 : i32 to vector<16xi32>
        %parallel_loop3A_302 = arith.andi %parallel_loop3A_295, %parallel_loop3A_301 : vector<16xi32>
        tpu.vector_store_idx %arg9[%parallel_loop3A_299, %parallel_loop3A_302, %parallel_loop3A_219], %parallel_loop3A_296 : memref<8x8x128xf32, #tpu.memory_space<vmem>>[vector<16xi32>, vector<16xi32>, vector<16xi32>], vector<16xf32>,
        %parallel_loop3A_303 = vector.broadcast %parallel_loop3A_221 : i32 to vector<16xi32>
        %parallel_loop3A_304 = arith.addi %and3A_61, %parallel_loop3A_303 : vector<16xi32>
        %parallel_loop3A_305 = tpu.vector_load_idx %arg7[%parallel_loop3A_219, %parallel_loop3A_304] : memref<128x64xf32, #tpu.memory_space<vmem>>[vector<16xi32>, vector<16xi32>], vector<16xf32>,
        %parallel_loop3A_306 = arith.constant 3 : i32
        %parallel_loop3A_307 = vector.broadcast %parallel_loop3A_306 : i32 to vector<16xi32>
        %parallel_loop3A_308 = arith.shrsi %parallel_loop3A_304, %parallel_loop3A_307 : vector<16xi32>
        %parallel_loop3A_309 = arith.constant 7 : i32
        %parallel_loop3A_310 = vector.broadcast %parallel_loop3A_309 : i32 to vector<16xi32>
        %parallel_loop3A_311 = arith.andi %parallel_loop3A_304, %parallel_loop3A_310 : vector<16xi32>
        tpu.vector_store_idx %arg9[%parallel_loop3A_308, %parallel_loop3A_311, %parallel_loop3A_219], %parallel_loop3A_305 : memref<8x8x128xf32, #tpu.memory_space<vmem>>[vector<16xi32>, vector<16xi32>, vector<16xi32>], vector<16xf32>,
        %parallel_loop3A_312 = vector.broadcast %parallel_loop3A_221 : i32 to vector<16xi32>
        %parallel_loop3A_313 = arith.addi %and3A_67, %parallel_loop3A_312 : vector<16xi32>
        %parallel_loop3A_314 = tpu.vector_load_idx %arg7[%parallel_loop3A_219, %parallel_loop3A_313] : memref<128x64xf32, #tpu.memory_space<vmem>>[vector<16xi32>, vector<16xi32>], vector<16xf32>,
        %parallel_loop3A_315 = arith.constant 3 : i32
        %parallel_loop3A_316 = vector.broadcast %parallel_loop3A_315 : i32 to vector<16xi32>
        %parallel_loop3A_317 = arith.shrsi %parallel_loop3A_313, %parallel_loop3A_316 : vector<16xi32>
        %parallel_loop3A_318 = arith.constant 7 : i32
        %parallel_loop3A_319 = vector.broadcast %parallel_loop3A_318 : i32 to vector<16xi32>
        %parallel_loop3A_320 = arith.andi %parallel_loop3A_313, %parallel_loop3A_319 : vector<16xi32>
        tpu.vector_store_idx %arg9[%parallel_loop3A_317, %parallel_loop3A_320, %parallel_loop3A_219], %parallel_loop3A_314 : memref<8x8x128xf32, #tpu.memory_space<vmem>>[vector<16xi32>, vector<16xi32>, vector<16xi32>], vector<16xf32>,
        %parallel_loop3A_321 = vector.broadcast %parallel_loop3A_221 : i32 to vector<16xi32>
        %parallel_loop3A_322 = arith.addi %and3A_73, %parallel_loop3A_321 : vector<16xi32>
        %parallel_loop3A_323 = tpu.vector_load_idx %arg7[%parallel_loop3A_219, %parallel_loop3A_322] : memref<128x64xf32, #tpu.memory_space<vmem>>[vector<16xi32>, vector<16xi32>], vector<16xf32>,
        %parallel_loop3A_324 = arith.constant 3 : i32
        %parallel_loop3A_325 = vector.broadcast %parallel_loop3A_324 : i32 to vector<16xi32>
        %parallel_loop3A_326 = arith.shrsi %parallel_loop3A_322, %parallel_loop3A_325 : vector<16xi32>
        %parallel_loop3A_327 = arith.constant 7 : i32
        %parallel_loop3A_328 = vector.broadcast %parallel_loop3A_327 : i32 to vector<16xi32>
        %parallel_loop3A_329 = arith.andi %parallel_loop3A_322, %parallel_loop3A_328 : vector<16xi32>
        tpu.vector_store_idx %arg9[%parallel_loop3A_326, %parallel_loop3A_329, %parallel_loop3A_219], %parallel_loop3A_323 : memref<8x8x128xf32, #tpu.memory_space<vmem>>[vector<16xi32>, vector<16xi32>, vector<16xi32>], vector<16xf32>,
        %parallel_loop3A_330 = vector.broadcast %parallel_loop3A_221 : i32 to vector<16xi32>
        %parallel_loop3A_331 = arith.addi %and3A_79, %parallel_loop3A_330 : vector<16xi32>
        %parallel_loop3A_332 = tpu.vector_load_idx %arg7[%parallel_loop3A_219, %parallel_loop3A_331] : memref<128x64xf32, #tpu.memory_space<vmem>>[vector<16xi32>, vector<16xi32>], vector<16xf32>,
        %parallel_loop3A_333 = arith.constant 3 : i32
        %parallel_loop3A_334 = vector.broadcast %parallel_loop3A_333 : i32 to vector<16xi32>
        %parallel_loop3A_335 = arith.shrsi %parallel_loop3A_331, %parallel_loop3A_334 : vector<16xi32>
        %parallel_loop3A_336 = arith.constant 7 : i32
        %parallel_loop3A_337 = vector.broadcast %parallel_loop3A_336 : i32 to vector<16xi32>
        %parallel_loop3A_338 = arith.andi %parallel_loop3A_331, %parallel_loop3A_337 : vector<16xi32>
        tpu.vector_store_idx %arg9[%parallel_loop3A_335, %parallel_loop3A_338, %parallel_loop3A_219], %parallel_loop3A_332 : memref<8x8x128xf32, #tpu.memory_space<vmem>>[vector<16xi32>, vector<16xi32>, vector<16xi32>], vector<16xf32>,
        %parallel_loop3A_339 = vector.broadcast %parallel_loop3A_221 : i32 to vector<16xi32>
        %parallel_loop3A_340 = arith.addi %and3A_85, %parallel_loop3A_339 : vector<16xi32>
        %parallel_loop3A_341 = tpu.vector_load_idx %arg7[%parallel_loop3A_219, %parallel_loop3A_340] : memref<128x64xf32, #tpu.memory_space<vmem>>[vector<16xi32>, vector<16xi32>], vector<16xf32>,
        %parallel_loop3A_342 = arith.constant 3 : i32
        %parallel_loop3A_343 = vector.broadcast %parallel_loop3A_342 : i32 to vector<16xi32>
        %parallel_loop3A_344 = arith.shrsi %parallel_loop3A_340, %parallel_loop3A_343 : vector<16xi32>
        %parallel_loop3A_345 = arith.constant 7 : i32
        %parallel_loop3A_346 = vector.broadcast %parallel_loop3A_345 : i32 to vector<16xi32>
        %parallel_loop3A_347 = arith.andi %parallel_loop3A_340, %parallel_loop3A_346 : vector<16xi32>
        tpu.vector_store_idx %arg9[%parallel_loop3A_344, %parallel_loop3A_347, %parallel_loop3A_219], %parallel_loop3A_341 : memref<8x8x128xf32, #tpu.memory_space<vmem>>[vector<16xi32>, vector<16xi32>, vector<16xi32>], vector<16xf32>,
        %parallel_loop3A_348 = vector.broadcast %parallel_loop3A_221 : i32 to vector<16xi32>
        %parallel_loop3A_349 = arith.addi %and3A_91, %parallel_loop3A_348 : vector<16xi32>
        %parallel_loop3A_350 = tpu.vector_load_idx %arg7[%parallel_loop3A_219, %parallel_loop3A_349] : memref<128x64xf32, #tpu.memory_space<vmem>>[vector<16xi32>, vector<16xi32>], vector<16xf32>,
        %parallel_loop3A_351 = arith.constant 3 : i32
        %parallel_loop3A_352 = vector.broadcast %parallel_loop3A_351 : i32 to vector<16xi32>
        %parallel_loop3A_353 = arith.shrsi %parallel_loop3A_349, %parallel_loop3A_352 : vector<16xi32>
        %parallel_loop3A_354 = arith.constant 7 : i32
        %parallel_loop3A_355 = vector.broadcast %parallel_loop3A_354 : i32 to vector<16xi32>
        %parallel_loop3A_356 = arith.andi %parallel_loop3A_349, %parallel_loop3A_355 : vector<16xi32>
        tpu.vector_store_idx %arg9[%parallel_loop3A_353, %parallel_loop3A_356, %parallel_loop3A_219], %parallel_loop3A_350 : memref<8x8x128xf32, #tpu.memory_space<vmem>>[vector<16xi32>, vector<16xi32>, vector<16xi32>], vector<16xf32>,
        %parallel_loop3A_357 = vector.broadcast %parallel_loop3A_221 : i32 to vector<16xi32>
        %parallel_loop3A_358 = arith.addi %and3A_97, %parallel_loop3A_357 : vector<16xi32>
        %parallel_loop3A_359 = tpu.vector_load_idx %arg7[%parallel_loop3A_219, %parallel_loop3A_358] : memref<128x64xf32, #tpu.memory_space<vmem>>[vector<16xi32>, vector<16xi32>], vector<16xf32>,
        %parallel_loop3A_360 = arith.constant 3 : i32
        %parallel_loop3A_361 = vector.broadcast %parallel_loop3A_360 : i32 to vector<16xi32>
        %parallel_loop3A_362 = arith.shrsi %parallel_loop3A_358, %parallel_loop3A_361 : vector<16xi32>
        %parallel_loop3A_363 = arith.constant 7 : i32
        %parallel_loop3A_364 = vector.broadcast %parallel_loop3A_363 : i32 to vector<16xi32>
        %parallel_loop3A_365 = arith.andi %parallel_loop3A_358, %parallel_loop3A_364 : vector<16xi32>
        tpu.vector_store_idx %arg9[%parallel_loop3A_362, %parallel_loop3A_365, %parallel_loop3A_219], %parallel_loop3A_359 : memref<8x8x128xf32, #tpu.memory_space<vmem>>[vector<16xi32>, vector<16xi32>, vector<16xi32>], vector<16xf32>,
      } {sc.loop_unroll_factor = 4 : i64, sc.parallel_access}
      %add3A_192 = arith.constant 1 : i32
      %add3A_193 = arith.addi %mul3A_141, %add3A_192 : i32
      %dma_start3A_194 = arith.constant 0 : i32
      %dma_start3A_195 = arith.constant 0 : i32
      %dma_start3A_196 = arith.constant 0 : i32
      %dma_start3A_197 = tpu.memref_slice %arg4[%add3A_193, %dma_start3A_194, %add3A, %dma_start3A_195, %dma_start3A_196] : memref<200x8x32x8x128xf32, #tpu.memory_space<hbm>> -> memref<1x8x1x8x128xf32, #tpu.memory_space<hbm>>
      %dma_start3A_198 = tpu.memref_squeeze %dma_start3A_197 : memref<1x8x1x8x128xf32, #tpu.memory_space<hbm>> -> memref<8x8x128xf32, #tpu.memory_space<hbm>>
      %dma_start3A_199 = arith.constant 0 : i32
      %dma_start3A_200 = arith.constant 0 : i32
      %dma_start3A_201 = arith.constant 0 : i32
      %dma_start3A_202 = tpu.memref_slice %arg4[%add3A_193, %dma_start3A_199, %add3A, %dma_start3A_200, %dma_start3A_201] : memref<200x8x32x8x128xf32, #tpu.memory_space<hbm>> -> memref<1x8x1x8x128xf32, #tpu.memory_space<hbm>>
      %dma_start3A_203 = tpu.memref_squeeze %dma_start3A_202 : memref<1x8x1x8x128xf32, #tpu.memory_space<hbm>> -> memref<8x8x128xf32, #tpu.memory_space<hbm>>
      tpu.enqueue_dma source(%arg9 : memref<8x8x128xf32, #tpu.memory_space<vmem>>) target(%dma_start3A_203 : memref<8x8x128xf32, #tpu.memory_space<hbm>>) target_semaphore(%arg13 : memref<!tpu.dma_semaphore, #tpu.memory_space<semaphore_mem>>)
      %add3A_204 = arith.constant 3 : i32
      %add3A_205 = arith.addi %mul3A_141, %add3A_204 : i32
      %lt3A_206 = arith.constant 200 : i32
      %lt3A_207 = arith.cmpi slt, %add3A_205, %lt3A_206 : i32
      %convert_element_type3A_208 = arith.extui %lt3A_207 : i1 to i32
      %cond3A_209 = arith.constant 0 : i32
      %cond3A_210 = arith.cmpi ne, %convert_element_type3A_208, %cond3A_209 : i32
      scf.if %cond3A_210 {
        %add3A_211 = arith.constant 3 : i32
        %add3A_212 = arith.addi %mul3A_141, %add3A_211 : i32
        %shift_right_arithmetic3A_213 = arith.constant 3 : i32
        %shift_right_arithmetic3A_214 = arith.shrsi %add3A_212, %shift_right_arithmetic3A_213 : i32
        %and3A_215 = arith.constant 7 : i32
        %and3A_216 = arith.andi %add3A_212, %and3A_215 : i32
        %dma_start3A_217 = arith.constant 0 : i32
        %dma_start3A_218 = tpu.memref_slice %arg5[%shift_right_arithmetic3A_214, %and3A_216, %dma_start3A_217] : memref<25x8x128xi32, #tpu.memory_space<vmem>> -> memref<1x1x128xi32, #tpu.memory_space<vmem>>
        %dma_start3A_219 = tpu.memref_squeeze %dma_start3A_218 : memref<1x1x128xi32, #tpu.memory_space<vmem>> -> memref<128xi32, #tpu.memory_space<vmem>>
        %dma_start3A_220 = arith.constant 0 : i32
        %dma_start3A_221 = arith.constant 0 : i32
        %dma_start3A_222 = tpu.memref_slice %arg3[%dma_start3A_220, %dma_start3A_221] : memref<200000x64xf32, #tpu.memory_space<hbm>> -> memref<200000x64xf32, #tpu.memory_space<hbm>>
        tpu.enqueue_indirect_dma source(%dma_start3A_222 : memref<200000x64xf32, #tpu.memory_space<hbm>>) target(%arg7 : memref<128x64xf32, #tpu.memory_space<vmem>>) offsets(%dma_start3A_219 : memref<128xi32, #tpu.memory_space<vmem>>) semaphore(%arg11 : memref<!tpu.dma_semaphore, #tpu.memory_space<semaphore_mem>>)
      } else {
      }
    }
    %scan3A_117 = arith.constant 100 : i32
    %dma_wait3A = arith.constant 198 : i32
    %dma_wait3A_118 = arith.constant 0 : i32
    %dma_wait3A_119 = arith.constant 0 : i32
    %dma_wait3A_120 = arith.constant 0 : i32
    %dma_wait3A_121 = tpu.memref_slice %arg4[%dma_wait3A, %dma_wait3A_118, %add3A, %dma_wait3A_119, %dma_wait3A_120] : memref<200x8x32x8x128xf32, #tpu.memory_space<hbm>> -> memref<1x8x1x8x128xf32, #tpu.memory_space<hbm>>
    %dma_wait3A_122 = tpu.memref_squeeze %dma_wait3A_121 : memref<1x8x1x8x128xf32, #tpu.memory_space<hbm>> -> memref<8x8x128xf32, #tpu.memory_space<hbm>>
    %dma_wait3A_123 = arith.constant 0 : i32
    %dma_wait3A_124 = arith.constant 0 : i32
    %dma_wait3A_125 = arith.constant 0 : i32
    %dma_wait3A_126 = tpu.memref_slice %arg4[%dma_wait3A, %dma_wait3A_123, %add3A, %dma_wait3A_124, %dma_wait3A_125] : memref<200x8x32x8x128xf32, #tpu.memory_space<hbm>> -> memref<1x8x1x8x128xf32, #tpu.memory_space<hbm>>
    %dma_wait3A_127 = tpu.memref_squeeze %dma_wait3A_126 : memref<1x8x1x8x128xf32, #tpu.memory_space<hbm>> -> memref<8x8x128xf32, #tpu.memory_space<hbm>>
    tpu.wait_dma2 semaphore(%arg12 : memref<!tpu.dma_semaphore, #tpu.memory_space<semaphore_mem>>) src(%arg8 : memref<8x8x128xf32, #tpu.memory_space<vmem>>) dst(%dma_wait3A_127 : memref<8x8x128xf32, #tpu.memory_space<hbm>>)
    %dma_wait3A_128 = arith.constant 199 : i32
    %dma_wait3A_129 = arith.constant 0 : i32
    %dma_wait3A_130 = arith.constant 0 : i32
    %dma_wait3A_131 = arith.constant 0 : i32
    %dma_wait3A_132 = tpu.memref_slice %arg4[%dma_wait3A_128, %dma_wait3A_129, %add3A, %dma_wait3A_130, %dma_wait3A_131] : memref<200x8x32x8x128xf32, #tpu.memory_space<hbm>> -> memref<1x8x1x8x128xf32, #tpu.memory_space<hbm>>
    %dma_wait3A_133 = tpu.memref_squeeze %dma_wait3A_132 : memref<1x8x1x8x128xf32, #tpu.memory_space<hbm>> -> memref<8x8x128xf32, #tpu.memory_space<hbm>>
    %dma_wait3A_134 = arith.constant 0 : i32
    %dma_wait3A_135 = arith.constant 0 : i32
    %dma_wait3A_136 = arith.constant 0 : i32
    %dma_wait3A_137 = tpu.memref_slice %arg4[%dma_wait3A_128, %dma_wait3A_134, %add3A, %dma_wait3A_135, %dma_wait3A_136] : memref<200x8x32x8x128xf32, #tpu.memory_space<hbm>> -> memref<1x8x1x8x128xf32, #tpu.memory_space<hbm>>
    %dma_wait3A_138 = tpu.memref_squeeze %dma_wait3A_137 : memref<1x8x1x8x128xf32, #tpu.memory_space<hbm>> -> memref<8x8x128xf32, #tpu.memory_space<hbm>>
    tpu.wait_dma2 semaphore(%arg13 : memref<!tpu.dma_semaphore, #tpu.memory_space<semaphore_mem>>) src(%arg9 : memref<8x8x128xf32, #tpu.memory_space<vmem>>) dst(%dma_wait3A_138 : memref<8x8x128xf32, #tpu.memory_space<hbm>>)
    return
  }
}

</mosaic_0001>

<sc_bundles>
// kernel: kernel.3.cloned.1.call-start
scs
__scs_entry_jumppad:
0x0: {  	(pc) =	sbr.rel $0x88, $3  }
0x1: {  	(tag) =	ssettag $0x0;
	lr =	simm.s32 $0x1  }
0x2: {  	[smem:$0x3F9F] =	sst lr;
	_ =	strace $0xD0000000  }
0x3: {  	_ = 	snop  }
0x4: {  	_ = 	snop  }
0x5: {  	_ = 	snop  }
0x6: {  	_ = 	snop  }
0x7: {  	_ = 	snop  }
__scs_overlays_trampoline_lowered:
0x8: {  	[smem:$0x3FAE] =	sst s0  }
0x9: {  	[smem:$0x3FAF] =	sst s1  }
0xa: {  	[smem:$0x3FB0] =	sst s2  }
0xb: {  	[smem:$0x3FB1] =	sst s3  }
0xc: {  	[smem:$0x3FB2] =	sst s4  }
0xd: {  	[smem:$0x3FB3] =	sst s5  }
0xe: {  	[smem:$0x3FB4] =	sst s6  }
0xf: {  	[smem:$0x3FB5] =	sst s7  }
0x10: {  	[smem:$0x3FB6] =	sst s8  }
0x11: {  	[smem:$0x3FB7] =	sst s9;
	s0 =	simm.s32 @!p0 $0x0  }
0x12: {  	s1 =	sld [smem:$0x3F9D];
	s0 =	simm.s32 @p0 $0x1  }
0x13: {  	[smem:$0x3FB8] =	sst s0;
	s0 =	simm.s32 @!p1 $0x0  }
0x14: {  	s2 =	sld [smem:$0x3F9C];
	s0 =	simm.s32 @p1 $0x1  }
0x15: {  	[smem:$0x3FB9] =	sst s0;
	s0 =	simm.s32 @!p2 $0x0  }
0x16: {  	s3 =	sld [smem:$0x3FDB];
	s0 =	simm.s32 @p2 $0x1  }
0x17: {  	s4 =	simm.s32 $0x1BF5;
	[smem:$0x3FBB] =	sst s0  }
0x18: {  	s0 =	sld [smem:$0x3F9E];
	_ =	swait.ge [sflag:s4], $0x0  }
0x19: {  	s7 =	sld [smem:$0x3F9F]  }
0x1a: {  	s8 =	sadd.s32 $0xFFFFE003, lr  }
0x1b: {  	s9 =	sadd.s32 $0xFFFFFEF7, lr;
	s5 =	simm.s32 $0xFFFFFFFF;
	p2 =	slt.u32 s8, $0xFFFFF086  }
0x1c: {  	p1 =	slt.u32 s9, $0xF7A;
	s5 =	simm.s32 @!p2 $0x0  }
0x1d: {  	s5 =	simm.s32 @p1 $0x1;
	p0 =	seq.s32 s7, s2  }
0x1e: {  	s7 =	smul.u32 @!p0 $0xF7A, s2;
	p2 =	seq.s32 @!p0 s5, $0x0  }
0x1f: {  	s9 =	smul.u32 $0xF7A, s1;
	s8 =	simm.s32 @!p0 $0x1BF5;
	p2 =	por !p2, p0  }
0x20: {  	[sflag:s8] =	ssyncset.s32 @!p0 $0xFFFFF086;
	s6 =	sadd.s32 @!p0 s3, s7;
	s7 =	simm.s32 @!p0 $0x108  }
0x21: {  	s3 =	sadd.s32 s3, s9;
	s6 =	sadd.s32 @!p0 $0x88, s6;
	s7 =	simm.s32 @p2 $0x1082  }
0x22: {  	[simem:s7], [sflag:s8] =	dma.local @!p0 [hbm:s6], $0xF7A  }
0x23: {  	s9 =	sor.u32 $0xD0000000, s2;
	s6 =	simm.s32 $0x108;
	_ =	swait.ge @!p0 [sflag:s8], $0x0  }
0x24: {  	s3 =	sadd.s32 $0x88, s3;
	s6 =	simm.s32 @!p1 $0x1082;
	[sflag:s4] =	ssyncset.s32 $0xFFFFF086  }
0x25: {  	[simem:s6], [sflag:s4] =	dma.local [hbm:s3], $0xF7A  }
0x26: {  	[smem:$0x3F9F] =	sst s1;
	(tag) =	ssettag s2;
	_ =	strace s9  }
0x27: {  	s1 =	sld [smem:$0x3FAF]  }
0x28: {  	s2 =	sld [smem:$0x3FB0]  }
0x29: {  	s4 =	sld [smem:$0x3FB2]  }
0x2a: {  	p0 =	seq.s32 s5, $0x0;
	s5 =	sld [smem:$0x3FB3]  }
0x2b: {  	s6 =	sld [smem:$0x3FB4]  }
0x2c: {  	s7 =	sld [smem:$0x3FB5]  }
0x2d: {  	s3 =	simm.s32 $0x108;
	s8 =	sld [smem:$0x3FB6]  }
0x2e: {  	s3 =	simm.s32 @!p0 $0x1082;
	s9 =	sld [smem:$0x3FB7]  }
0x2f: {  	lr =	sadd.s32 s0, s3;
	s0 =	sld [smem:$0x3FAE]  }
0x30: {  	s3 =	sld [smem:$0x3FB1]  }
0x31: {  	[smem:$0x3FBA] =	sst s10  }
0x32: {  	s10 =	sld [smem:$0x3FB8];
	_ =	sdelay $0x3  }
0x33: {  	p0 =	seq.s32 s10, $0x1;
	s10 =	sld [smem:$0x3FBA];
	_ =	sdelay $0x3  }
0x34: {  	[smem:$0x3FBA] =	sst s10  }
0x35: {  	s10 =	sld [smem:$0x3FB9];
	_ =	sdelay $0x3  }
0x36: {  	p1 =	seq.s32 s10, $0x1;
	s10 =	sld [smem:$0x3FBA];
	_ =	sdelay $0x3  }
0x37: {  	[smem:$0x3FBA] =	sst s10  }
0x38: {  	s10 =	sld [smem:$0x3FBB]  }
0x39: {  	_ = 	snop;
	(pc) =	sbr.ind lr, $3  }
0x3a: {  	_ = 	snop  }
0x3b: {  	_ = 	snop  }
0x3c: {  	p2 =	seq.s32 s10, $0x1;
	s10 =	sld [smem:$0x3FBA]  }
0x3d: {  	_ =	shalt  }
0x3e: {  	_ =	shalt  }
0x3f: {  	_ =	shalt  }
0x40: {  	_ =	shalt  }
0x41: {  	_ =	shalt  }
0x42: {  	_ =	shalt  }
0x43: {  	_ =	shalt  }
0x44: {  	_ =	shalt  }
0x45: {  	_ =	shalt  }
0x46: {  	_ =	shalt  }
0x47: {  	_ =	shalt  }
0x48: {  	_ =	shalt  }
0x49: {  	_ =	shalt  }
0x4a: {  	_ =	shalt  }
0x4b: {  	_ =	shalt  }
0x4c: {  	_ =	shalt  }
0x4d: {  	_ =	shalt  }
0x4e: {  	_ =	shalt  }
0x4f: {  	_ =	shalt  }
0x50: {  	_ =	shalt  }
0x51: {  	_ =	shalt  }
0x52: {  	_ =	shalt  }
0x53: {  	_ =	shalt  }
0x54: {  	_ =	shalt  }
0x55: {  	_ =	shalt  }
0x56: {  	_ =	shalt  }
0x57: {  	_ =	shalt  }
0x58: {  	_ =	shalt  }
0x59: {  	_ =	shalt  }
0x5a: {  	_ =	shalt  }
0x5b: {  	_ =	shalt  }
0x5c: {  	_ =	shalt  }
0x5d: {  	_ =	shalt  }
0x5e: {  	_ =	shalt  }
0x5f: {  	_ =	shalt  }
0x60: {  	_ =	shalt  }
0x61: {  	_ =	shalt  }
0x62: {  	_ =	shalt  }
0x63: {  	_ =	shalt  }
0x64: {  	_ =	shalt  }
0x65: {  	_ =	shalt  }
0x66: {  	_ =	shalt  }
0x67: {  	_ =	shalt  }
0x68: {  	_ =	shalt  }
0x69: {  	_ =	shalt  }
0x6a: {  	_ =	shalt  }
0x6b: {  	_ =	shalt  }
0x6c: {  	_ =	shalt  }
0x6d: {  	_ =	shalt  }
0x6e: {  	_ =	shalt  }
0x6f: {  	_ =	shalt  }
0x70: {  	_ =	shalt  }
0x71: {  	_ =	shalt  }
0x72: {  	_ =	shalt  }
0x73: {  	_ =	shalt  }
0x74: {  	_ =	shalt  }
0x75: {  	_ =	shalt  }
0x76: {  	_ =	shalt  }
0x77: {  	_ =	shalt  }
0x78: {  	_ =	shalt  }
0x79: {  	_ =	shalt  }
0x7a: {  	_ =	shalt  }
0x7b: {  	_ =	shalt  }
0x7c: {  	_ =	shalt  }
0x7d: {  	_ =	shalt  }
0x7e: {  	_ =	shalt  }
0x7f: {  	_ =	shalt  }
0x80: {  	_ =	shalt  }
0x81: {  	_ =	shalt  }
0x82: {  	_ =	shalt  }
0x83: {  	_ =	shalt  }
0x84: {  	_ =	shalt  }
0x85: {  	_ =	shalt  }
0x86: {  	_ =	shalt  }
0x87: {  	_ =	shalt  }
.Lfunc_end0:
.L_simem_size_0:
called_computation_lowered:
.L_overlay_start_0:
0x88: {  	s2 =	sld [smem:$0x3FD9]  }
0x89: {  	s3 =	sld [smem:$0x3FFE];
	_ =	sdelay $0x1  }
0x8a: {  	s1 =	srdreg.scid  }
0x8b: {  	s0 =	sand.u32 $0x1, s1  }
0x8c: {  	s17 =	sshll.u32 s0, $0xA;
	s2 =	sadd.s32 s3, s2  }
0x8d: {  	s2 =	sadd.s32 s2, s17  }
0x8e: {  	[smem:$0x3FC6] =	sst s2  }
0x8f: {  	_ = 	snop  }
0x90: {  	s2 =	sld [smem:$0x3FC9]  }
0x91: {  	s18 =	sld [smem:$0x3FD0];
	(tm) =	ssettm $0x1  }
0x92: {  	s4 =	sld [smem:$0x3FFB];
	_ =	sdelay $0x3  }
0x93: {  	_ =	strace s4  }
0x94: {  	s4 =	sld [smem:$0x3FFC];
	_ =	sdelay $0x3  }
0x95: {  	_ =	strace s4  }
0x96: {  	s4 =	sld [smem:$0x3FFD];
	_ =	sdelay $0x3  }
0x97: {  	_ =	strace s4  }
0x98: {  	_ =	strace $0x8FFFFFFF  }
0x99: {  	s19 =	sld [smem:$0x3FDB];
	_ =	sdelay $0x1  }
0x9a: {  	s5 =	simm.s32 $_scs_section_size  }
0x9b: {  	s6 =	simm.s32 $_size__tile_overlayer_lowered;
	s7 =	simm.s32 $_tile_overlayer_lowered  }
0x9c: {  	s22 =	simm.s32 $0x1BFF;
	s21 =	sshll.u32 s7, $0x1;
	s4 =	sadd.s32 s5, s19  }
0x9d: {  	s8 =	simm.s32 $0x0;
	s20 =	sshll.u32 s6, $0x1;
	s6 =	sadd.s32 s21, s4  }
0x9e: {  	[timem:s8], [sflag:s22] =	dma.local [hbm:s6], s20  }
0x9f: {  	_ =	swait.ge [sflag:s22], s20  }
0xa0: {  	s5 =	ssub.s32 $0x0, s20;
	[sflag:s22] =	ssyncset.done $0x0  }
0xa1: {  	[sflag:s22] =	ssyncadd.s32 s5;
	_ =	sdelay $0x1  }
0xa2: {  	s23 =	simm.s32 $0x1B8B  }
0xa3: {  	_ =	swait.ge [sflag:s23], $0x1  }
0xa4: {  	[sflag:s23] =	ssyncset.done $0x0  }
0xa5: {  	s25 =	simm.s32 $0x1B8E;
	s24 =	sld [smem:$0x3FFE];
	[sflag:s23] =	ssyncadd.s32 $0xFFFFFFFF  }
0xa6: {  	s26 =	simm.s32 $execute0_lowered;
	[smem:$0x3FD2] =	sst s25  }
0xa7: {  	s6 =	sshll.u32 s26, $0x1;
	_ =	strace $0x80000046;
	[dreg:$0x1] =	wrdreg $0xFFFFFFFF  }
0xa8: {  	s28 =	simm.s32 $_size_execute0_lowered;
	s4 =	sadd.s32 s4, s6;
	[dreg:$0x0] =	wrdreg $0x0  }
0xa9: {  	s6 =	sshll.u32 s28, $0x1;
	[dreg:$0x2] =	wrdreg s4  }
0xaa: {  	[dreg:$0x3] =	wrdreg s6  }
0xab: {  	[dreg:$0x4] =	wrdreg $0xC0  }
0xac: {  	_ =	task [dreg:s8], $0x5FFFF  }
0xad: {  	[dreg:$0x1] =	wrdreg $0xFFFFFFFF  }
0xae: {  	[dreg:$0x0] =	wrdreg $0x60  }
0xaf: {  	[dreg:$0x2] =	wrdreg s2  }
0xb0: {  	[dreg:$0x3] =	wrdreg s24  }
0xb1: {  	[dreg:$0x4] =	wrdreg s18  }
0xb2: {  	[dreg:$0x5] =	wrdreg $0x9  }
0xb3: {  	_ =	task.clear_ibuf [dreg:s8], $0x6FFFF;
	_ =	strace $0x90000046  }
0xb4: {  	s29 =	simm.s32 $0x9;
	_ =	strace $0x80000048  }
0xb5: {  	_ =	swait.ge [sflag:s29], $0x1  }
0xb6: {  	[sflag:s29] =	ssyncadd.s32 $0xFFFFFFFF  }
0xb7: {  	_ =	strace $0x90000048  }
0xb8: {  	_ =	sfence  }
0xb9: {  	s30 =	sld [smem:$0x0];
	_ =	sdelay $0x2  }
0xba: {  	s31 =	sshll.u32 s1, $0xD;
	s1 =	sshrl.u32 s1, $0x2  }
0xbb: {  	s3 =	sand.u32 $0x4000, s31;
	s1 =	sadd.s32 s1, s30  }
0xbc: {  	s0 =	sor.u32 s3, s0;
	s1 =	sshll.u32 s1, $0x11  }
0xbd: {  	s0 =	sor.u32 s1, s0  }
0xbe: {  	s0 =	sadd.s32 $0x8F2B, s0  }
0xbf: {  	[sflag:s0] =	ssyncadd.remote.s32 $0x1  }
0xc0: {  	_ =	sfence.sel $0xFFFF  }
0xc1: {  	[dreg:$0x0] =	wrdreg $0xFFFFFFFF;
	(pc) =	sbr.abs _section_cstart, $3  }
0xc2: {  	[dreg:$0x1] =	wrdreg $0xFFFFFFFF  }
0xc3: {  	_ =	task.clear_ibuf [dreg:s8], $0x2FFFF;
	_ =	strace $0x9FFFFFFF  }
0xc4: {  	(tm) =	ssettm $0x7FFFFFFF  }
0xc5: {  	_ =	shalt  }
tec
execute0_lowered:
.L_overlay_start_1:
0x0: {  	(tag) =	ssettag $0x1  }
0x1: {  	v1 =	vimm.s32 $0xFEDCBA9  }
0x2: {  	v0 =	vlaneseq.u32;
	vm7 =	vcmask $0x300;
	vm8 =	vcmask $0x704  }
0x3: {  	vm9 =	vcmask $0xB08;
	vm10 =	vcmask $0xF0C;
	vm11 =	vcmask $0x1310  }
0x4: {  	vm12 =	vcmask $0x1714;
	vm13 =	vcmask $0x1B18;
	vm6 =	vcmask $0x2320  }
0x5: {  	vm5 =	vcmask $0x2724;
	vm14 =	vcmask $0x1F10;
	vm1 =	vcmask $0x2B28  }
0x6: {  	vm0 =	vcmask $0x2F2C;
	v5 =	vimm.s32 $0x10FEDCBA;
	v6 =	vimm.s32 $0x98765432  }
0x7: {  	v7 =	vimm.s32 $0x80;
	vm2 =	vcmask $0x3330;
	vm4 =	vcmask $0x3734  }
0x8: {  	vm3 =	vcmask $0x3B38;
	v8 =	vimm.s32 $0x39383F3E;
	v9 =	vimm.s32 $0x210FEDCB  }
0x9: {  	v10 =	vimm.s32 $0xA9876543;
	v11 =	vimm.s32 $0x180;
	v13 =	vimm.s32 $0xBA987654  }
0xa: {  	v16 =	vimm.s32 $0x200;
	v2 =	vunpack.c.l.s4.s8 v1;
	v1 =	vimm.s32 $0x87654321  }
0xb: {  	v19 =	vimm.s32 $0xCBA98765;
	v21 =	vimm.s32 $0x543210FE;
	v4 =	vunpack.c.l.s4.s8 v1  }
0xc: {  	v22 =	vimm.s32 $0xDCBA9876;
	v3 =	vand.u32 $0x7, v0;
	v40 =	vor.u32 $0x48, v0  }
0xd: {  	v41 =	vunpack.c.0.s8.s32 v2;
	v26 =	vunpack.c.0.s8.s32 v4;
	v4 =	vimm.s32 $0x0  }
0xe: {  	v1 =	vor.u32 $0x38, v3;
	v47 =	vmul.u32 $0x80, v3;
	v3 =	vsel vm7, $0x80, v4  }
0xf: {  	v5 =	vunpack.c.l.s4.s8 v5;
	v4 =	vcombine.low v26, v41;
	v3 =	vsel vm8, $0x100, v3  }
0x10: {  	v6 =	vunpack.c.l.s4.s8 v6;
	v7 =	vsel vm7, $0x100, v7;
	v3 =	vsel vm9, $0x180, v3  }
0x11: {  	v39 =	vand.u32 $0xF, v4;
	v3 =	vsel vm10, $0x200, v3;
	v4 =	vimm.s32 $0x3C3B3A39  }
0x12: {  	v3 =	vsel vm11, $0x280, v3;
	v17 =	vunpack.c.0.s8.s32 v4;
	v4 =	vimm.s32 $0x383F3E3D  }
0x13: {  	v9 =	vunpack.c.l.s4.s8 v9;
	v3 =	vsel vm12, $0x300, v3;
	v18 =	vunpack.c.0.s8.s32 v4  }
0x14: {  	v10 =	vunpack.c.l.s4.s8 v10;
	v27 =	vunpack.c.0.s8.s32 v5;
	v3 =	vsel vm13, $0x380, v3  }
0x15: {  	v24 =	vunpack.c.0.s8.s32 v6;
	v3 =	vsel vm6, $0x80, v3;
	v4 =	vsel vm14, v18, v17  }
0x16: {  	v7 =	vsel vm8, $0x180, v7;
	v3 =	vsel vm5, $0x100, v3;
	v4 =	vcombine.low v4, v4  }
0x17: {  	v6 =	vsel vm9, $0x200, v7;
	v7 =	vcombine.low v24, v27;
	v3 =	vsel vm1, $0x180, v3  }
0x18: {  	v20 =	vunpack.c.0.s8.s32 v8;
	v3 =	vsel vm0, $0x200, v3;
	[tilespmem:$0x1FDD0] =	vst v4;
	v4 =	vsel vm10, $0x280, v6  }
0x19: {  	v5 =	vand.u32 $0xF, v7;
	v3 =	vsel vm2, $0x280, v3;
	v4 =	vsel vm11, $0x300, v4  }
0x1a: {  	v7 =	vimm.s32 $0x100;
	v3 =	vsel vm4, $0x300, v3;
	v4 =	vsel vm12, $0x380, v4  }
0x1b: {  	v7 =	vsel vm7, $0x180, v7;
	v63 =	vsel vm3, $0x380, v3;
	v3 =	vsel vm13, $0x0, v4  }
0x1c: {  	v11 =	vsel vm7, $0x200, v11;
	v7 =	vsel vm8, $0x200, v7;
	v3 =	vsel vm6, $0x100, v3  }
0x1d: {  	v13 =	vunpack.c.l.s4.s8 v13;
	v7 =	vsel vm9, $0x280, v7;
	v3 =	vsel vm5, $0x180, v3  }
0x1e: {  	v29 =	vunpack.c.0.s8.s32 v9;
	v7 =	vsel vm10, $0x300, v7;
	v3 =	vsel vm1, $0x200, v3  }
0x1f: {  	v30 =	vunpack.c.0.s8.s32 v10;
	v7 =	vsel vm11, $0x380, v7;
	v3 =	vsel vm0, $0x280, v3  }
0x20: {  	v16 =	vsel vm7, $0x280, v16;
	v7 =	vsel vm12, $0x0, v7;
	v3 =	vsel vm2, $0x300, v3  }
0x21: {  	v10 =	vcombine.low v30, v29;
	v7 =	vsel vm13, $0x80, v7;
	v3 =	vsel vm4, $0x380, v3  }
0x22: {  	v19 =	vunpack.c.l.s4.s8 v19;
	v7 =	vsel vm6, $0x180, v7;
	v3 =	vsel vm3, $0x0, v3  }
0x23: {  	v11 =	vsel vm8, $0x280, v11;
	[tilespmem:$0x1FDE0] =	vst v3;
	v3 =	vsel vm5, $0x200, v7;
	v7 =	vand.u32 $0xF, v10  }
0x24: {  	v10 =	vimm.s32 $0x3A39383F;
	[tilespmem:$0x1FDF0] =	vst v7;
	v7 =	vimm.s32 $0x3E3D3C3B;
	v3 =	vsel vm1, $0x280, v3  }
0x25: {  	v10 =	vunpack.c.0.s8.s32 v10;
	v7 =	vunpack.c.0.s8.s32 v7;
	v3 =	vsel vm0, $0x300, v3  }
0x26: {  	v11 =	vsel vm9, $0x300, v11;
	v32 =	vunpack.c.0.s8.s32 v13;
	v3 =	vsel vm2, $0x380, v3  }
0x27: {  	v13 =	vsel vm10, $0x380, v11;
	v14 =	vsel vm14, v10, v7;
	v3 =	vsel vm4, $0x0, v3  }
0x28: {  	v0 =	vcombine.low v14, v14;
	v11 =	vsel vm3, $0x80, v3;
	v3 =	vsel vm11, $0x0, v13  }
0x29: {  	v21 =	vunpack.c.l.s4.s8 v21;
	v22 =	vunpack.c.l.s4.s8 v22;
	v3 =	vsel vm12, $0x80, v3  }
0x2a: {  	v14 =	vimm.s32 $0x3F3E3D3C;
	[tilespmem:$0x1FE00] =	vst v0;
	v0 =	vimm.s32 $0x3B3A3938;
	v3 =	vsel vm13, $0x100, v3  }
0x2b: {  	v14 =	vunpack.c.0.s8.s32 v14;
	v0 =	vunpack.c.0.s8.s32 v0;
	v3 =	vsel vm6, $0x200, v3  }
0x2c: {  	v34 =	vunpack.c.0.s8.s32 v19;
	v35 =	vunpack.c.0.s8.s32 v21;
	v3 =	vsel vm5, $0x280, v3  }
0x2d: {  	v14 =	vsel vm14, v0, v14;
	v0 =	vsel vm8, $0x300, v16;
	v16 =	vimm.s32 $0x43210FED  }
0x2e: {  	v3 =	vsel vm1, $0x300, v3;
	v0 =	vsel vm9, $0x380, v0;
	v16 =	vunpack.c.l.s4.s8 v16  }
0x2f: {  	v36 =	vunpack.c.0.s8.s32 v22;
	v3 =	vsel vm0, $0x380, v3;
	v0 =	vsel vm10, $0x0, v0  }
0x30: {  	v0 =	vsel vm11, $0x80, v0;
	v33 =	vunpack.c.0.s8.s32 v16;
	v16 =	vimm.s32 $0x280  }
0x31: {  	v3 =	vsel vm2, $0x0, v3;
	v0 =	vsel vm12, $0x100, v0;
	v16 =	vsel vm7, $0x300, v16  }
0x32: {  	v3 =	vsel vm4, $0x80, v3;
	v0 =	vsel vm13, $0x180, v0;
	v16 =	vsel vm8, $0x380, v16  }
0x33: {  	v19 =	vsel vm6, $0x280, v0;
	v0 =	vsel vm3, $0x100, v3;
	v16 =	vsel vm9, $0x0, v16  }
0x34: {  	v3 =	vsel vm5, $0x300, v19;
	v19 =	vcombine.low v34, v33;
	v16 =	vsel vm10, $0x80, v16  }
0x35: {  	v22 =	vimm.s32 $0xEDCBA987;
	v4 =	vimm.s32 $0x3D3C3B3A;
	v23 =	vsel vm11, $0x100, v16  }
0x36: {  	v3 =	vsel vm1, $0x380, v3;
	v28 =	vand.u32 $0xF, v19;
	v19 =	vsel vm12, $0x180, v23  }
0x37: {  	v4 =	vunpack.c.0.s8.s32 v4;
	v3 =	vsel vm0, $0x0, v3;
	v19 =	vsel vm13, $0x200, v19  }
0x38: {  	v17 =	vsel vm14, v17, v18;
	v3 =	vsel vm2, $0x80, v3;
	v18 =	vsel vm6, $0x300, v19  }
0x39: {  	v8 =	vsel vm14, v20, v4;
	v3 =	vsel vm4, $0x100, v3;
	v21 =	vsel vm5, $0x380, v18  }
0x3a: {  	v6 =	vsel vm3, $0x180, v3;
	v3 =	vsel vm1, $0x0, v21;
	v21 =	vimm.s32 $0x300  }
0x3b: {  	v4 =	vsel vm14, v4, v20;
	v20 =	vsel vm7, $0x380, v21;
	v21 =	vimm.s32 $0x6543210F  }
0x3c: {  	v22 =	vunpack.c.l.s4.s8 v22;
	v21 =	vunpack.c.l.s4.s8 v21;
	_ =	sdelay $0x1  }
0x3d: {  	v38 =	vunpack.c.0.s8.s32 v22;
	v37 =	vunpack.c.0.s8.s32 v21;
	_ =	sdelay $0x1  }
0x3e: {  	v2 =	vcombine.low v36, v35;
	v22 =	vcombine.low v38, v37  }
0x3f: {  	s6 =	rddreg [dreg:$0x0]  }
0x40: {  	s5 =	rddreg [dreg:$0x1];
	s2 =	simm.s32 $0x0;
	v45 =	vand.u32 $0xF, v2;
	v2 =	vand.u32 $0xF, v22  }
0x41: {  	[smem:$0x7FF] =	sst s2;
	v19 =	vcombine.low v4, v4;
	[tilespmem:$0x1FE10] =	vst v2  }
0x42: {  	s1 =	rddreg [dreg:$0x2];
	_ =	strace $0x80000047;
	[tilespmem:$0x1FE30] =	vst v6  }
0x43: {  	[tilespmem:$0x1FE40] =	vst v19  }
0x44: {  	[tilespmem:$0x1FE50] =	vst v1  }
0x45: {  	v12 =	vimm.s32 $0x3210FEDC;
	v58 =	vcombine.low v8, v8;
	[tilespmem:$0x1FE60] =	vst v47  }
0x46: {  	v12 =	vunpack.c.l.s4.s8 v12;
	[tilespmem:$0x1FE70] =	vst v63  }
0x47: {  	[tilespmem:$0x1FE80] =	vst v58  }
0x48: {  	v31 =	vunpack.c.0.s8.s32 v12;
	[tilespmem:$0x1FE90] =	vst v28  }
0x49: {  	v17 =	vcombine.low v17, v17;
	v7 =	vsel vm14, v7, v10;
	v20 =	vsel vm8, $0x0, v20;
	[tilespmem:$0x1FEA0] =	vst v45  }
0x4a: {  	v10 =	vimm.s32 $0xFEDCBA98;
	v23 =	vsel vm9, $0x80, v20;
	v22 =	vcombine.low v7, v7;
	[tilespmem:$0x1FEB0] =	vst v39  }
0x4b: {  	v13 =	vcombine.low v32, v31;
	v3 =	vsel vm0, $0x80, v3;
	v4 =	vsel vm10, $0x100, v23;
	[tilespmem:$0x1FEE0] =	vst v40  }
0x4c: {  	v10 =	vunpack.c.l.s4.s8 v10;
	v3 =	vsel vm2, $0x100, v3;
	v20 =	vmovc v11;
	v4 =	vsel vm11, $0x180, v4;
	[tilespmem:$0x1FF60] =	vst v22  }
0x4d: {  	v3 =	vsel vm4, $0x180, v3;
	v21 =	vimm.s32 $0x76543210;
	v4 =	vsel vm12, $0x200, v4;
	[tilespmem:$0x1FF80] =	vst v20  }
0x4e: {  	v23 =	vunpack.c.l.s4.s8 v21;
	v21 =	vsel vm3, $0x200, v3;
	v4 =	vsel vm13, $0x280, v4;
	[tilespmem:$0x1FF90] =	vst v17  }
0x4f: {  	v62 =	vand.u32 $0xF, v13;
	v57 =	vcombine.low v14, v14;
	v11 =	vmovc v0;
	v4 =	vsel vm6, $0x380, v4;
	[tilespmem:$0x1FFA0] =	vst v21  }
0x50: {  	v7 =	vcombine.low v27, v24;
	v3 =	vsel vm5, $0x0, v4;
	v4 =	vunpack.c.0.s8.s32 v10;
	[tilespmem:$0x1FFB0] =	vst v11  }
0x51: {  	v10 =	vunpack.c.0.s8.s32 v23;
	v2 =	vlaneseq.u32;
	v3 =	vsel vm1, $0x80, v3;
	[tilespmem:$0x1FFE0] =	vst v57  }
0x52: {  	v24 =	vand.u32 $0xF, v7;
	v15 =	vor.u32 $0x58, v2;
	[tilespmem:$0x1FFF0] =	vst v62;
	v4 =	vand.u32 $0xF, v4  }
0x53: {  	v3 =	vsel vm0, $0x100, v3;
	[tilespmem:$0x1FF00] =	vst v24;
	v46 =	vcombine.low v4, v10;
	v10 =	vcombine.low v29, v30  }
0x54: {  	[tilespmem:$0x1FF20] =	vst v15;
	v3 =	vsel vm2, $0x180, v3  }
0x55: {  	v4 =	vcombine.low v41, v26;
	v3 =	vsel vm4, $0x200, v3;
	v0 =	vand.u32 $0xF, v10;
	[tilespmem:$0x1FED0] =	vst v46  }
0x56: {  	s3 =	srdreg.scid;
	v16 =	vsel vm3, $0x280, v3;
	v3 =	vcombine.low v31, v32;
	v32 =	vmov v5;
	[tilespmem:$0x1FE20] =	vst v0  }
0x57: {  	s0 =	stileid.u32;
	s10 =	simm.s32 $0x8000;
	s11 =	simm.s32 $0x5;
	v9 =	vand.u32 $0xF, v4;
	[tilespmem:$0x1FEC0] =	vst v32  }
0x58: {  	s12 =	simm.s32 $0x80;
	s13 =	simm.s32 $0x6400;
	s14 =	simm.s32 $0x8400;
	v5 =	vor.u32 $0x68, v2;
	[tilespmem:$0x1FEF0] =	vst v9  }
0x59: {  	s15 =	simm.s32 $0x1;
	s16 =	simm.s32 $0xA400;
	s17 =	simm.s32 $0x2;
	v30 =	vcombine.low v33, v34;
	v31 =	vor.u32 $0x78, v2;
	[tilespmem:$0x1FF30] =	vst v5  }
0x5a: {  	s18 =	simm.s32 $0x4;
	s19 =	simm.s32 $0xC400;
	s20 =	simm.s32 $0x3;
	v61 =	vcombine.low v37, v38;
	[tilespmem:$0x1FF40] =	vst v31  }
.Ltmp0:
0x5b: {  	s21 =	simm.s32 $0x0;
	s4 =	sand.u32 $0x1, s3;
	v30 =	vand.u32 $0xF, v30;
	[tilespmem:$0x1FF70] =	vst v16;
	(pc) =	sbr.rel .LBB2_1-.Ltmp0, $4  }
0x5c: {  	s7 =	sshll.u32 s0, $0xB;
	s8 =	sshll.u32 s4, $0xA;
	s9 =	ssub.s32 $0x2, s4;
	v4 =	vcombine.low v35, v36;
	v0 =	vand.u32 $0xF, v61;
	[tilespmem:$0x1FFC0] =	vst v30  }
0x5d: {  	s5 =	sadd.s32 $0x400, s5;
	s4 =	sor.u32 s8, s7;
	s31 =	sshrl.u32 s9, $0x1;
	v33 =	vand.u32 $0xF, v3;
	[tilespmem:$0x1FF50] =	vst v0  }
0x5e: {  	s7 =	sadd.s32 $0x8000, s1;
	s8 =	sshrl.u32 s4, $0x3;
	s9 =	ssub.s32 s9, s31;
	v34 =	vand.u32 $0xF, v4;
	[tilespmem:$0x1FF10] =	vst v33  }
0x5f: {  	s6 =	sadd.s32 s6, s8;
	s8 =	smax.u32 s9, $0x1;
	s9 =	simm.s32 $0x400;
	v25 =	vmov v6;
	v29 =	vmov v39;
	v35 =	vmov v40;
	[tilespmem:$0x1FFD0] =	vst v34  }
.LBB2_14:
0x60: {  	_ =	swait.ge [sflag:s20], $0x2000  }
0x61: {  	[sflag:s20] =	ssyncset.done $0x0  }
0x62: {  	[sflag:s20] =	ssyncadd.s32 $0xFFFFE000  }
0x63: {  	_ =	swait.ge [sflag:s18], $0x2000  }
0x64: {  	v1 =	vld [tilespmem:$0x1FE50]  }
0x65: {  	v47 =	vld [tilespmem:$0x1FE60]  }
0x66: {  	v29 =	vld [tilespmem:$0x1FEB0]  }
0x67: {  	v63 =	vld [tilespmem:$0x1FE70]  }
0x68: {  	v32 =	vld [tilespmem:$0x1FEC0]  }
0x69: {  	v58 =	vld [tilespmem:$0x1FE80]  }
0x6a: {  	s21 =	sadd.s32 $0x1, s21;
	v28 =	vld [tilespmem:$0x1FE90]  }
0x6b: {  	p0 =	sne.s32 s21, s8;
	v45 =	vld [tilespmem:$0x1FEA0]  }
.Ltmp1:
0x6c: {  	v46 =	vld [tilespmem:$0x1FED0];
	(pc) =	sbr.rel @!p0 .LBB2_15-.Ltmp1, $4  }
0x6d: {  	v24 =	vld [tilespmem:$0x1FF00]  }
0x6e: {  	v15 =	vld [tilespmem:$0x1FF20]  }
0x6f: {  	[sflag:s18] =	ssyncset.done $0x0;
	v5 =	vld [tilespmem:$0x1FF30]  }
0x70: {  	v31 =	vld [tilespmem:$0x1FF40];
	[sflag:s18] =	ssyncadd.s32 $0xFFFFE000  }
.LBB2_1:
0x71: {  	s0 =	simm.s32 $0x0  }
0x72: {  	[tilespmem:s0], [sflag:$0x5] =	stream.strided.gather [hbm4b:s6+s9], $0x6400, s10, s9, $0x38;
	[tilespmem:$0xE400] =	vst v63  }
0x73: {  	_ =	swait.ge [sflag:s11], $0x6400  }
0x74: {  	[sflag:s11] =	ssyncset.done $0x0  }
0x75: {  	s22 =	simm.s32 $0x40;
	[sflag:s11] =	ssyncadd.s32 $0xFFFF9C00  }
0x76: {  	s23 =	sand.u32 $0x7E00, s0;
	v3 =	vld [tilespmem:s22+$0x30]  }
0x77: {  	v7 =	vld [tilespmem:s23+$0x80]  }
0x78: {  	v59 =	vld [tilespmem:s23+$0x1E0]  }
0x79: {  	v4 =	vld [tilespmem:s23+$0x1F0]  }
0x7a: {  	v10 =	vld [tilespmem:s23+$0x90]  }
0x7b: {  	v36 =	vld [tilespmem:s23+$0xA0];
	v3 =	vshll.u32 v3, $0x1  }
0x7c: {  	v37 =	vld [tilespmem:s23+$0xB0];
	v7 =	vshll.u32 v7, $0x1;
	[tilespmem:s22+$0x30] =	vst v3  }
0x7d: {  	v38 =	vld [tilespmem:s23+$0xC0];
	v60 =	vshll.u32 v59, $0x1;
	[tilespmem:s23+$0x80] =	vst v7  }
0x7e: {  	v3 =	vshll.u32 v4, $0x1;
	v4 =	vld [tilespmem:s23+$0xD0];
	[tilespmem:s23+$0x1E0] =	vst v60  }
0x7f: {  	v7 =	vshll.u32 v10, $0x1;
	[tilespmem:s23+$0x1F0] =	vst v3;
	v3 =	vld [tilespmem:s23+$0xE0]  }
0x80: {  	v10 =	vld [tilespmem:s23+$0xF0];
	[tilespmem:s23+$0x90] =	vst v7;
	v7 =	vshll.u32 v36, $0x1  }
0x81: {  	v49 =	vld [tilespmem:s23+$0x100];
	[tilespmem:s23+$0xA0] =	vst v7;
	v7 =	vshll.u32 v37, $0x1  }
0x82: {  	v50 =	vld [tilespmem:s23+$0x110];
	[tilespmem:s23+$0xB0] =	vst v7;
	v7 =	vshll.u32 v38, $0x1  }
0x83: {  	v51 =	vld [tilespmem:s23+$0x120];
	[tilespmem:s23+$0xC0] =	vst v7;
	v4 =	vshll.u32 v4, $0x1  }
0x84: {  	v7 =	vld [tilespmem:s23+$0x130];
	[tilespmem:s23+$0xD0] =	vst v4;
	v3 =	vshll.u32 v3, $0x1  }
0x85: {  	v4 =	vld [tilespmem:s23+$0x140];
	[tilespmem:s23+$0xE0] =	vst v3;
	v3 =	vshll.u32 v10, $0x1  }
0x86: {  	v10 =	vld [tilespmem:s23+$0x150];
	[tilespmem:s23+$0xF0] =	vst v3;
	v3 =	vshll.u32 v49, $0x1  }
0x87: {  	v52 =	vld [tilespmem:s23+$0x160];
	[tilespmem:s23+$0x100] =	vst v3;
	v3 =	vshll.u32 v50, $0x1  }
0x88: {  	v53 =	vld [tilespmem:s23+$0x170];
	[tilespmem:s23+$0x110] =	vst v3;
	v3 =	vshll.u32 v51, $0x1  }
0x89: {  	v54 =	vld [tilespmem:s23+$0x180];
	[tilespmem:s23+$0x120] =	vst v3;
	v3 =	vshll.u32 v7, $0x1  }
0x8a: {  	v7 =	vld [tilespmem:s23+$0x190];
	[tilespmem:s23+$0x130] =	vst v3;
	v3 =	vshll.u32 v4, $0x1  }
0x8b: {  	v4 =	vld [tilespmem:s23+$0x1A0];
	[tilespmem:s23+$0x140] =	vst v3;
	v3 =	vshll.u32 v10, $0x1  }
0x8c: {  	v10 =	vld [tilespmem:s23+$0x1B0];
	[tilespmem:s23+$0x150] =	vst v3;
	v3 =	vshll.u32 v52, $0x1  }
0x8d: {  	v55 =	vld [tilespmem:s23+$0x1C0];
	[tilespmem:s23+$0x160] =	vst v3;
	v3 =	vshll.u32 v53, $0x1  }
0x8e: {  	v56 =	vld [tilespmem:s23+$0x1D0];
	[tilespmem:s23+$0x170] =	vst v3;
	v3 =	vshll.u32 v54, $0x1  }
0x8f: {  	v39 =	vld [tilespmem:s22+$0xFFFFFFD0];
	[tilespmem:s23+$0x180] =	vst v3;
	v3 =	vshll.u32 v7, $0x1  }
0x90: {  	v40 =	vld [tilespmem:s22+$0xFFFFFFE0];
	[tilespmem:s23+$0x190] =	vst v3;
	v3 =	vshll.u32 v4, $0x1  }
0x91: {  	v4 =	vshll.u32 v10, $0x1;
	[tilespmem:s23+$0x1A0] =	vst v3;
	v3 =	vld [tilespmem:s22+$0xFFFFFFF0]  }
0x92: {  	v7 =	vshll.u32 v55, $0x1;
	[tilespmem:s23+$0x1B0] =	vst v4;
	v4 =	vld [tilespmem:s22+$0x0]  }
0x93: {  	[tilespmem:s23+$0x1C0] =	vst v7;
	v10 =	vshll.u32 v56, $0x1;
	v7 =	vld [tilespmem:s22+$0x10]  }
0x94: {  	v61 =	vshll.u32 v39, $0x1;
	[tilespmem:s23+$0x1D0] =	vst v10;
	v10 =	vld [tilespmem:s22+$0x20]  }
0x95: {  	s24 =	simm.s32 $0x200;
	s25 =	simm.s32 $0x240;
	[tilespmem:s22+$0xFFFFFFD0] =	vst v61;
	v36 =	vld [tilespmem:s22+$0xFFFFFFC0];
	v37 =	vshll.u32 v40, $0x1;
	s23 =	simm.s32 $0x0  }
.LBB2_2:
0x96: {  	v38 =	vld [tilespmem:s25+$0x30];
	s26 =	sand.u32 $0x7E00, s24;
	s23 =	sadd.s32 $0x4, s23;
	[tilespmem:s22+$0xFFFFFFE0] =	vst v37;
	v3 =	vshll.u32 v3, $0x1  }
0x97: {  	v37 =	vld [tilespmem:s26+$0x1F0];
	p0 =	slt.u32 s23, $0xC4;
	[tilespmem:s22+$0xFFFFFFF0] =	vst v3;
	v3 =	vshll.u32 v4, $0x1  }
0x98: {  	v4 =	vld [tilespmem:s26+$0x80];
	[tilespmem:s22+$0x0] =	vst v3;
	v3 =	vshll.u32 v7, $0x1  }
0x99: {  	v7 =	vld [tilespmem:s26+$0x90];
	[tilespmem:s22+$0x10] =	vst v3;
	v3 =	vshll.u32 v10, $0x1  }
0x9a: {  	v10 =	vld [tilespmem:s26+$0xA0];
	v36 =	vshll.u32 v36, $0x1;
	[tilespmem:s22+$0x20] =	vst v3  }
0x9b: {  	v3 =	vshll.u32 v38, $0x1;
	v38 =	vld [tilespmem:s26+$0xB0];
	[tilespmem:s22+$0xFFFFFFC0] =	vst v36;
	s22 =	smov.u32 s25  }
0x9c: {  	[tilespmem:s25+$0x30] =	vst v3;
	v3 =	vld [tilespmem:s26+$0xC0];
	v36 =	vshll.u32 v37, $0x1  }
0x9d: {  	v4 =	vshll.u32 v4, $0x1;
	v37 =	vld [tilespmem:s26+$0xD0];
	[tilespmem:s26+$0x1F0] =	vst v36  }
0x9e: {  	[tilespmem:s26+$0x80] =	vst v4;
	v4 =	vshll.u32 v7, $0x1;
	v7 =	vld [tilespmem:s26+$0xE0]  }
0x9f: {  	[tilespmem:s26+$0x90] =	vst v4;
	v4 =	vshll.u32 v10, $0x1;
	v10 =	vld [tilespmem:s26+$0xF0]  }
0xa0: {  	[tilespmem:s26+$0xA0] =	vst v4;
	v4 =	vshll.u32 v38, $0x1;
	v36 =	vld [tilespmem:s26+$0x100]  }
0xa1: {  	[tilespmem:s26+$0xB0] =	vst v4;
	v3 =	vshll.u32 v3, $0x1;
	v4 =	vld [tilespmem:s26+$0x110]  }
0xa2: {  	[tilespmem:s26+$0xC0] =	vst v3;
	v3 =	vshll.u32 v37, $0x1;
	v37 =	vld [tilespmem:s26+$0x120]  }
0xa3: {  	[tilespmem:s26+$0xD0] =	vst v3;
	v3 =	vshll.u32 v7, $0x1;
	v7 =	vld [tilespmem:s26+$0x130]  }
0xa4: {  	[tilespmem:s26+$0xE0] =	vst v3;
	v3 =	vshll.u32 v10, $0x1;
	v10 =	vld [tilespmem:s26+$0x140]  }
0xa5: {  	[tilespmem:s26+$0xF0] =	vst v3;
	v3 =	vshll.u32 v36, $0x1;
	v36 =	vld [tilespmem:s26+$0x150]  }
0xa6: {  	[tilespmem:s26+$0x100] =	vst v3;
	v3 =	vshll.u32 v4, $0x1;
	v4 =	vld [tilespmem:s26+$0x160]  }
0xa7: {  	[tilespmem:s26+$0x110] =	vst v3;
	v3 =	vshll.u32 v37, $0x1;
	v37 =	vld [tilespmem:s26+$0x170]  }
0xa8: {  	[tilespmem:s26+$0x120] =	vst v3;
	v3 =	vshll.u32 v7, $0x1;
	v7 =	vld [tilespmem:s26+$0x180]  }
0xa9: {  	[tilespmem:s26+$0x130] =	vst v3;
	v3 =	vshll.u32 v10, $0x1;
	v10 =	vld [tilespmem:s26+$0x190]  }
0xaa: {  	[tilespmem:s26+$0x140] =	vst v3;
	v3 =	vshll.u32 v36, $0x1;
	v36 =	vld [tilespmem:s26+$0x1A0]  }
0xab: {  	[tilespmem:s26+$0x150] =	vst v3;
	v3 =	vshll.u32 v4, $0x1;
	v4 =	vld [tilespmem:s26+$0x1B0]  }
0xac: {  	[tilespmem:s26+$0x160] =	vst v3;
	v3 =	vshll.u32 v37, $0x1;
	v37 =	vld [tilespmem:s26+$0x1C0]  }
0xad: {  	[tilespmem:s26+$0x170] =	vst v3;
	v3 =	vshll.u32 v7, $0x1;
	v7 =	vld [tilespmem:s26+$0x1D0]  }
0xae: {  	[tilespmem:s26+$0x180] =	vst v3;
	v3 =	vshll.u32 v10, $0x1;
	v10 =	vld [tilespmem:s26+$0x1E0]  }
0xaf: {  	v38 =	vld [tilespmem:s25+$0xFFFFFFD0];
	[tilespmem:s26+$0x190] =	vst v3;
	v3 =	vshll.u32 v36, $0x1  }
0xb0: {  	v39 =	vld [tilespmem:s25+$0xFFFFFFE0];
	[tilespmem:s26+$0x1A0] =	vst v3;
	v4 =	vshll.u32 v4, $0x1  }
.Ltmp2:
0xb1: {  	v3 =	vld [tilespmem:s25+$0xFFFFFFF0];
	[tilespmem:s26+$0x1B0] =	vst v4;
	v36 =	vshll.u32 v37, $0x1;
	(pc) =	sbr.rel @p0 .LBB2_2-.Ltmp2, $4  }
0xb2: {  	v4 =	vld [tilespmem:s25+$0x0];
	[tilespmem:s26+$0x1C0] =	vst v36;
	v36 =	vshll.u32 v7, $0x1  }
0xb3: {  	v7 =	vld [tilespmem:s25+$0x10];
	[tilespmem:s26+$0x1D0] =	vst v36;
	v36 =	vshll.u32 v10, $0x1  }
0xb4: {  	v37 =	vshll.u32 v38, $0x1;
	v10 =	vld [tilespmem:s25+$0x20];
	[tilespmem:s26+$0x1E0] =	vst v36  }
0xb5: {  	s24 =	sadd.s32 $0x200, s24;
	s25 =	sadd.s32 $0x200, s25;
	v36 =	vld [tilespmem:s22+$0xFFFFFFC0];
	[tilespmem:s22+$0xFFFFFFD0] =	vst v37;
	v37 =	vshll.u32 v39, $0x1  }
0xb6: {  	[tilespmem:s22+$0xFFFFFFE0] =	vst v37;
	v3 =	vshll.u32 v3, $0x1  }
0xb7: {  	[tilespmem:s22+$0xFFFFFFF0] =	vst v3;
	v3 =	vshll.u32 v4, $0x1  }
0xb8: {  	[tilespmem:s22+$0x0] =	vst v3;
	v3 =	vshll.u32 v7, $0x1  }
0xb9: {  	[tilespmem:s22+$0x10] =	vst v3;
	v3 =	vshll.u32 v10, $0x1  }
0xba: {  	v4 =	vshll.u32 v36, $0x1;
	[tilespmem:s22+$0x20] =	vst v3  }
0xbb: {  	[tilespmem:s22+$0xFFFFFFC0] =	vst v4;
	s22 =	simm.s32 $0x0  }
0xbc: {  	[tilespmem:s13], [sflag:$0x1] =	stream.indirect.gather [hbm4b:s5+s12], $0x40, s22, s12, $0xb8;
	v2 =	vld [tilespmem:$0x1FDD0]  }
0xbd: {  	s23 =	simm.s32 $0x0;
	v0 =	vld [tilespmem:$0x1FDE0]  }
0xbe: {  	v6 =	vld [tilespmem:$0x1FDF0];
	[tilespmem:s14], [sflag:$0x2] =	stream.indirect.gather [hbm4b:s5+s12], $0x40, s12, s12, $0xb8  }
.LBB2_4:
0xbf: {  	s25 =	sand.u32 $0x40, s22  }
0xc0: {  	s24 =	sand.u32 $0x30, s22;
	v23 =	vlaneseq.u32;
	s26 =	sor.u32 $0x30, s25  }
0xc1: {  	v3 =	vor.u32 s24, v23;
	v4 =	vor.u32 s26, v23  }
0xc2: {  	_ =	swait.ge [sflag:s15], $0x2000;
	v7 =	vand.u32 v1, v3;
	v51 =	vshll.u32 v4, $0x6  }
0xc3: {  	p0 =	seq.s32 s23, $0x0;
	[sflag:s15] =	ssyncset.done $0x0;
	v10 =	vor.u32 v51, v7  }
0xc4: {  	[sflag:s15] =	ssyncadd.s32 $0xFFFFE000;
	s26 =	simm.s32 @!p0 $0x3  }
0xc5: {  	s3 =	sor.u32 $0x10, s25;
	v3 =	vshll.u32 v3, $0x7;
	_ =	swait.ge @!p0 [sflag:s26], $0x2000  }
0xc6: {  	v3 =	vand.u32 $0x1C00, v3;
	v50 =	vand.u32 v31, v4;
	v4 =	vor.u32 s3, v23;
	[sflag:s26] =	ssyncset.done @!p0 $0x0  }
0xc7: {  	v36 =	vor.u32 s24, v29;
	v3 =	vor.u32 v47, v3;
	v61 =	vshll.u32 v4, $0x6;
	[sflag:s26] =	ssyncadd.s32 @!p0 $0xFFFFE000  }
0xc8: {  	v37 =	vand.u32 v2, v36;
	v38 =	vor.u32 v3, v50;
	v41 =	vor.u32 v61, v7;
	v10 =	vld.idx.msk [tilespmem:v10+s13+$0x0], $0xffff  }
0xc9: {  	v39 =	vor.u32 v51, v37;
	_ =	sdelay $0x1  }
0xca: {  	v36 =	vshll.u32 v36, $0x7  }
0xcb: {  	v36 =	vand.u32 $0x1C00, v36;
	v18 =	vand.u32 v15, v4  }
0xcc: {  	v52 =	vor.u32 v3, v18;
	v41 =	vld.idx.msk [tilespmem:v41+s13+$0x0], $0xffff;
	[tilespmem:v38+s16+$0x0] =	vst.idx.msk $0xffff, v10;
	v10 =	vor.u32 v63, v36  }
0xcd: {  	s30 =	sor.u32 $0x20, s25;
	v4 =	vld.idx.msk [tilespmem:v39+s13+$0x0], $0xffff;
	v12 =	vor.u32 v10, v50  }
0xce: {  	v40 =	vor.u32 s30, v23  }
0xcf: {  	v42 =	vor.u32 s25, v23;
	v59 =	vshll.u32 v40, $0x6  }
0xd0: {  	v13 =	vshll.u32 v42, $0x6;
	v43 =	vor.u32 v59, v7  }
0xd1: {  	v56 =	vor.u32 s24, v32;
	v7 =	vor.u32 v13, v7;
	[tilespmem:v52+s16+$0x0] =	vst.idx.msk $0xffff, v41  }
0xd2: {  	v38 =	vand.u32 v58, v56;
	[tilespmem:v12+s16+$0x0] =	vst.idx.msk $0xffff, v4  }
0xd3: {  	v53 =	vor.u32 v51, v38;
	v8 =	vld [tilespmem:$0x1FE00]  }
0xd4: {  	v27 =	vmov v2;
	v2 =	vand.u32 v5, v40;
	v40 =	vor.u32 v61, v37  }
0xd5: {  	v60 =	vand.u32 v35, v42;
	v26 =	vor.u32 v3, v2;
	v14 =	vld.idx.msk [tilespmem:v43+s13+$0x0], $0xffff;
	v36 =	vshll.u32 v56, $0x7  }
0xd6: {  	v54 =	vor.u32 v59, v37;
	v3 =	vor.u32 v3, v60;
	v7 =	vld.idx.msk [tilespmem:v7+s13+$0x0], $0xffff;
	v36 =	vand.u32 $0x1C00, v36  }
0xd7: {  	v48 =	vor.u32 s24, v6;
	v37 =	vor.u32 v13, v37;
	v4 =	vor.u32 v0, v36  }
0xd8: {  	v39 =	vld.idx.msk [tilespmem:v53+s13+$0x0], $0xffff;
	v49 =	vor.u32 v4, v50;
	v41 =	vand.u32 v8, v48  }
0xd9: {  	v40 =	vld.idx.msk [tilespmem:v40+s13+$0x0], $0xffff;
	v12 =	vor.u32 v10, v18;
	v55 =	vor.u32 v51, v41  }
0xda: {  	[tilespmem:v26+s16+$0x0] =	vst.idx.msk $0xffff, v14;
	v14 =	vor.u32 v61, v38  }
0xdb: {  	v36 =	vshll.u32 v48, $0x7;
	[tilespmem:v3+s16+$0x0] =	vst.idx.msk $0xffff, v7;
	v7 =	vor.u32 v10, v2;
	v3 =	vld.idx.msk [tilespmem:v54+s13+$0x0], $0xffff  }
0xdc: {  	v43 =	vor.u32 v59, v38;
	v10 =	vor.u32 v10, v60;
	v36 =	vand.u32 $0x1C00, v36;
	v37 =	vld.idx.msk [tilespmem:v37+s13+$0x0], $0xffff  }
0xdd: {  	v38 =	vor.u32 v13, v38;
	v36 =	vor.u32 v20, v36;
	[tilespmem:v49+s16+$0x0] =	vst.idx.msk $0xffff, v39;
	v39 =	vor.u32 s24, v62  }
0xde: {  	[tilespmem:v12+s16+$0x0] =	vst.idx.msk $0xffff, v40;
	v49 =	vor.u32 v36, v50;
	v52 =	vand.u32 v57, v39;
	v26 =	vld.idx.msk [tilespmem:v55+s13+$0x0], $0xffff  }
0xdf: {  	v12 =	vor.u32 v4, v18;
	v42 =	vld.idx.msk [tilespmem:v14+s13+$0x0], $0xffff;
	v14 =	vor.u32 v51, v52  }
0xe0: {  	v56 =	vor.u32 v61, v41;
	[tilespmem:v7+s16+$0x0] =	vst.idx.msk $0xffff, v3  }
0xe1: {  	v3 =	vor.u32 v4, v2;
	[tilespmem:v10+s16+$0x0] =	vst.idx.msk $0xffff, v37;
	v10 =	vshll.u32 v39, $0x7;
	v7 =	vld.idx.msk [tilespmem:v43+s13+$0x0], $0xffff  }
0xe2: {  	v4 =	vor.u32 v4, v60;
	v37 =	vor.u32 v59, v41;
	v38 =	vld.idx.msk [tilespmem:v38+s13+$0x0], $0xffff;
	v10 =	vand.u32 $0x1C00, v10  }
0xe3: {  	v39 =	vor.u32 v13, v41;
	v10 =	vor.u32 v11, v10;
	[tilespmem:v49+s16+$0x0] =	vst.idx.msk $0xffff, v26;
	v26 =	vor.u32 s24, v28  }
0xe4: {  	[tilespmem:v12+s16+$0x0] =	vst.idx.msk $0xffff, v42;
	v49 =	vor.u32 v10, v50;
	v41 =	vld.idx.msk [tilespmem:v14+s13+$0x0], $0xffff;
	v42 =	vand.u32 v17, v26  }
0xe5: {  	v12 =	vor.u32 v51, v42  }
0xe6: {  	[tilespmem:v3+s16+$0x0] =	vst.idx.msk $0xffff, v7  }
0xe7: {  	v44 =	vor.u32 v36, v18;
	v54 =	vld.idx.msk [tilespmem:v56+s13+$0x0], $0xffff;
	[tilespmem:v4+s16+$0x0] =	vst.idx.msk $0xffff, v38;
	v4 =	vshll.u32 v26, $0x7  }
0xe8: {  	v3 =	vor.u32 v36, v2;
	v7 =	vld.idx.msk [tilespmem:v37+s13+$0x0], $0xffff;
	v4 =	vand.u32 $0x1C00, v4  }
0xe9: {  	v36 =	vor.u32 v36, v60;
	v38 =	vld.idx.msk [tilespmem:v39+s13+$0x0], $0xffff;
	v4 =	vor.u32 v25, v4;
	[tilespmem:v49+s16+$0x0] =	vst.idx.msk $0xffff, v41  }
0xea: {  	v26 =	vor.u32 v13, v52;
	v41 =	vld.idx.msk [tilespmem:v12+s13+$0x0], $0xffff;
	v12 =	vor.u32 v4, v50;
	_ =	sdelay $0x1  }
0xeb: {  	[tilespmem:v44+s16+$0x0] =	vst.idx.msk $0xffff, v54;
	v14 =	vor.u32 v61, v52  }
0xec: {  	[tilespmem:v3+s16+$0x0] =	vst.idx.msk $0xffff, v7  }
0xed: {  	v37 =	vor.u32 v59, v52;
	[tilespmem:v36+s16+$0x0] =	vst.idx.msk $0xffff, v38  }
0xee: {  	v49 =	vor.u32 s24, v45;
	v38 =	vld.idx.msk [tilespmem:v26+s13+$0x0], $0xffff;
	[tilespmem:v12+s16+$0x0] =	vst.idx.msk $0xffff, v41  }
0xef: {  	v26 =	vmov v0;
	v43 =	vand.u32 v19, v49;
	v0 =	vld [tilespmem:$0x1FE10]  }
0xf0: {  	v54 =	vld.idx.msk [tilespmem:v14+s13+$0x0], $0xffff;
	v14 =	vor.u32 v51, v43  }
0xf1: {  	v53 =	vor.u32 v10, v18  }
0xf2: {  	v3 =	vor.u32 v10, v2;
	v7 =	vld.idx.msk [tilespmem:v37+s13+$0x0], $0xffff;
	v44 =	vshll.u32 v49, $0x7  }
0xf3: {  	v56 =	vor.u32 v61, v42;
	v10 =	vor.u32 v10, v60;
	v36 =	vand.u32 $0x1C00, v44  }
0xf4: {  	v49 =	vor.u32 v59, v42;
	v36 =	vor.u32 v21, v36;
	v12 =	vor.u32 s24, v0  }
0xf5: {  	v39 =	vor.u32 v13, v42;
	v41 =	vld.idx.msk [tilespmem:v14+s13+$0x0], $0xffff;
	v14 =	vor.u32 v36, v50;
	v42 =	vand.u32 v22, v12  }
0xf6: {  	[tilespmem:v53+s16+$0x0] =	vst.idx.msk $0xffff, v54;
	v44 =	vor.u32 v51, v42  }
0xf7: {  	[tilespmem:v3+s16+$0x0] =	vst.idx.msk $0xffff, v7  }
0xf8: {  	v9 =	vmov v25;
	v25 =	vor.u32 v4, v18;
	[tilespmem:v10+s16+$0x0] =	vst.idx.msk $0xffff, v38;
	v54 =	vld.idx.msk [tilespmem:v56+s13+$0x0], $0xffff;
	v10 =	vshll.u32 v12, $0x7  }
0xf9: {  	v3 =	vor.u32 v4, v2;
	v7 =	vld.idx.msk [tilespmem:v49+s13+$0x0], $0xffff;
	v10 =	vand.u32 $0x1C00, v10  }
0xfa: {  	v4 =	vor.u32 v4, v60;
	v38 =	vld.idx.msk [tilespmem:v39+s13+$0x0], $0xffff;
	[tilespmem:v14+s16+$0x0] =	vst.idx.msk $0xffff, v41;
	v10 =	vor.u32 v16, v10  }
0xfb: {  	v16 =	vor.u32 v10, v50;
	v41 =	vld.idx.msk [tilespmem:v44+s13+$0x0], $0xffff;
	_ =	sdelay $0x1  }
0xfc: {  	v56 =	vor.u32 v61, v43;
	[tilespmem:v25+s16+$0x0] =	vst.idx.msk $0xffff, v54  }
0xfd: {  	[tilespmem:v3+s16+$0x0] =	vst.idx.msk $0xffff, v7  }
0xfe: {  	v49 =	vor.u32 v59, v43;
	[tilespmem:v4+s16+$0x0] =	vst.idx.msk $0xffff, v38  }
0xff: {  	v14 =	vor.u32 s24, v46;
	[tilespmem:v16+s16+$0x0] =	vst.idx.msk $0xffff, v41  }
0x100: {  	v12 =	vor.u32 v13, v43;
	v43 =	vand.u32 v1, v14;
	v0 =	vld [tilespmem:$0x1FEF0]  }
0x101: {  	v25 =	vor.u32 v36, v18;
	v54 =	vld.idx.msk [tilespmem:v56+s13+$0x0], $0xffff;
	v44 =	vor.u32 v51, v43  }
0x102: {  	v46 =	vor.u32 v61, v42  }
0x103: {  	v3 =	vor.u32 v36, v2;
	v4 =	vshll.u32 v14, $0x7;
	v7 =	vld.idx.msk [tilespmem:v49+s13+$0x0], $0xffff  }
0x104: {  	v36 =	vor.u32 v36, v60;
	v49 =	vor.u32 v59, v42;
	v4 =	vand.u32 $0x1C00, v4  }
0x105: {  	v39 =	vor.u32 v13, v42;
	v4 =	vor.u32 v47, v4;
	v38 =	vld.idx.msk [tilespmem:v12+s13+$0x0], $0xffff;
	v12 =	vor.u32 s24, v0  }
0x106: {  	v14 =	vor.u32 v4, v50;
	[tilespmem:v25+s16+$0x0] =	vst.idx.msk $0xffff, v54;
	v41 =	vld.idx.msk [tilespmem:v44+s13+$0x0], $0xffff;
	v42 =	vand.u32 v27, v12  }
0x107: {  	v16 =	vor.u32 v10, v18;
	v25 =	vld.idx.msk [tilespmem:v46+s13+$0x0], $0xffff;
	v44 =	vor.u32 v51, v42  }
0x108: {  	[tilespmem:v3+s16+$0x0] =	vst.idx.msk $0xffff, v7  }
0x109: {  	v7 =	vld.idx.msk [tilespmem:v49+s13+$0x0], $0xffff;
	v49 =	vshll.u32 v12, $0x7  }
0x10a: {  	v53 =	vor.u32 v10, v60;
	v10 =	vor.u32 v10, v2;
	[tilespmem:v36+s16+$0x0] =	vst.idx.msk $0xffff, v38;
	v36 =	vand.u32 $0x1C00, v49  }
0x10b: {  	v46 =	vor.u32 v61, v43;
	v39 =	vld.idx.msk [tilespmem:v39+s13+$0x0], $0xffff;
	[tilespmem:v14+s16+$0x0] =	vst.idx.msk $0xffff, v41;
	v36 =	vor.u32 v63, v36  }
0x10c: {  	v37 =	vor.u32 v59, v43;
	[tilespmem:v16+s16+$0x0] =	vst.idx.msk $0xffff, v25;
	v16 =	vor.u32 v36, v50;
	v14 =	vld.idx.msk [tilespmem:v44+s13+$0x0], $0xffff;
	_ =	sdelay $0x2  }
0x10d: {  	v3 =	vor.u32 v13, v43;
	[tilespmem:v10+s16+$0x0] =	vst.idx.msk $0xffff, v7  }
0x10e: {  	v40 =	vor.u32 v4, v18;
	[tilespmem:v53+s16+$0x0] =	vst.idx.msk $0xffff, v39;
	v46 =	vld.idx.msk [tilespmem:v46+s13+$0x0], $0xffff  }
0x10f: {  	v38 =	vor.u32 v4, v60;
	v12 =	vor.u32 s24, v24;
	v10 =	vld.idx.msk [tilespmem:v37+s13+$0x0], $0xffff;
	[tilespmem:v16+s16+$0x0] =	vst.idx.msk $0xffff, v14  }
0x110: {  	v4 =	vor.u32 v4, v2;
	v52 =	vand.u32 v58, v12;
	v55 =	vor.u32 v61, v42;
	v14 =	vld [tilespmem:$0x1FE20]  }
0x111: {  	v49 =	vor.u32 v51, v52  }
0x112: {  	v25 =	vmov v58;
	v58 =	vor.u32 v13, v42;
	v12 =	vshll.u32 v12, $0x7;
	v3 =	vld.idx.msk [tilespmem:v3+s13+$0x0], $0xffff  }
0x113: {  	v42 =	vor.u32 v59, v42;
	v41 =	vor.u32 v61, v52;
	v37 =	vand.u32 $0x1C00, v12  }
0x114: {  	v39 =	vor.u32 v36, v18;
	v37 =	vor.u32 v26, v37;
	[tilespmem:v40+s16+$0x0] =	vst.idx.msk $0xffff, v46  }
0x115: {  	v0 =	vor.u32 v37, v60;
	v16 =	vmov v26;
	[tilespmem:v4+s16+$0x0] =	vst.idx.msk $0xffff, v10;
	v55 =	vld.idx.msk [tilespmem:v55+s13+$0x0], $0xffff;
	v26 =	vor.u32 s24, v14  }
0x116: {  	v6 =	vmov v1;
	v46 =	vld.idx.msk [tilespmem:v49+s13+$0x0], $0xffff;
	v49 =	vor.u32 v37, v50;
	[tilespmem:$0x1FDB0] =	vst v0;
	v14 =	vand.u32 v8, v26  }
0x117: {  	v1 =	vmov v63;
	[tilespmem:v38+s16+$0x0] =	vst.idx.msk $0xffff, v3;
	v63 =	vor.u32 v51, v14;
	v0 =	vor.u32 v61, v14  }
0x118: {  	v42 =	vld.idx.msk [tilespmem:v42+s13+$0x0], $0xffff;
	[tilespmem:$0x1FDC0] =	vst v0;
	v0 =	vor.u32 v37, v2  }
0x119: {  	v7 =	vor.u32 v36, v60;
	v36 =	vor.u32 v36, v2;
	v43 =	vshll.u32 v26, $0x7;
	[tilespmem:$0x1FDA0] =	vst v0  }
0x11a: {  	v48 =	vmov v5;
	v62 =	vmov v57;
	v12 =	vand.u32 $0x1C00, v43;
	v58 =	vld.idx.msk [tilespmem:v58+s13+$0x0], $0xffff;
	[tilespmem:v39+s16+$0x0] =	vst.idx.msk $0xffff, v55  }
0x11b: {  	v57 =	vor.u32 v37, v18;
	v5 =	vor.u32 v20, v12;
	[tilespmem:v49+s16+$0x0] =	vst.idx.msk $0xffff, v46;
	v43 =	vld.idx.msk [tilespmem:v41+s13+$0x0], $0xffff  }
0x11c: {  	v4 =	vor.u32 v5, v50;
	v56 =	vld.idx.msk [tilespmem:v63+s13+$0x0], $0xffff;
	_ =	sdelay $0x1  }
0x11d: {  	[tilespmem:v36+s16+$0x0] =	vst.idx.msk $0xffff, v42  }
0x11e: {  	[tilespmem:v7+s16+$0x0] =	vst.idx.msk $0xffff, v58  }
0x11f: {  	s31 =	simm.s32 $0x40;
	v54 =	vor.u32 v13, v52;
	v52 =	vor.u32 v59, v52;
	[tilespmem:v57+s16+$0x0] =	vst.idx.msk $0xffff, v43  }
0x120: {  	s28 =	sand.u32 $0x40, s31;
	s26 =	simm.s32 $0x8;
	[tilespmem:v4+s16+$0x0] =	vst.idx.msk $0xffff, v56  }
0x121: {  	s29 =	sor.u32 $0x30, s28;
	s25 =	sand.u32 $0x30, s26;
	v63 =	vld [tilespmem:$0x1FDA0]  }
0x122: {  	v46 =	vor.u32 s25, v23;
	v49 =	vor.u32 s29, v23  }
0x123: {  	v26 =	vor.u32 s24, v33;
	v39 =	vand.u32 v6, v46;
	v37 =	vshll.u32 v49, $0x6  }
0x124: {  	v0 =	vand.u32 v62, v26;
	v55 =	vshll.u32 v26, $0x7;
	v52 =	vld.idx.msk [tilespmem:v52+s13+$0x0], $0xffff;
	v26 =	vor.u32 v37, v39;
	_ =	sdelay $0x2  }
0x125: {  	v12 =	vmov v62;
	v53 =	vor.u32 v51, v0;
	v62 =	vor.u32 s28, v23  }
0x126: {  	s29 =	sor.u32 $0x10, s28;
	v36 =	vshll.u32 v62, $0x6;
	v38 =	vand.u32 $0x1C00, v55;
	v3 =	vshll.u32 v46, $0x7  }
0x127: {  	v10 =	vor.u32 s29, v23;
	v41 =	vor.u32 s24, v30;
	v3 =	vand.u32 $0x1C00, v3;
	v46 =	vld.idx.msk [tilespmem:v26+s13+$0x0], $0xffff;
	[tilespmem:v63+s16+$0x0] =	vst.idx.msk $0xffff, v52  }
0x128: {  	v24 =	vmovc v11;
	v40 =	vand.u32 v31, v49;
	v3 =	vor.u32 v47, v3;
	v4 =	vor.u32 s25, v29;
	v26 =	vld [tilespmem:$0x1FDB0]  }
0x129: {  	v11 =	vmovc v17;
	v6 =	vor.u32 v24, v38;
	v49 =	vor.u32 v3, v40;
	v7 =	vand.u32 v27, v4  }
0x12a: {  	s28 =	sor.u32 $0x20, s28;
	v17 =	vand.u32 v17, v41;
	v56 =	vor.u32 v6, v50;
	v53 =	vld.idx.msk [tilespmem:v53+s13+$0x0], $0xffff;
	v44 =	vor.u32 v37, v7  }
0x12b: {  	v55 =	vor.u32 s28, v23;
	v23 =	vmovc v45;
	v38 =	vshll.u32 v10, $0x6;
	v45 =	vor.u32 v51, v17;
	v54 =	vld.idx.msk [tilespmem:v54+s13+$0x0], $0xffff  }
0x12c: {  	v43 =	vshll.u32 v55, $0x6;
	v57 =	vor.u32 v38, v39;
	v4 =	vshll.u32 v4, $0x7  }
0x12d: {  	v41 =	vshll.u32 v41, $0x7;
	v4 =	vand.u32 $0x1C00, v4;
	v52 =	vor.u32 v43, v39  }
0x12e: {  	v41 =	vand.u32 $0x1C00, v41;
	v58 =	vor.u32 v36, v39;
	v4 =	vor.u32 v1, v4;
	[tilespmem:v49+s16+$0x0] =	vst.idx.msk $0xffff, v46  }
0x12f: {  	v47 =	vor.u32 v4, v40;
	v63 =	vor.u32 v9, v41;
	[tilespmem:v56+s16+$0x0] =	vst.idx.msk $0xffff, v53;
	v49 =	vld.idx.msk [tilespmem:v44+s13+$0x0], $0xffff  }
0x130: {  	v39 =	vand.u32 v15, v10;
	v45 =	vld.idx.msk [tilespmem:v45+s13+$0x0], $0xffff;
	[tilespmem:v26+s16+$0x0] =	vst.idx.msk $0xffff, v54;
	v54 =	vor.u32 v63, v50  }
0x131: {  	v42 =	vand.u32 v48, v55;
	v57 =	vld.idx.msk [tilespmem:v57+s13+$0x0], $0xffff;
	v41 =	vand.u32 v35, v62;
	v15 =	vor.u32 v3, v39  }
0x132: {  	v53 =	vor.u32 v3, v41;
	v3 =	vor.u32 v3, v42;
	v52 =	vld.idx.msk [tilespmem:v52+s13+$0x0], $0xffff  }
0x133: {  	v10 =	vor.u32 s24, v34  }
0x134: {  	[tilespmem:v47+s16+$0x0] =	vst.idx.msk $0xffff, v49;
	v26 =	vand.u32 v19, v10;
	v10 =	vshll.u32 v10, $0x7  }
0x135: {  	v10 =	vand.u32 $0x1C00, v10;
	[tilespmem:v54+s16+$0x0] =	vst.idx.msk $0xffff, v45  }
0x136: {  	v27 =	vor.u32 v21, v10;
	v10 =	vld [tilespmem:$0x1FF50];
	[tilespmem:v15+s16+$0x0] =	vst.idx.msk $0xffff, v57  }
0x137: {  	v46 =	vor.u32 s25, v32;
	[tilespmem:v3+s16+$0x0] =	vst.idx.msk $0xffff, v52  }
0x138: {  	v44 =	vand.u32 v25, v46;
	v25 =	vmov v9;
	v9 =	vld [tilespmem:$0x1FDF0]  }
0x139: {  	v55 =	vor.u32 v51, v26  }
0x13a: {  	v46 =	vshll.u32 v46, $0x7  }
0x13b: {  	v46 =	vand.u32 $0x1C00, v46;
	v47 =	vor.u32 s24, v10  }
0x13c: {  	v58 =	vld.idx.msk [tilespmem:v58+s13+$0x0], $0xffff;
	v46 =	vor.u32 v16, v46;
	v16 =	vand.u32 v22, v47  }
0x13d: {  	v48 =	vor.u32 v37, v44;
	v3 =	vor.u32 v51, v16;
	v51 =	vor.u32 s25, v9;
	v9 =	vld [tilespmem:$0x1FDC0]  }
0x13e: {  	v54 =	vor.u32 v38, v7;
	v49 =	vld.idx.msk [tilespmem:v55+s13+$0x0], $0xffff;
	v55 =	vor.u32 v27, v50;
	_ =	sdelay $0x3  }
0x13f: {  	v56 =	vor.u32 v43, v7;
	v48 =	vld.idx.msk [tilespmem:v48+s13+$0x0], $0xffff;
	[tilespmem:v53+s16+$0x0] =	vst.idx.msk $0xffff, v58  }
0x140: {  	v62 =	vor.u32 v46, v40;
	v52 =	vld.idx.msk [tilespmem:v54+s13+$0x0], $0xffff;
	[tilespmem:v55+s16+$0x0] =	vst.idx.msk $0xffff, v49  }
0x141: {  	v45 =	vor.u32 v36, v7;
	v49 =	vor.u32 v4, v39;
	v15 =	vld [tilespmem:$0x1FF70]  }
0x142: {  	v58 =	vor.u32 v5, v18;
	v57 =	vld.idx.msk [tilespmem:v9+s13+$0x0], $0xffff  }
0x143: {  	v47 =	vshll.u32 v47, $0x7;
	v53 =	vand.u32 v8, v51  }
0x144: {  	v10 =	vor.u32 v4, v42;
	v55 =	vld.idx.msk [tilespmem:v56+s13+$0x0], $0xffff;
	v47 =	vand.u32 $0x1C00, v47;
	v7 =	vor.u32 v37, v53  }
0x145: {  	v56 =	vshll.u32 v51, $0x7;
	[tilespmem:v62+s16+$0x0] =	vst.idx.msk $0xffff, v48;
	v62 =	vor.u32 v59, v14;
	v51 =	vor.u32 v38, v44  }
0x146: {  	v45 =	vld.idx.msk [tilespmem:v45+s13+$0x0], $0xffff;
	[tilespmem:v49+s16+$0x0] =	vst.idx.msk $0xffff, v52;
	v49 =	vor.u32 v13, v14;
	v9 =	vor.u32 v15, v47  }
0x147: {  	v3 =	vld.idx.msk [tilespmem:v3+s13+$0x0], $0xffff;
	v47 =	vand.u32 $0x1C00, v56;
	v50 =	vor.u32 v9, v50;
	[tilespmem:v58+s16+$0x0] =	vst.idx.msk $0xffff, v57  }
0x148: {  	v4 =	vor.u32 v4, v41;
	v47 =	vor.u32 v20, v47;
	v52 =	vld [tilespmem:$0x1FFF0]  }
0x149: {  	v7 =	vld.idx.msk [tilespmem:v7+s13+$0x0], $0xffff;
	v56 =	vor.u32 v43, v44;
	v57 =	vor.u32 v47, v40  }
0x14a: {  	v48 =	vld.idx.msk [tilespmem:v62+s13+$0x0], $0xffff  }
0x14b: {  	v14 =	vor.u32 v38, v53;
	v49 =	vld.idx.msk [tilespmem:v49+s13+$0x0], $0xffff;
	v58 =	vor.u32 v5, v60;
	[tilespmem:v10+s16+$0x0] =	vst.idx.msk $0xffff, v55  }
0x14c: {  	v51 =	vld.idx.msk [tilespmem:v51+s13+$0x0], $0xffff;
	v44 =	vor.u32 v36, v44;
	[tilespmem:v50+s16+$0x0] =	vst.idx.msk $0xffff, v3;
	v3 =	vor.u32 v5, v2  }
0x14d: {  	v10 =	vor.u32 v61, v0;
	[tilespmem:v4+s16+$0x0] =	vst.idx.msk $0xffff, v45;
	v4 =	vor.u32 v46, v39;
	v52 =	vor.u32 s25, v52  }
0x14e: {  	v56 =	vld.idx.msk [tilespmem:v56+s13+$0x0], $0xffff;
	[tilespmem:v57+s16+$0x0] =	vst.idx.msk $0xffff, v7;
	v7 =	vor.u32 v46, v42;
	v55 =	vand.u32 v12, v52  }
0x14f: {  	v62 =	vor.u32 v37, v55  }
0x150: {  	v46 =	vor.u32 v46, v41;
	v57 =	vor.u32 v43, v53;
	[tilespmem:v58+s16+$0x0] =	vst.idx.msk $0xffff, v49;
	v52 =	vshll.u32 v52, $0x7  }
0x151: {  	v44 =	vld.idx.msk [tilespmem:v44+s13+$0x0], $0xffff;
	v53 =	vor.u32 v36, v53;
	[tilespmem:v3+s16+$0x0] =	vst.idx.msk $0xffff, v48;
	v3 =	vor.u32 s25, v28;
	v52 =	vand.u32 $0x1C00, v52  }
0x152: {  	v10 =	vld.idx.msk [tilespmem:v10+s13+$0x0], $0xffff;
	[tilespmem:v4+s16+$0x0] =	vst.idx.msk $0xffff, v51;
	v52 =	vor.u32 v24, v52;
	v24 =	vor.u32 v6, v18  }
0x153: {  	v4 =	vor.u32 v59, v0;
	v45 =	vld.idx.msk [tilespmem:v14+s13+$0x0], $0xffff;
	[tilespmem:v7+s16+$0x0] =	vst.idx.msk $0xffff, v56;
	v7 =	vor.u32 v47, v39  }
0x154: {  	v51 =	vand.u32 v11, v3;
	v49 =	vor.u32 v38, v55;
	v48 =	vld.idx.msk [tilespmem:v62+s13+$0x0], $0xffff;
	v62 =	vor.u32 v52, v40  }
0x155: {  	v14 =	vor.u32 v37, v51  }
0x156: {  	[tilespmem:v46+s16+$0x0] =	vst.idx.msk $0xffff, v44;
	v44 =	vor.u32 v47, v42;
	v46 =	vld.idx.msk [tilespmem:v57+s13+$0x0], $0xffff  }
0x157: {  	v3 =	vshll.u32 v3, $0x7;
	v47 =	vor.u32 v47, v41;
	v53 =	vld.idx.msk [tilespmem:v53+s13+$0x0], $0xffff;
	[tilespmem:v24+s16+$0x0] =	vst.idx.msk $0xffff, v10  }
0x158: {  	v50 =	vor.u32 v6, v2;
	v3 =	vand.u32 $0x1C00, v3;
	v4 =	vld.idx.msk [tilespmem:v4+s13+$0x0], $0xffff;
	[tilespmem:v7+s16+$0x0] =	vst.idx.msk $0xffff, v45  }
0x159: {  	v3 =	vor.u32 v25, v3;
	v10 =	vor.u32 v52, v39;
	v49 =	vld.idx.msk [tilespmem:v49+s13+$0x0], $0xffff;
	[tilespmem:v62+s16+$0x0] =	vst.idx.msk $0xffff, v48  }
0x15a: {  	v48 =	vor.u32 v43, v55;
	v62 =	vld.idx.msk [tilespmem:v14+s13+$0x0], $0xffff;
	v14 =	vor.u32 v3, v40  }
0x15b: {  	[tilespmem:v44+s16+$0x0] =	vst.idx.msk $0xffff, v46  }
0x15c: {  	v23 =	vor.u32 s25, v23;
	v58 =	vor.u32 v13, v0;
	v7 =	vor.u32 v36, v55;
	[tilespmem:v47+s16+$0x0] =	vst.idx.msk $0xffff, v53  }
0x15d: {  	v25 =	vor.u32 v52, v42;
	v47 =	vand.u32 v19, v23;
	[tilespmem:v50+s16+$0x0] =	vst.idx.msk $0xffff, v4  }
0x15e: {  	v4 =	vor.u32 v52, v41;
	v52 =	vor.u32 v38, v51;
	[tilespmem:v10+s16+$0x0] =	vst.idx.msk $0xffff, v49  }
0x15f: {  	v24 =	vor.u32 v37, v47;
	v48 =	vld.idx.msk [tilespmem:v48+s13+$0x0], $0xffff;
	[tilespmem:v14+s16+$0x0] =	vst.idx.msk $0xffff, v62  }
0x160: {  	v10 =	vld [tilespmem:$0x1FE10]  }
0x161: {  	v46 =	vshll.u32 v23, $0x7;
	v7 =	vld.idx.msk [tilespmem:v7+s13+$0x0], $0xffff  }
0x162: {  	v44 =	vld.idx.msk [tilespmem:v58+s13+$0x0], $0xffff;
	v46 =	vand.u32 $0x1C00, v46;
	v62 =	vor.u32 v43, v51  }
0x163: {  	v46 =	vor.u32 v21, v46;
	v52 =	vld.idx.msk [tilespmem:v52+s13+$0x0], $0xffff;
	v14 =	vor.u32 v6, v60  }
0x164: {  	v19 =	vor.u32 v61, v17;
	v23 =	vld.idx.msk [tilespmem:v24+s13+$0x0], $0xffff;
	v24 =	vor.u32 v46, v40  }
0x165: {  	v51 =	vor.u32 v36, v51;
	[tilespmem:v25+s16+$0x0] =	vst.idx.msk $0xffff, v48;
	v25 =	vor.u32 v3, v39;
	v10 =	vor.u32 s25, v10  }
0x166: {  	[tilespmem:v4+s16+$0x0] =	vst.idx.msk $0xffff, v7;
	v48 =	vand.u32 v22, v10  }
0x167: {  	v7 =	vor.u32 v3, v41;
	v3 =	vor.u32 v3, v42;
	v45 =	vld.idx.msk [tilespmem:v62+s13+$0x0], $0xffff;
	v4 =	vor.u32 v37, v48  }
0x168: {  	[tilespmem:v14+s16+$0x0] =	vst.idx.msk $0xffff, v44  }
0x169: {  	v56 =	vld.idx.msk [tilespmem:v19+s13+$0x0], $0xffff;
	[tilespmem:v24+s16+$0x0] =	vst.idx.msk $0xffff, v23;
	v10 =	vshll.u32 v10, $0x7  }
0x16a: {  	v51 =	vld.idx.msk [tilespmem:v51+s13+$0x0], $0xffff;
	v10 =	vand.u32 $0x1C00, v10;
	[tilespmem:v25+s16+$0x0] =	vst.idx.msk $0xffff, v52  }
0x16b: {  	v62 =	vor.u32 v59, v17;
	v14 =	vor.u32 v63, v18;
	v10 =	vor.u32 v15, v10;
	v5 =	vld [tilespmem:$0x1FED0]  }
0x16c: {  	v44 =	vor.u32 v38, v47;
	v21 =	vor.u32 v10, v40;
	[tilespmem:v3+s16+$0x0] =	vst.idx.msk $0xffff, v45;
	v4 =	vld.idx.msk [tilespmem:v4+s13+$0x0], $0xffff  }
0x16d: {  	v0 =	vld [tilespmem:$0x1FE50];
	_ =	sdelay $0x1  }
0x16e: {  	v53 =	vor.u32 v36, v47;
	[tilespmem:v7+s16+$0x0] =	vst.idx.msk $0xffff, v51  }
0x16f: {  	v47 =	vor.u32 v43, v47;
	v24 =	vor.u32 v63, v2;
	v23 =	vld.idx.msk [tilespmem:v62+s13+$0x0], $0xffff;
	[tilespmem:v14+s16+$0x0] =	vst.idx.msk $0xffff, v56  }
0x170: {  	v25 =	vor.u32 v46, v39;
	v44 =	vld.idx.msk [tilespmem:v44+s13+$0x0], $0xffff;
	v19 =	vor.u32 s25, v5;
	[tilespmem:v21+s16+$0x0] =	vst.idx.msk $0xffff, v4  }
0x171: {  	v3 =	vand.u32 v0, v19;
	v0 =	vld [tilespmem:$0x1FE60];
	_ =	sdelay $0x1  }
0x172: {  	v22 =	vor.u32 v13, v17  }
0x173: {  	v62 =	vor.u32 v38, v48;
	v14 =	vor.u32 v46, v42;
	v50 =	vshll.u32 v19, $0x7;
	[tilespmem:v24+s16+$0x0] =	vst.idx.msk $0xffff, v23  }
0x174: {  	v47 =	vld.idx.msk [tilespmem:v47+s13+$0x0], $0xffff;
	v7 =	vor.u32 v37, v3;
	v50 =	vand.u32 $0x1C00, v50;
	[tilespmem:v25+s16+$0x0] =	vst.idx.msk $0xffff, v44  }
0x175: {  	v50 =	vor.u32 v0, v50;
	v0 =	vld [tilespmem:$0x1FEF0]  }
0x176: {  	v15 =	vld.idx.msk [tilespmem:v53+s13+$0x0], $0xffff;
	v19 =	vor.u32 v43, v48  }
0x177: {  	v57 =	vld.idx.msk [tilespmem:v22+s13+$0x0], $0xffff;
	v4 =	vor.u32 v46, v41  }
0x178: {  	v17 =	vor.u32 v63, v60;
	v49 =	vld.idx.msk [tilespmem:v62+s13+$0x0], $0xffff  }
0x179: {  	v23 =	vor.u32 v10, v39;
	v7 =	vld.idx.msk [tilespmem:v7+s13+$0x0], $0xffff;
	[tilespmem:v14+s16+$0x0] =	vst.idx.msk $0xffff, v47  }
0x17a: {  	v21 =	vor.u32 v50, v40;
	v24 =	vor.u32 s25, v0;
	v0 =	vld [tilespmem:$0x1FDD0]  }
0x17b: {  	v63 =	vor.u32 v10, v42;
	v48 =	vor.u32 v36, v48;
	v53 =	vld.idx.msk [tilespmem:v19+s13+$0x0], $0xffff  }
0x17c: {  	[tilespmem:v4+s16+$0x0] =	vst.idx.msk $0xffff, v15  }
0x17d: {  	v22 =	vor.u32 v61, v26;
	[tilespmem:v17+s16+$0x0] =	vst.idx.msk $0xffff, v57  }
0x17e: {  	v25 =	vor.u32 v59, v26;
	[tilespmem:v23+s16+$0x0] =	vst.idx.msk $0xffff, v49  }
0x17f: {  	v62 =	vor.u32 v38, v3;
	[tilespmem:v21+s16+$0x0] =	vst.idx.msk $0xffff, v7;
	v56 =	vand.u32 v0, v24  }
0x180: {  	v10 =	vor.u32 v10, v41;
	v48 =	vld.idx.msk [tilespmem:v48+s13+$0x0], $0xffff;
	[tilespmem:v63+s16+$0x0] =	vst.idx.msk $0xffff, v53;
	v4 =	vor.u32 v37, v56  }
0x181: {  	v0 =	vld [tilespmem:$0x1FF00]  }
0x182: {  	v14 =	vld.idx.msk [tilespmem:v22+s13+$0x0], $0xffff;
	v15 =	vor.u32 v27, v18;
	v51 =	vshll.u32 v24, $0x7  }
0x183: {  	v47 =	vld.idx.msk [tilespmem:v25+s13+$0x0], $0xffff;
	v17 =	vor.u32 v27, v2;
	v51 =	vand.u32 $0x1C00, v51  }
0x184: {  	v22 =	vor.u32 v50, v39;
	v7 =	vor.u32 v43, v3;
	v46 =	vld.idx.msk [tilespmem:v62+s13+$0x0], $0xffff;
	v49 =	vor.u32 v1, v51  }
0x185: {  	v3 =	vor.u32 v36, v3;
	v21 =	vor.u32 v49, v40;
	[tilespmem:v10+s16+$0x0] =	vst.idx.msk $0xffff, v48;
	v4 =	vld.idx.msk [tilespmem:v4+s13+$0x0], $0xffff  }
0x186: {  	v23 =	vor.u32 s25, v0;
	v0 =	vld [tilespmem:$0x1FE80]  }
0x187: {  	[tilespmem:v15+s16+$0x0] =	vst.idx.msk $0xffff, v14  }
0x188: {  	[tilespmem:v17+s16+$0x0] =	vst.idx.msk $0xffff, v47  }
0x189: {  	v19 =	vor.u32 v13, v26;
	v26 =	vor.u32 v50, v42;
	v7 =	vld.idx.msk [tilespmem:v7+s13+$0x0], $0xffff;
	[tilespmem:v22+s16+$0x0] =	vst.idx.msk $0xffff, v46  }
0x18a: {  	v3 =	vld.idx.msk [tilespmem:v3+s13+$0x0], $0xffff;
	[tilespmem:v21+s16+$0x0] =	vst.idx.msk $0xffff, v4;
	v4 =	vor.u32 v50, v41  }
0x18b: {  	v10 =	vand.u32 v0, v23;
	v0 =	vld [tilespmem:$0x1FDE0];
	_ =	sdelay $0x2  }
0x18c: {  	v63 =	vshll.u32 v23, $0x7;
	[tilespmem:v26+s16+$0x0] =	vst.idx.msk $0xffff, v7  }
0x18d: {  	v25 =	vor.u32 v38, v56;
	v48 =	vand.u32 $0x1C00, v63;
	[tilespmem:v4+s16+$0x0] =	vst.idx.msk $0xffff, v3  }
0x18e: {  	v24 =	vor.u32 v37, v10;
	v15 =	vor.u32 v0, v48;
	v0 =	vld [tilespmem:$0x1FE20];
	_ =	sdelay $0x1  }
0x18f: {  	v58 =	vor.u32 v27, v60;
	v51 =	vld.idx.msk [tilespmem:v19+s13+$0x0], $0xffff;
	v17 =	vor.u32 v43, v56  }
0x190: {  	v52 =	vor.u32 v9, v60;
	v19 =	vor.u32 v59, v16;
	v14 =	vor.u32 v61, v16  }
0x191: {  	v44 =	vld.idx.msk [tilespmem:v25+s13+$0x0], $0xffff;
	v25 =	vor.u32 v13, v16;
	v63 =	vor.u32 v36, v56;
	v7 =	vor.u32 v49, v39  }
0x192: {  	v23 =	vor.u32 v49, v42;
	v22 =	vor.u32 v38, v10;
	v45 =	vld.idx.msk [tilespmem:v24+s13+$0x0], $0xffff;
	v24 =	vor.u32 s25, v0  }
0x193: {  	v59 =	vor.u32 v43, v10;
	v21 =	vor.u32 v15, v40;
	v26 =	vand.u32 v8, v24  }
0x194: {  	v57 =	vld.idx.msk [tilespmem:v17+s13+$0x0], $0xffff;
	[tilespmem:v58+s16+$0x0] =	vst.idx.msk $0xffff, v51;
	v58 =	vor.u32 v36, v10;
	v10 =	vor.u32 v37, v26  }
0x195: {  	v53 =	vor.u32 v9, v18;
	v55 =	vor.u32 v49, v41;
	v46 =	vor.u32 s25, v33;
	v47 =	vld.idx.msk [tilespmem:v19+s13+$0x0], $0xffff  }
0x196: {  	v54 =	vand.u32 v12, v46;
	v50 =	vor.u32 v9, v2;
	v48 =	vld.idx.msk [tilespmem:v14+s13+$0x0], $0xffff;
	[tilespmem:v7+s16+$0x0] =	vst.idx.msk $0xffff, v44  }
0x197: {  	v61 =	vld.idx.msk [tilespmem:v63+s13+$0x0], $0xffff;
	v56 =	vor.u32 v15, v41;
	v3 =	vor.u32 v15, v39;
	v7 =	vshll.u32 v24, $0x7  }
0x198: {  	v4 =	vor.u32 v15, v42;
	v49 =	vld.idx.msk [tilespmem:v25+s13+$0x0], $0xffff;
	[tilespmem:v21+s16+$0x0] =	vst.idx.msk $0xffff, v45;
	v7 =	vand.u32 $0x1C00, v7  }
0x199: {  	[tilespmem:v23+s16+$0x0] =	vst.idx.msk $0xffff, v57;
	v51 =	vor.u32 v38, v26;
	v44 =	vor.u32 v20, v7;
	v45 =	vld.idx.msk [tilespmem:v10+s13+$0x0], $0xffff  }
0x19a: {  	s28 =	simm.s32 $0x4;
	s29 =	simm.s32 $0x80;
	s24 =	sshll.u32 s23, $0x8;
	v60 =	vor.u32 v36, v26;
	v63 =	vor.u32 v43, v26;
	v7 =	vor.u32 v44, v40;
	v10 =	vld.idx.msk [tilespmem:v22+s13+$0x0], $0xffff  }
.LBB2_5:
0x19b: {  	v13 =	vld.idx.msk [tilespmem:v59+s13+$0x0], $0xffff  }
0x19c: {  	v8 =	vld [tilespmem:$0x1FE50]  }
0x19d: {  	v6 =	vld [tilespmem:$0x1FFB0]  }
0x19e: {  	v25 =	vld [tilespmem:$0x1FE60]  }
0x19f: {  	v9 =	vld [tilespmem:$0x1FDD0]  }
0x1a0: {  	v1 =	vld [tilespmem:$0x1FF20]  }
0x1a1: {  	s26 =	sadd.s32 $0x8, s26;
	v15 =	vld [tilespmem:$0x1FE30]  }
0x1a2: {  	s31 =	sand.u32 $0x40, s29;
	v0 =	vlaneseq.u32;
	[tilespmem:v53+s16+$0x0] =	vst.idx.msk $0xffff, v48;
	v11 =	vld [tilespmem:$0x1FE40];
	s30 =	sand.u32 $0x30, s26  }
0x1a3: {  	v16 =	vor.u32 v37, v54;
	[tilespmem:v50+s16+$0x0] =	vst.idx.msk $0xffff, v47;
	v17 =	vld [tilespmem:$0x1FE70];
	v19 =	vor.u32 s31, v0;
	s0 =	sor.u32 $0x30, s31;
	s2 =	sor.u32 $0x10, s31;
	s31 =	sor.u32 $0x20, s31;
	v22 =	vor.u32 s30, v0  }
0x1a4: {  	v24 =	vor.u32 s0, v0;
	v50 =	vor.u32 s2, v0;
	[tilespmem:v7+s16+$0x0] =	vst.idx.msk $0xffff, v45;
	v7 =	vor.u32 s31, v0;
	v0 =	vld [tilespmem:$0x1FF90]  }
0x1a5: {  	v57 =	vor.u32 v44, v41;
	v62 =	vor.u32 v44, v39;
	v46 =	vshll.u32 v46, $0x7;
	v12 =	vld [tilespmem:$0x1FF60];
	[tilespmem:v55+s16+$0x0] =	vst.idx.msk $0xffff, v61  }
0x1a6: {  	v59 =	vor.u32 v44, v42;
	v5 =	vld [tilespmem:$0x1FDE0];
	v46 =	vand.u32 $0x1C00, v46;
	v44 =	vshll.u32 v19, $0x6;
	[tilespmem:v3+s16+$0x0] =	vst.idx.msk $0xffff, v10  }
0x1a7: {  	v26 =	vld.idx.msk [tilespmem:v58+s13+$0x0], $0xffff;
	v27 =	vshll.u32 v24, $0x6;
	v48 =	vshll.u32 v50, $0x6;
	v45 =	vor.u32 s25, v30;
	[tilespmem:v52+s16+$0x0] =	vst.idx.msk $0xffff, v49  }
0x1a8: {  	v20 =	vld [tilespmem:$0x1FE00];
	v10 =	vshll.u32 v22, $0x7;
	v53 =	vand.u32 v8, v22;
	v58 =	vor.u32 v6, v46;
	[tilespmem:v4+s16+$0x0] =	vst.idx.msk $0xffff, v13  }
0x1a9: {  	v3 =	vld.idx.msk [tilespmem:v16+s13+$0x0], $0xffff;
	v28 =	vor.u32 v27, v53;
	v4 =	vor.u32 v58, v40;
	v55 =	vand.u32 v0, v45  }
0x1aa: {  	v23 =	vor.u32 s30, v29;
	v24 =	vand.u32 v31, v24;
	v13 =	vld.idx.msk [tilespmem:v51+s13+$0x0], $0xffff;
	v16 =	vor.u32 v37, v55  }
0x1ab: {  	v49 =	vand.u32 v35, v19;
	v14 =	vshll.u32 v23, $0x7;
	v18 =	vor.u32 v48, v53;
	v63 =	vld.idx.msk [tilespmem:v63+s13+$0x0], $0xffff  }
0x1ac: {  	v47 =	vshll.u32 v7, $0x6;
	v19 =	vand.u32 $0x1C00, v14;
	v14 =	vld [tilespmem:$0x1FFA0];
	v45 =	vshll.u32 v45, $0x7  }
0x1ad: {  	v10 =	vand.u32 $0x1C00, v10;
	[tilespmem:v56+s16+$0x0] =	vst.idx.msk $0xffff, v26;
	v56 =	vand.u32 $0x1C00, v45;
	v45 =	vand.u32 v1, v50;
	v1 =	vld [tilespmem:$0x1FF30]  }
0x1ae: {  	v21 =	vor.u32 v47, v53;
	v10 =	vor.u32 v25, v10;
	v28 =	vld.idx.msk [tilespmem:v28+s13+$0x0], $0xffff;
	[tilespmem:v4+s16+$0x0] =	vst.idx.msk $0xffff, v3  }
0x1af: {  	v29 =	vand.u32 v9, v23;
	v30 =	vor.u32 v44, v53;
	v33 =	vor.u32 v10, v24;
	v4 =	vld.idx.msk [tilespmem:v16+s13+$0x0], $0xffff  }
0x1b0: {  	v31 =	vor.u32 v27, v29;
	v16 =	vld.idx.msk [tilespmem:v18+s13+$0x0], $0xffff  }
0x1b1: {  	v56 =	vor.u32 v15, v56;
	v3 =	vor.u32 s25, v34;
	v23 =	vor.u32 v10, v45;
	v18 =	vld [tilespmem:$0x1FE80]  }
0x1b2: {  	v53 =	vand.u32 v11, v3;
	v46 =	vand.u32 v1, v7;
	v7 =	vor.u32 v56, v40;
	v1 =	vld [tilespmem:$0x1FF50]  }
0x1b3: {  	v19 =	vor.u32 v17, v19;
	v50 =	vor.u32 v10, v49;
	v22 =	vld.idx.msk [tilespmem:v21+s13+$0x0], $0xffff;
	v21 =	vor.u32 v37, v53  }
0x1b4: {  	v30 =	vld.idx.msk [tilespmem:v30+s13+$0x0], $0xffff;
	v34 =	vor.u32 v48, v29;
	v3 =	vshll.u32 v3, $0x7;
	[tilespmem:v33+s16+$0x0] =	vst.idx.msk $0xffff, v28  }
0x1b5: {  	v3 =	vand.u32 $0x1C00, v3;
	v28 =	vor.u32 s30, v32;
	v10 =	vor.u32 v10, v46;
	v31 =	vld.idx.msk [tilespmem:v31+s13+$0x0], $0xffff  }
0x1b6: {  	v33 =	vor.u32 v19, v24;
	v32 =	vand.u32 v18, v28;
	[tilespmem:v23+s16+$0x0] =	vst.idx.msk $0xffff, v16;
	v16 =	vld.idx.msk [tilespmem:v60+s13+$0x0], $0xffff  }
0x1b7: {  	v52 =	vor.u32 v14, v3;
	[tilespmem:v7+s16+$0x0] =	vst.idx.msk $0xffff, v4;
	v3 =	vor.u32 s25, v1;
	v1 =	vld [tilespmem:$0x1FDF0];
	v35 =	vor.u32 v27, v32  }
0x1b8: {  	v26 =	vor.u32 v52, v40;
	v4 =	vor.u32 v47, v29;
	v29 =	vor.u32 v44, v29;
	v7 =	vld.idx.msk [tilespmem:v21+s13+$0x0], $0xffff  }
0x1b9: {  	v28 =	vshll.u32 v28, $0x7;
	v60 =	vor.u32 v19, v45;
	[tilespmem:v50+s16+$0x0] =	vst.idx.msk $0xffff, v30;
	v51 =	vand.u32 v12, v3;
	v21 =	vld [tilespmem:$0x1FF70]  }
0x1ba: {  	v23 =	vld [tilespmem:$0x1FFF0];
	[tilespmem:v10+s16+$0x0] =	vst.idx.msk $0xffff, v22;
	v22 =	vor.u32 v19, v49;
	v28 =	vand.u32 $0x1C00, v28;
	v10 =	vor.u32 v37, v51  }
0x1bb: {  	s25 =	smov.u32 s30;
	v3 =	vshll.u32 v3, $0x7;
	[tilespmem:v33+s16+$0x0] =	vst.idx.msk $0xffff, v31;
	v28 =	vor.u32 v5, v28;
	v33 =	vld.idx.msk [tilespmem:v34+s13+$0x0], $0xffff  }
0x1bc: {  	v19 =	vor.u32 v19, v46;
	v34 =	vor.u32 v28, v24;
	v30 =	vor.u32 s25, v1;
	v31 =	vld.idx.msk [tilespmem:v35+s13+$0x0], $0xffff  }
0x1bd: {  	v37 =	vmov v27;
	v3 =	vand.u32 $0x1C00, v3;
	[tilespmem:v62+s16+$0x0] =	vst.idx.msk $0xffff, v13;
	v62 =	vld [tilespmem:$0x1FF80];
	v27 =	vand.u32 v20, v30  }
0x1be: {  	v4 =	vld.idx.msk [tilespmem:v4+s13+$0x0], $0xffff;
	[tilespmem:v26+s16+$0x0] =	vst.idx.msk $0xffff, v7;
	v7 =	vor.u32 v48, v32;
	v50 =	vor.u32 v21, v3  }
0x1bf: {  	v26 =	vor.u32 v44, v32;
	v30 =	vshll.u32 v30, $0x7;
	v35 =	vor.u32 v37, v27;
	v3 =	vld.idx.msk [tilespmem:v10+s13+$0x0], $0xffff  }
0x1c0: {  	v10 =	vld.idx.msk [tilespmem:v29+s13+$0x0], $0xffff;
	v29 =	vor.u32 v47, v32;
	v32 =	vor.u32 v50, v40;
	v40 =	vand.u32 $0x1C00, v30  }
0x1c1: {  	v61 =	vor.u32 v38, v54;
	[tilespmem:v34+s16+$0x0] =	vst.idx.msk $0xffff, v31;
	v31 =	vor.u32 s25, v23;
	v23 =	vld [tilespmem:$0x1FFE0]  }
0x1c2: {  	v2 =	vor.u32 v28, v45;
	[tilespmem:v60+s16+$0x0] =	vst.idx.msk $0xffff, v33  }
0x1c3: {  	v1 =	vor.u32 v28, v49;
	v13 =	vor.u32 v62, v40;
	v40 =	vmov v24;
	v7 =	vld.idx.msk [tilespmem:v7+s13+$0x0], $0xffff  }
0x1c4: {  	v28 =	vor.u32 v28, v46;
	[tilespmem:v19+s16+$0x0] =	vst.idx.msk $0xffff, v4;
	v4 =	vor.u32 v13, v40;
	v33 =	vld.idx.msk [tilespmem:v35+s13+$0x0], $0xffff  }
0x1c5: {  	v30 =	vor.u32 v48, v27;
	v19 =	vld.idx.msk [tilespmem:v29+s13+$0x0], $0xffff;
	v29 =	vor.u32 v47, v27;
	[tilespmem:v32+s16+$0x0] =	vst.idx.msk $0xffff, v3  }
0x1c6: {  	[tilespmem:v22+s16+$0x0] =	vst.idx.msk $0xffff, v10;
	v22 =	vld.idx.msk [tilespmem:v61+s13+$0x0], $0xffff;
	v24 =	vand.u32 v23, v31;
	v31 =	vshll.u32 v31, $0x7  }
0x1c7: {  	[tilespmem:v59+s16+$0x0] =	vst.idx.msk $0xffff, v63;
	v26 =	vld.idx.msk [tilespmem:v26+s13+$0x0], $0xffff;
	v60 =	vor.u32 v37, v24;
	v31 =	vand.u32 $0x1C00, v31  }
0x1c8: {  	v3 =	vor.u32 v44, v27;
	[tilespmem:v2+s16+$0x0] =	vst.idx.msk $0xffff, v7;
	v31 =	vor.u32 v6, v31;
	v6 =	vld [tilespmem:$0x1FE90]  }
0x1c9: {  	v10 =	vor.u32 v13, v49;
	v27 =	vor.u32 v13, v45;
	[tilespmem:v4+s16+$0x0] =	vst.idx.msk $0xffff, v33  }
0x1ca: {  	v13 =	vor.u32 v13, v46;
	v33 =	vor.u32 v43, v54;
	v30 =	vld.idx.msk [tilespmem:v30+s13+$0x0], $0xffff;
	[tilespmem:v28+s16+$0x0] =	vst.idx.msk $0xffff, v19  }
0x1cb: {  	v32 =	vor.u32 v48, v24;
	v35 =	vor.u32 v44, v24;
	v24 =	vor.u32 v47, v24;
	v29 =	vld.idx.msk [tilespmem:v29+s13+$0x0], $0xffff  }
0x1cc: {  	v4 =	vor.u32 v36, v54;
	[tilespmem:v1+s16+$0x0] =	vst.idx.msk $0xffff, v26;
	v2 =	vld.idx.msk [tilespmem:v60+s13+$0x0], $0xffff;
	v60 =	vor.u32 v31, v40  }
0x1cd: {  	v54 =	vor.u32 v58, v41;
	v28 =	vor.u32 v31, v49;
	v3 =	vld.idx.msk [tilespmem:v3+s13+$0x0], $0xffff;
	v63 =	vor.u32 s25, v6  }
0x1ce: {  	[tilespmem:v57+s16+$0x0] =	vst.idx.msk $0xffff, v16;
	v57 =	vor.u32 v58, v39;
	v7 =	vand.u32 v0, v63;
	v0 =	vld [tilespmem:$0x1FEA0]  }
0x1cf: {  	v34 =	vor.u32 v31, v45;
	v26 =	vor.u32 v31, v46;
	v33 =	vld.idx.msk [tilespmem:v33+s13+$0x0], $0xffff;
	[tilespmem:v27+s16+$0x0] =	vst.idx.msk $0xffff, v30  }
0x1d0: {  	v32 =	vld.idx.msk [tilespmem:v32+s13+$0x0], $0xffff;
	[tilespmem:v13+s16+$0x0] =	vst.idx.msk $0xffff, v29;
	v63 =	vshll.u32 v63, $0x7;
	v61 =	vor.u32 v37, v7  }
0x1d1: {  	v16 =	vand.u32 $0x1C00, v63;
	[tilespmem:v60+s16+$0x0] =	vst.idx.msk $0xffff, v2;
	v2 =	vld.idx.msk [tilespmem:v4+s13+$0x0], $0xffff;
	v4 =	vor.u32 v58, v42  }
0x1d2: {  	v24 =	vld.idx.msk [tilespmem:v24+s13+$0x0], $0xffff;
	v1 =	vor.u32 v48, v7;
	v31 =	vor.u32 v44, v7;
	v16 =	vor.u32 v15, v16  }
0x1d3: {  	[tilespmem:v57+s16+$0x0] =	vst.idx.msk $0xffff, v22;
	v7 =	vor.u32 v47, v7;
	v29 =	vor.u32 v16, v49;
	v60 =	vor.u32 s25, v0  }
0x1d4: {  	[tilespmem:v10+s16+$0x0] =	vst.idx.msk $0xffff, v3;
	v0 =	vld [tilespmem:$0x1FE10];
	v30 =	vand.u32 v11, v60;
	v19 =	vshll.u32 v60, $0x7;
	v60 =	vor.u32 v38, v55  }
0x1d5: {  	v58 =	vor.u32 v16, v45;
	[tilespmem:v34+s16+$0x0] =	vst.idx.msk $0xffff, v32;
	v27 =	vld.idx.msk [tilespmem:v61+s13+$0x0], $0xffff;
	v61 =	vor.u32 v16, v40  }
0x1d6: {  	v10 =	vor.u32 v16, v46;
	v16 =	vld.idx.msk [tilespmem:v35+s13+$0x0], $0xffff;
	v63 =	vor.u32 v37, v30;
	[tilespmem:v4+s16+$0x0] =	vst.idx.msk $0xffff, v33  }
0x1d7: {  	v1 =	vld.idx.msk [tilespmem:v1+s13+$0x0], $0xffff;
	[tilespmem:v26+s16+$0x0] =	vst.idx.msk $0xffff, v24  }
0x1d8: {  	v13 =	vor.u32 v36, v55;
	v3 =	vor.u32 v48, v30;
	v4 =	vor.u32 v43, v55;
	v7 =	vld.idx.msk [tilespmem:v7+s13+$0x0], $0xffff  }
0x1d9: {  	v35 =	vor.u32 v44, v30;
	v30 =	vor.u32 v47, v30;
	v19 =	vand.u32 $0x1C00, v19;
	v22 =	vld.idx.msk [tilespmem:v60+s13+$0x0], $0xffff  }
0x1da: {  	v19 =	vor.u32 v14, v19;
	v33 =	vor.u32 v56, v39;
	[tilespmem:v61+s16+$0x0] =	vst.idx.msk $0xffff, v27;
	v61 =	vor.u32 s25, v0;
	v0 =	vld [tilespmem:$0x1FED0]  }
0x1db: {  	v14 =	vor.u32 v19, v40;
	[tilespmem:v28+s16+$0x0] =	vst.idx.msk $0xffff, v16;
	v63 =	vld.idx.msk [tilespmem:v63+s13+$0x0], $0xffff;
	v12 =	vand.u32 v12, v61  }
0x1dc: {  	v26 =	vor.u32 v19, v49;
	[tilespmem:v58+s16+$0x0] =	vst.idx.msk $0xffff, v1;
	v28 =	vld.idx.msk [tilespmem:v31+s13+$0x0], $0xffff;
	v57 =	vor.u32 v37, v12  }
0x1dd: {  	v55 =	vor.u32 v19, v45;
	v60 =	vor.u32 v56, v42;
	v4 =	vld.idx.msk [tilespmem:v4+s13+$0x0], $0xffff;
	[tilespmem:v10+s16+$0x0] =	vst.idx.msk $0xffff, v7  }
0x1de: {  	v19 =	vor.u32 v19, v46;
	[tilespmem:v54+s16+$0x0] =	vst.idx.msk $0xffff, v2;
	v2 =	vshll.u32 v61, $0x7;
	v30 =	vld.idx.msk [tilespmem:v30+s13+$0x0], $0xffff  }
0x1df: {  	v61 =	vor.u32 v38, v53;
	v34 =	vor.u32 v47, v12;
	v2 =	vand.u32 $0x1C00, v2;
	v13 =	vld.idx.msk [tilespmem:v13+s13+$0x0], $0xffff  }
0x1e0: {  	v16 =	vor.u32 v48, v12;
	v2 =	vor.u32 v21, v2;
	[tilespmem:v14+s16+$0x0] =	vst.idx.msk $0xffff, v63;
	v63 =	vor.u32 s25, v0;
	v0 =	vld [tilespmem:$0x1FEF0]  }
0x1e1: {  	v31 =	vor.u32 v44, v12;
	v7 =	vor.u32 v2, v40;
	[tilespmem:v29+s16+$0x0] =	vst.idx.msk $0xffff, v28;
	v1 =	vld.idx.msk [tilespmem:v57+s13+$0x0], $0xffff  }
0x1e2: {  	v3 =	vld.idx.msk [tilespmem:v3+s13+$0x0], $0xffff;
	v12 =	vand.u32 v8, v63;
	[tilespmem:v60+s16+$0x0] =	vst.idx.msk $0xffff, v4;
	v4 =	vor.u32 v43, v53  }
0x1e3: {  	v29 =	vld.idx.msk [tilespmem:v35+s13+$0x0], $0xffff;
	v14 =	vor.u32 v37, v12;
	[tilespmem:v19+s16+$0x0] =	vst.idx.msk $0xffff, v30  }
0x1e4: {  	v32 =	vor.u32 v36, v53;
	v27 =	vor.u32 v56, v41;
	v34 =	vld.idx.msk [tilespmem:v34+s13+$0x0], $0xffff  }
0x1e5: {  	v10 =	vor.u32 v2, v49;
	[tilespmem:v33+s16+$0x0] =	vst.idx.msk $0xffff, v22;
	v15 =	vshll.u32 v63, $0x7;
	v59 =	vor.u32 s25, v0;
	v0 =	vld [tilespmem:$0x1FF00]  }
0x1e6: {  	v57 =	vor.u32 v2, v45;
	v22 =	vand.u32 $0x1C00, v15;
	[tilespmem:v7+s16+$0x0] =	vst.idx.msk $0xffff, v1;
	v7 =	vld.idx.msk [tilespmem:v61+s13+$0x0], $0xffff  }
0x1e7: {  	v2 =	vor.u32 v2, v46;
	v56 =	vor.u32 v47, v12;
	v22 =	vor.u32 v25, v22;
	v4 =	vld.idx.msk [tilespmem:v4+s13+$0x0], $0xffff  }
0x1e8: {  	[tilespmem:v55+s16+$0x0] =	vst.idx.msk $0xffff, v3;
	v60 =	vand.u32 v9, v59;
	v61 =	vor.u32 v22, v40;
	v3 =	vld.idx.msk [tilespmem:v14+s13+$0x0], $0xffff  }
0x1e9: {  	[tilespmem:v26+s16+$0x0] =	vst.idx.msk $0xffff, v29;
	v16 =	vld.idx.msk [tilespmem:v16+s13+$0x0], $0xffff;
	v63 =	vor.u32 v37, v60  }
0x1ea: {  	v28 =	vor.u32 v48, v12;
	v29 =	vld.idx.msk [tilespmem:v31+s13+$0x0], $0xffff;
	[tilespmem:v27+s16+$0x0] =	vst.idx.msk $0xffff, v13  }
0x1eb: {  	v35 =	vor.u32 v44, v12;
	v30 =	vor.u32 v22, v49;
	v53 =	vor.u32 v22, v45;
	v24 =	vld.idx.msk [tilespmem:v32+s13+$0x0], $0xffff  }
0x1ec: {  	v19 =	vor.u32 v43, v51;
	v22 =	vor.u32 v22, v46;
	v25 =	vor.u32 s25, v0;
	[tilespmem:v2+s16+$0x0] =	vst.idx.msk $0xffff, v34;
	v0 =	vld [tilespmem:$0x1FE20]  }
0x1ed: {  	v21 =	vshll.u32 v59, $0x7;
	v32 =	vor.u32 v52, v42;
	[tilespmem:v61+s16+$0x0] =	vst.idx.msk $0xffff, v3;
	v61 =	vld.idx.msk [tilespmem:v56+s13+$0x0], $0xffff  }
0x1ee: {  	v27 =	vor.u32 v52, v39;
	v13 =	vand.u32 $0x1C00, v21;
	[tilespmem:v57+s16+$0x0] =	vst.idx.msk $0xffff, v16;
	v21 =	vld.idx.msk [tilespmem:v63+s13+$0x0], $0xffff  }
0x1ef: {  	v13 =	vor.u32 v17, v13;
	v3 =	vor.u32 v38, v51;
	[tilespmem:v10+s16+$0x0] =	vst.idx.msk $0xffff, v29;
	v28 =	vld.idx.msk [tilespmem:v28+s13+$0x0], $0xffff  }
0x1f0: {  	v2 =	vor.u32 v13, v40;
	v29 =	vld.idx.msk [tilespmem:v35+s13+$0x0], $0xffff  }
0x1f1: {  	v26 =	vor.u32 v48, v60;
	v33 =	vor.u32 v47, v60;
	v35 =	vld [tilespmem:$0x1FEE0]  }
0x1f2: {  	v31 =	vor.u32 v44, v60;
	v60 =	vand.u32 v18, v25;
	[tilespmem:v32+s16+$0x0] =	vst.idx.msk $0xffff, v4;
	v32 =	vld [tilespmem:$0x1FEC0]  }
0x1f3: {  	v43 =	vmov v47;
	v63 =	vor.u32 v37, v60;
	[tilespmem:v27+s16+$0x0] =	vst.idx.msk $0xffff, v7;
	v47 =	vld.idx.msk [tilespmem:v19+s13+$0x0], $0xffff  }
0x1f4: {  	v38 =	vmov v48;
	v7 =	vshll.u32 v25, $0x7;
	v48 =	vld.idx.msk [tilespmem:v3+s13+$0x0], $0xffff;
	[tilespmem:v22+s16+$0x0] =	vst.idx.msk $0xffff, v61  }
0x1f5: {  	v3 =	vand.u32 $0x1C00, v7;
	v7 =	vor.u32 s25, v0;
	v0 =	vld [tilespmem:$0x1FF10];
	[tilespmem:v2+s16+$0x0] =	vst.idx.msk $0xffff, v21  }
0x1f6: {  	v1 =	vor.u32 v52, v41;
	v52 =	vor.u32 v50, v41;
	[tilespmem:v53+s16+$0x0] =	vst.idx.msk $0xffff, v28;
	v28 =	vld.idx.msk [tilespmem:v33+s13+$0x0], $0xffff  }
0x1f7: {  	v58 =	vor.u32 v44, v60;
	v2 =	vor.u32 v5, v3;
	[tilespmem:v30+s16+$0x0] =	vst.idx.msk $0xffff, v29;
	v30 =	vld [tilespmem:$0x1FFC0]  }
0x1f8: {  	v27 =	vor.u32 v36, v51;
	v36 =	vmov v44;
	v16 =	vld.idx.msk [tilespmem:v63+s13+$0x0], $0xffff;
	v44 =	vor.u32 v2, v40  }
0x1f9: {  	v55 =	vor.u32 v13, v49;
	v34 =	vor.u32 v13, v45;
	v15 =	vand.u32 v20, v7;
	v26 =	vld.idx.msk [tilespmem:v26+s13+$0x0], $0xffff  }
0x1fa: {  	s28 =	sadd.s32 $0x4, s28;
	v41 =	vmovc v49;
	v13 =	vor.u32 v13, v46;
	v59 =	vor.u32 v43, v60;
	v29 =	vld [tilespmem:$0x1FEB0];
	v57 =	vor.u32 v37, v15  }
0x1fb: {  	p1 =	slt.u32 s28, $0x1C;
	v10 =	vor.u32 v38, v60;
	v53 =	vor.u32 v50, v39;
	v50 =	vor.u32 v50, v42;
	v61 =	vld.idx.msk [tilespmem:v31+s13+$0x0], $0xffff  }
.Ltmp3:
0x1fc: {  	v56 =	vor.u32 v2, v41;
	v3 =	vor.u32 v2, v45;
	v31 =	vld [tilespmem:$0x1FF40];
	[tilespmem:v1+s16+$0x0] =	vst.idx.msk $0xffff, v24;
	(pc) =	sbr.rel @p1 .LBB2_5-.Ltmp3, $4  }
0x1fd: {  	v39 =	vmov v45;
	v51 =	vor.u32 v38, v15;
	v1 =	vshll.u32 v7, $0x7;
	v49 =	vld.idx.msk [tilespmem:v27+s13+$0x0], $0xffff;
	[tilespmem:v44+s16+$0x0] =	vst.idx.msk $0xffff, v16  }
0x1fe: {  	v4 =	vor.u32 v2, v46;
	v60 =	vor.u32 v36, v15;
	v1 =	vand.u32 $0x1C00, v1;
	[tilespmem:v34+s16+$0x0] =	vst.idx.msk $0xffff, v26;
	v34 =	vld [tilespmem:$0x1FFD0]  }
0x1ff: {  	v42 =	vmovc v46;
	v63 =	vor.u32 v43, v15;
	v46 =	vor.u32 s25, v0;
	v44 =	vor.u32 v62, v1;
	v45 =	vld.idx.msk [tilespmem:v57+s13+$0x0], $0xffff  }
0x200: {  	s29 =	sadd.s32 $0x40, s29;
	v54 =	vand.u32 v23, v46;
	[tilespmem:v13+s16+$0x0] =	vst.idx.msk $0xffff, v28;
	v10 =	vld.idx.msk [tilespmem:v10+s13+$0x0], $0xffff;
	v7 =	vor.u32 v44, v40  }
0x201: {  	v11 =	vld [tilespmem:$0x1FE10]  }
0x202: {  	v15 =	vld [tilespmem:$0x1FFE0]  }
0x203: {  	v12 =	vld [tilespmem:$0x1FFF0]  }
0x204: {  	v20 =	vld [tilespmem:$0x1FF80]  }
0x205: {  	v18 =	vld [tilespmem:$0x1FE00]  }
0x206: {  	v1 =	vld.idx.msk [tilespmem:v59+s13+$0x0], $0xffff;
	[tilespmem:v55+s16+$0x0] =	vst.idx.msk $0xffff, v61  }
0x207: {  	v2 =	vld.idx.msk [tilespmem:v58+s13+$0x0], $0xffff;
	_ =	sdelay $0x1  }
0x208: {  	[tilespmem:v7+s16+$0x0] =	vst.idx.msk $0xffff, v45  }
0x209: {  	[tilespmem:v3+s16+$0x0] =	vst.idx.msk $0xffff, v10  }
0x20a: {  	[tilespmem:v4+s16+$0x0] =	vst.idx.msk $0xffff, v1  }
0x20b: {  	[tilespmem:v56+s16+$0x0] =	vst.idx.msk $0xffff, v2  }
0x20c: {  	v55 =	vld [tilespmem:$0x1FFB0]  }
0x20d: {  	v10 =	vor.u32 v37, v54;
	_ =	sdelay $0x1  }
0x20e: {  	v62 =	vor.u32 v44, v39;
	v19 =	vshll.u32 v46, $0x7;
	v33 =	vld.idx.msk [tilespmem:v51+s13+$0x0], $0xffff  }
0x20f: {  	v13 =	vor.u32 v44, v42;
	v19 =	vand.u32 $0x1C00, v19;
	v57 =	vld.idx.msk [tilespmem:v63+s13+$0x0], $0xffff  }
0x210: {  	v16 =	vor.u32 v44, v41;
	v22 =	vld.idx.msk [tilespmem:v60+s13+$0x0], $0xffff;
	v58 =	vor.u32 v55, v19  }
0x211: {  	v10 =	vld.idx.msk [tilespmem:v10+s13+$0x0], $0xffff;
	v28 =	vor.u32 v58, v40  }
0x212: {  	v23 =	vld [tilespmem:$0x1FF90]  }
0x213: {  	[tilespmem:v62+s16+$0x0] =	vst.idx.msk $0xffff, v33  }
0x214: {  	[tilespmem:v13+s16+$0x0] =	vst.idx.msk $0xffff, v57  }
0x215: {  	v51 =	vor.u32 v38, v54;
	[tilespmem:v16+s16+$0x0] =	vst.idx.msk $0xffff, v22  }
0x216: {  	v24 =	vor.u32 v43, v54;
	v19 =	vor.u32 s25, v30;
	[tilespmem:v28+s16+$0x0] =	vst.idx.msk $0xffff, v10  }
0x217: {  	v26 =	vor.u32 v36, v54;
	v27 =	vand.u32 v23, v19;
	v6 =	vld [tilespmem:$0x1FE30]  }
0x218: {  	v59 =	vor.u32 v37, v27;
	_ =	sdelay $0x1  }
0x219: {  	v3 =	vld.idx.msk [tilespmem:v51+s13+$0x0], $0xffff;
	v60 =	vor.u32 v58, v39;
	v19 =	vshll.u32 v19, $0x7  }
0x21a: {  	v61 =	vld.idx.msk [tilespmem:v24+s13+$0x0], $0xffff;
	v13 =	vor.u32 v58, v42;
	v19 =	vand.u32 $0x1C00, v19  }
0x21b: {  	v7 =	vor.u32 v58, v41;
	v22 =	vld.idx.msk [tilespmem:v26+s13+$0x0], $0xffff;
	v10 =	vor.u32 v6, v19  }
0x21c: {  	v1 =	vld.idx.msk [tilespmem:v59+s13+$0x0], $0xffff;
	v28 =	vor.u32 v10, v40  }
0x21d: {  	v33 =	vld [tilespmem:$0x1FE40]  }
0x21e: {  	[tilespmem:v60+s16+$0x0] =	vst.idx.msk $0xffff, v3  }
0x21f: {  	v16 =	vor.u32 v38, v27;
	[tilespmem:v13+s16+$0x0] =	vst.idx.msk $0xffff, v61  }
0x220: {  	v62 =	vor.u32 v43, v27;
	[tilespmem:v7+s16+$0x0] =	vst.idx.msk $0xffff, v22  }
0x221: {  	v63 =	vor.u32 v36, v27;
	v19 =	vor.u32 s25, v34;
	[tilespmem:v28+s16+$0x0] =	vst.idx.msk $0xffff, v1  }
0x222: {  	v27 =	vand.u32 v33, v19;
	v54 =	vld [tilespmem:$0x1FFA0]  }
0x223: {  	v34 =	vor.u32 v37, v27  }
0x224: {  	v3 =	vld.idx.msk [tilespmem:v16+s13+$0x0], $0xffff;
	v44 =	vor.u32 v10, v39  }
0x225: {  	v45 =	vld.idx.msk [tilespmem:v62+s13+$0x0], $0xffff;
	v13 =	vor.u32 v10, v42;
	v19 =	vshll.u32 v19, $0x7  }
0x226: {  	v22 =	vld.idx.msk [tilespmem:v63+s13+$0x0], $0xffff;
	v10 =	vor.u32 v10, v41;
	v19 =	vand.u32 $0x1C00, v19  }
0x227: {  	v8 =	vld [tilespmem:$0x1FF50];
	v56 =	vor.u32 v54, v19  }
0x228: {  	v2 =	vld.idx.msk [tilespmem:v34+s13+$0x0], $0xffff;
	v28 =	vor.u32 v56, v40  }
0x229: {  	v14 =	vld [tilespmem:$0x1FF60];
	[tilespmem:v44+s16+$0x0] =	vst.idx.msk $0xffff, v3  }
0x22a: {  	v16 =	vor.u32 v38, v27;
	[tilespmem:v13+s16+$0x0] =	vst.idx.msk $0xffff, v45  }
0x22b: {  	v46 =	vor.u32 v43, v27;
	[tilespmem:v10+s16+$0x0] =	vst.idx.msk $0xffff, v22  }
0x22c: {  	v51 =	vor.u32 v36, v27;
	[tilespmem:v53+s16+$0x0] =	vst.idx.msk $0xffff, v48  }
0x22d: {  	v19 =	vor.u32 s25, v8;
	[tilespmem:v28+s16+$0x0] =	vst.idx.msk $0xffff, v2  }
0x22e: {  	v27 =	vand.u32 v14, v19;
	v33 =	vld [tilespmem:$0x1FF70]  }
0x22f: {  	v4 =	vld.idx.msk [tilespmem:v16+s13+$0x0], $0xffff;
	v58 =	vor.u32 v56, v39;
	v57 =	vor.u32 v37, v27  }
0x230: {  	v13 =	vld.idx.msk [tilespmem:v46+s13+$0x0], $0xffff;
	v10 =	vor.u32 v56, v42;
	v16 =	vor.u32 v38, v27  }
0x231: {  	v22 =	vld.idx.msk [tilespmem:v51+s13+$0x0], $0xffff;
	v19 =	vshll.u32 v19, $0x7;
	v1 =	vor.u32 v56, v41;
	v59 =	vor.u32 v43, v27  }
0x232: {  	v19 =	vand.u32 $0x1C00, v19;
	v60 =	vor.u32 v36, v27  }
0x233: {  	v61 =	vor.u32 v33, v19  }
0x234: {  	v3 =	vld.idx.msk [tilespmem:v57+s13+$0x0], $0xffff;
	[tilespmem:v58+s16+$0x0] =	vst.idx.msk $0xffff, v4;
	v19 =	vor.u32 v61, v40  }
0x235: {  	[tilespmem:v10+s16+$0x0] =	vst.idx.msk $0xffff, v13;
	v4 =	vld.idx.msk [tilespmem:v16+s13+$0x0], $0xffff;
	v62 =	vor.u32 v61, v39  }
0x236: {  	[tilespmem:v1+s16+$0x0] =	vst.idx.msk $0xffff, v22;
	v10 =	vld.idx.msk [tilespmem:v59+s13+$0x0], $0xffff;
	v63 =	vor.u32 v61, v42  }
0x237: {  	[tilespmem:v50+s16+$0x0] =	vst.idx.msk $0xffff, v47;
	v13 =	vld.idx.msk [tilespmem:v60+s13+$0x0], $0xffff;
	v2 =	vor.u32 v61, v41  }
0x238: {  	p1 =	sne.s32 s23, $0x63;
	[tilespmem:v52+s16+$0x0] =	vst.idx.msk $0xffff, v49  }
.Ltmp4:
0x239: {  	s0 =	sshll.u32 s23, $0x13;
	[tilespmem:v19+s16+$0x0] =	vst.idx.msk $0xffff, v3;
	(pc) =	sbr.rel @p1 .LBB2_8-.Ltmp4, $4  }
0x23a: {  	s0 =	sor.u32 s4, s0;
	[tilespmem:v62+s16+$0x0] =	vst.idx.msk $0xffff, v4  }
0x23b: {  	s25 =	sshrl.u32 s0, $0x3;
	[tilespmem:v63+s16+$0x0] =	vst.idx.msk $0xffff, v10  }
0x23c: {  	s0 =	sadd.s32 s1, s25;
	[tilespmem:v2+s16+$0x0] =	vst.idx.msk $0xffff, v13  }
0x23d: {  	v38 =	vmov v54;
	[hbm4b:s0+s9] =	stream.strided.scatter [tilespmem:s16], [sflag:$0x3], $0x2000, s10, s9, $0x38;
	[tilespmem:$0xE400] =	vst v63  }
.Ltmp5:
0x23e: {  	(pc) =	sbr.rel .LBB2_9-.Ltmp5, $4  }
0x23f: {  	_ = 	snop  }
0x240: {  	_ =	swait.ge [sflag:s17], $0x2000  }
0x241: {  	[sflag:s17] =	ssyncset.done $0x0;
	v3 =	vld [tilespmem:$0x1FE50]  }
0x242: {  	v43 =	vmov v12;
	v0 =	vmov v15;
	v42 =	vmov v11;
	v39 =	vld [tilespmem:$0x1FE60];
	[sflag:s17] =	ssyncadd.s32 $0xFFFFE000  }
.LBB2_8:
0x243: {  	s0 =	sadd.s32 $0x100, s24  }
.Ltmp6:
0x244: {  	s0 =	sand.u32 $0xFF00, s0;
	(pc) =	sbr.rel @p0 .LBB2_10-.Ltmp6, $4  }
0x245: {  	[tilespmem:s13], [sflag:$0x1] =	stream.indirect.gather [hbm4b:s5+s12], $0x40, s0, s12, $0xb8;
	[tilespmem:$0xE400] =	vst v63  }
0x246: {  	_ =	swait.ge [sflag:s17], $0x2000  }
0x247: {  	[sflag:s17] =	ssyncset.done $0x0;
	v3 =	vld [tilespmem:$0x1FE50]  }
0x248: {  	v43 =	vmov v12;
	v0 =	vmov v15;
	v42 =	vmov v11;
	v39 =	vld [tilespmem:$0x1FE60];
	[sflag:s17] =	ssyncadd.s32 $0xFFFFE000  }
.LBB2_9:
0x249: {  	_ =	swait.ge [sflag:s18], $0x2000  }
0x24a: {  	[sflag:s18] =	ssyncset.done $0x0  }
0x24b: {  	[sflag:s18] =	ssyncadd.s32 $0xFFFFE000  }
.LBB2_10:
0x24c: {  	s0 =	simm.s32 $0x0  }
0x24d: {  	s2 =	sand.u32 $0x40, s0  }
0x24e: {  	v9 =	vlaneseq.u32;
	s29 =	sand.u32 $0x30, s0;
	s3 =	sor.u32 $0x30, s2  }
0x24f: {  	v1 =	vor.u32 s29, v9;
	v2 =	vor.u32 s3, v9  }
0x250: {  	v4 =	vmov v3;
	v3 =	vand.u32 v3, v1;
	v51 =	vshll.u32 v2, $0x6  }
0x251: {  	v8 =	vmov v4;
	v4 =	vor.u32 v51, v3;
	_ =	sdelay $0x1  }
0x252: {  	v1 =	vshll.u32 v1, $0x7  }
0x253: {  	v1 =	vand.u32 $0x1C00, v1  }
0x254: {  	v50 =	vand.u32 v31, v2;
	v1 =	vor.u32 v39, v1  }
0x255: {  	v13 =	vor.u32 v1, v50;
	v4 =	vld.idx.msk [tilespmem:v4+s14+$0x0], $0xffff  }
0x256: {  	v56 =	vld [tilespmem:$0x1FDD0];
	_ =	sdelay $0x3  }
0x257: {  	v7 =	vor.u32 s29, v29;
	[tilespmem:v13+s19+$0x0] =	vst.idx.msk $0xffff, v4  }
0x258: {  	v10 =	vand.u32 v56, v7;
	v15 =	vld [tilespmem:$0x1FE70]  }
0x259: {  	v16 =	vor.u32 v51, v10;
	v53 =	vld [tilespmem:$0x1FF20];
	_ =	sdelay $0x1  }
0x25a: {  	v7 =	vshll.u32 v7, $0x7  }
0x25b: {  	s26 =	sor.u32 $0x10, s2;
	v7 =	vand.u32 $0x1C00, v7  }
0x25c: {  	v2 =	vor.u32 s26, v9;
	v4 =	vor.u32 v15, v7  }
0x25d: {  	v47 =	vshll.u32 v2, $0x6;
	v44 =	vand.u32 v53, v2;
	v2 =	vld.idx.msk [tilespmem:v16+s14+$0x0], $0xffff;
	v37 =	vor.u32 v4, v50;
	_ =	sdelay $0x1  }
0x25e: {  	v11 =	vld [tilespmem:$0x1FE80]  }
0x25f: {  	s31 =	sor.u32 $0x20, s2;
	v22 =	vor.u32 v47, v3  }
0x260: {  	v19 =	vor.u32 s31, v9  }
0x261: {  	v24 =	vor.u32 s2, v9;
	v48 =	vshll.u32 v19, $0x6;
	v54 =	vld [tilespmem:$0x1FF30];
	[tilespmem:v37+s19+$0x0] =	vst.idx.msk $0xffff, v2  }
0x262: {  	v46 =	vshll.u32 v24, $0x6;
	v26 =	vor.u32 v48, v3;
	v7 =	vor.u32 s29, v32;
	v12 =	vld [tilespmem:$0x1FDE0]  }
0x263: {  	v3 =	vor.u32 v46, v3;
	v36 =	vand.u32 v11, v7;
	v62 =	vld [tilespmem:$0x1FDF0]  }
0x264: {  	v22 =	vld.idx.msk [tilespmem:v22+s14+$0x0], $0xffff;
	v27 =	vor.u32 v1, v44;
	v28 =	vor.u32 v51, v36  }
0x265: {  	v49 =	vand.u32 v35, v24;
	v52 =	vor.u32 v47, v10  }
0x266: {  	v59 =	vor.u32 v48, v10;
	v45 =	vand.u32 v54, v19;
	v7 =	vshll.u32 v7, $0x7  }
0x267: {  	v10 =	vor.u32 v46, v10;
	v57 =	vld.idx.msk [tilespmem:v26+s14+$0x0], $0xffff;
	v58 =	vor.u32 v1, v45;
	v7 =	vand.u32 $0x1C00, v7  }
0x268: {  	v3 =	vld.idx.msk [tilespmem:v3+s14+$0x0], $0xffff;
	v1 =	vor.u32 v1, v49;
	v2 =	vor.u32 v12, v7;
	v7 =	vor.u32 s29, v62  }
0x269: {  	[tilespmem:v27+s19+$0x0] =	vst.idx.msk $0xffff, v22;
	v16 =	vld.idx.msk [tilespmem:v28+s14+$0x0], $0xffff;
	v22 =	vand.u32 v18, v7;
	v60 =	vor.u32 v2, v50  }
0x26a: {  	v30 =	vor.u32 v51, v22  }
0x26b: {  	v61 =	vor.u32 v4, v44;
	v63 =	vor.u32 v47, v36  }
0x26c: {  	v21 =	vor.u32 v48, v36;
	[tilespmem:v58+s19+$0x0] =	vst.idx.msk $0xffff, v57;
	v19 =	vld.idx.msk [tilespmem:v52+s14+$0x0], $0xffff;
	v7 =	vshll.u32 v7, $0x7  }
0x26d: {  	[tilespmem:v1+s19+$0x0] =	vst.idx.msk $0xffff, v3;
	v3 =	vor.u32 v4, v45;
	v1 =	vld.idx.msk [tilespmem:v59+s14+$0x0], $0xffff;
	v7 =	vand.u32 $0x1C00, v7  }
0x26e: {  	v4 =	vor.u32 v4, v49;
	v10 =	vld.idx.msk [tilespmem:v10+s14+$0x0], $0xffff;
	v7 =	vor.u32 v20, v7;
	[tilespmem:v60+s19+$0x0] =	vst.idx.msk $0xffff, v16  }
0x26f: {  	v34 =	vor.u32 s29, v43;
	v13 =	vor.u32 v46, v36;
	v52 =	vor.u32 v7, v50;
	v36 =	vld.idx.msk [tilespmem:v30+s14+$0x0], $0xffff  }
0x270: {  	v37 =	vand.u32 v0, v34  }
0x271: {  	v58 =	vor.u32 v51, v37;
	[tilespmem:v61+s19+$0x0] =	vst.idx.msk $0xffff, v19  }
0x272: {  	v57 =	vor.u32 v2, v44;
	[tilespmem:v3+s19+$0x0] =	vst.idx.msk $0xffff, v1;
	v24 =	vld.idx.msk [tilespmem:v63+s14+$0x0], $0xffff  }
0x273: {  	[tilespmem:v4+s19+$0x0] =	vst.idx.msk $0xffff, v10;
	v4 =	vshll.u32 v34, $0x7;
	v59 =	vor.u32 v47, v22;
	v3 =	vld.idx.msk [tilespmem:v21+s14+$0x0], $0xffff  }
0x274: {  	v1 =	vor.u32 v2, v45;
	v13 =	vld.idx.msk [tilespmem:v13+s14+$0x0], $0xffff;
	v4 =	vand.u32 $0x1C00, v4;
	[tilespmem:v52+s19+$0x0] =	vst.idx.msk $0xffff, v36  }
0x275: {  	v2 =	vor.u32 v2, v49;
	v4 =	vor.u32 v55, v4;
	v5 =	vld [tilespmem:$0x1FE90]  }
0x276: {  	v21 =	vor.u32 v4, v50;
	v63 =	vld.idx.msk [tilespmem:v58+s14+$0x0], $0xffff  }
0x277: {  	[tilespmem:v57+s19+$0x0] =	vst.idx.msk $0xffff, v24  }
0x278: {  	v40 =	vmov v29;
	v25 =	vor.u32 v7, v44;
	v29 =	vld.idx.msk [tilespmem:v59+s14+$0x0], $0xffff  }
0x279: {  	[tilespmem:v1+s19+$0x0] =	vst.idx.msk $0xffff, v3  }
0x27a: {  	[tilespmem:v2+s19+$0x0] =	vst.idx.msk $0xffff, v13  }
0x27b: {  	v10 =	vor.u32 v48, v22;
	v61 =	vor.u32 s29, v5;
	[tilespmem:v21+s19+$0x0] =	vst.idx.msk $0xffff, v63  }
0x27c: {  	v60 =	vor.u32 v46, v22;
	v24 =	vand.u32 v23, v61;
	v2 =	vshll.u32 v61, $0x7;
	v61 =	vld [tilespmem:$0x1FE30]  }
0x27d: {  	v5 =	vld [tilespmem:$0x1FEA0];
	[tilespmem:v25+s19+$0x0] =	vst.idx.msk $0xffff, v29  }
0x27e: {  	v34 =	vor.u32 v51, v24;
	v63 =	vld [tilespmem:$0x1FE40];
	_ =	sdelay $0x1  }
0x27f: {  	v1 =	vor.u32 v7, v45;
	v3 =	vld.idx.msk [tilespmem:v10+s14+$0x0], $0xffff  }
0x280: {  	v36 =	vor.u32 v47, v37;
	v7 =	vor.u32 v7, v49;
	v13 =	vld.idx.msk [tilespmem:v60+s14+$0x0], $0xffff;
	v2 =	vand.u32 $0x1C00, v2  }
0x281: {  	v10 =	vor.u32 v48, v37;
	v2 =	vor.u32 v61, v2;
	v52 =	vor.u32 s29, v5  }
0x282: {  	v37 =	vor.u32 v46, v37;
	v22 =	vld.idx.msk [tilespmem:v34+s14+$0x0], $0xffff;
	v26 =	vand.u32 v63, v52;
	v57 =	vor.u32 v2, v50  }
0x283: {  	v59 =	vor.u32 v51, v26  }
0x284: {  	v58 =	vor.u32 v4, v44;
	[tilespmem:v1+s19+$0x0] =	vst.idx.msk $0xffff, v3  }
0x285: {  	v29 =	vld.idx.msk [tilespmem:v36+s14+$0x0], $0xffff;
	v60 =	vor.u32 v47, v24;
	[tilespmem:v7+s19+$0x0] =	vst.idx.msk $0xffff, v13;
	v7 =	vshll.u32 v52, $0x7  }
0x286: {  	v1 =	vor.u32 v4, v45;
	v4 =	vor.u32 v4, v49;
	v3 =	vld.idx.msk [tilespmem:v10+s14+$0x0], $0xffff;
	v7 =	vand.u32 $0x1C00, v7  }
0x287: {  	v10 =	vor.u32 v48, v24;
	v13 =	vld.idx.msk [tilespmem:v37+s14+$0x0], $0xffff;
	v7 =	vor.u32 v38, v7;
	[tilespmem:v57+s19+$0x0] =	vst.idx.msk $0xffff, v22  }
0x288: {  	v36 =	vor.u32 v46, v24;
	v37 =	vor.u32 s29, v42;
	v52 =	vor.u32 v7, v50;
	v22 =	vld.idx.msk [tilespmem:v59+s14+$0x0], $0xffff  }
0x289: {  	v24 =	vand.u32 v14, v37  }
0x28a: {  	[tilespmem:v58+s19+$0x0] =	vst.idx.msk $0xffff, v29;
	v58 =	vor.u32 v51, v24  }
0x28b: {  	v29 =	vld.idx.msk [tilespmem:v60+s14+$0x0], $0xffff;
	[tilespmem:v1+s19+$0x0] =	vst.idx.msk $0xffff, v3  }
0x28c: {  	[tilespmem:v4+s19+$0x0] =	vst.idx.msk $0xffff, v13;
	v4 =	vshll.u32 v37, $0x7;
	v3 =	vld.idx.msk [tilespmem:v10+s14+$0x0], $0xffff;
	v57 =	vor.u32 v2, v44  }
0x28d: {  	v1 =	vor.u32 v2, v45;
	v13 =	vld.idx.msk [tilespmem:v36+s14+$0x0], $0xffff;
	v4 =	vand.u32 $0x1C00, v4;
	[tilespmem:v52+s19+$0x0] =	vst.idx.msk $0xffff, v22  }
0x28e: {  	v4 =	vor.u32 v33, v4;
	v2 =	vor.u32 v2, v49;
	v5 =	vld [tilespmem:$0x1FED0]  }
0x28f: {  	v37 =	vor.u32 v4, v50;
	v22 =	vld.idx.msk [tilespmem:v58+s14+$0x0], $0xffff;
	_ =	sdelay $0x1  }
0x290: {  	v59 =	vor.u32 v47, v26;
	[tilespmem:v57+s19+$0x0] =	vst.idx.msk $0xffff, v29  }
0x291: {  	[tilespmem:v1+s19+$0x0] =	vst.idx.msk $0xffff, v3  }
0x292: {  	v10 =	vor.u32 v48, v26;
	[tilespmem:v2+s19+$0x0] =	vst.idx.msk $0xffff, v13;
	v36 =	vor.u32 s29, v5  }
0x293: {  	v60 =	vor.u32 v46, v26;
	[tilespmem:v37+s19+$0x0] =	vst.idx.msk $0xffff, v22;
	v26 =	vand.u32 v8, v36  }
0x294: {  	v21 =	vld [tilespmem:$0x1FEF0];
	v57 =	vor.u32 v51, v26  }
0x295: {  	v52 =	vor.u32 v7, v44;
	v29 =	vld.idx.msk [tilespmem:v59+s14+$0x0], $0xffff  }
0x296: {  	v58 =	vor.u32 v47, v24;
	v2 =	vshll.u32 v36, $0x7  }
0x297: {  	v1 =	vor.u32 v7, v45;
	v3 =	vld.idx.msk [tilespmem:v10+s14+$0x0], $0xffff;
	v2 =	vand.u32 $0x1C00, v2  }
0x298: {  	v7 =	vor.u32 v7, v49;
	v10 =	vor.u32 v48, v24;
	v13 =	vld.idx.msk [tilespmem:v60+s14+$0x0], $0xffff;
	v2 =	vor.u32 v39, v2  }
0x299: {  	v16 =	vor.u32 v46, v24;
	v60 =	vor.u32 v2, v50;
	v59 =	vor.u32 s29, v21;
	v22 =	vld.idx.msk [tilespmem:v57+s14+$0x0], $0xffff  }
0x29a: {  	[tilespmem:v52+s19+$0x0] =	vst.idx.msk $0xffff, v29;
	v24 =	vand.u32 v56, v59  }
0x29b: {  	v36 =	vor.u32 v4, v44;
	v37 =	vld.idx.msk [tilespmem:v58+s14+$0x0], $0xffff;
	v57 =	vor.u32 v51, v24  }
0x29c: {  	v28 =	vor.u32 v4, v49;
	[tilespmem:v1+s19+$0x0] =	vst.idx.msk $0xffff, v3  }
0x29d: {  	v4 =	vor.u32 v4, v45;
	[tilespmem:v7+s19+$0x0] =	vst.idx.msk $0xffff, v13;
	v3 =	vld.idx.msk [tilespmem:v10+s14+$0x0], $0xffff;
	v7 =	vshll.u32 v59, $0x7  }
0x29e: {  	v58 =	vor.u32 v47, v26;
	v16 =	vld.idx.msk [tilespmem:v16+s14+$0x0], $0xffff;
	v7 =	vand.u32 $0x1C00, v7;
	[tilespmem:v60+s19+$0x0] =	vst.idx.msk $0xffff, v22  }
0x29f: {  	v10 =	vor.u32 v48, v26;
	v7 =	vor.u32 v15, v7;
	v5 =	vld [tilespmem:$0x1FF00]  }
0x2a0: {  	v1 =	vor.u32 v46, v26;
	[tilespmem:v36+s19+$0x0] =	vst.idx.msk $0xffff, v37;
	v60 =	vld.idx.msk [tilespmem:v57+s14+$0x0], $0xffff;
	v36 =	vor.u32 v7, v50;
	_ =	sdelay $0x1  }
0x2a1: {  	v13 =	vor.u32 v2, v49  }
0x2a2: {  	v19 =	vor.u32 v2, v44;
	v2 =	vor.u32 v2, v45;
	[tilespmem:v4+s19+$0x0] =	vst.idx.msk $0xffff, v3;
	v37 =	vld.idx.msk [tilespmem:v58+s14+$0x0], $0xffff  }
0x2a3: {  	v30 =	vor.u32 v47, v24;
	[tilespmem:v28+s19+$0x0] =	vst.idx.msk $0xffff, v16;
	v58 =	vor.u32 v46, v24;
	v4 =	vld.idx.msk [tilespmem:v10+s14+$0x0], $0xffff  }
0x2a4: {  	v24 =	vor.u32 v48, v24;
	v1 =	vld.idx.msk [tilespmem:v1+s14+$0x0], $0xffff;
	v59 =	vor.u32 s29, v5;
	[tilespmem:v36+s19+$0x0] =	vst.idx.msk $0xffff, v60  }
0x2a5: {  	v17 =	vmov v0;
	v27 =	vand.u32 v11, v59;
	v0 =	vld [tilespmem:$0x1FE20]  }
0x2a6: {  	v57 =	vor.u32 v51, v27  }
0x2a7: {  	[tilespmem:v19+s19+$0x0] =	vst.idx.msk $0xffff, v37  }
0x2a8: {  	v3 =	vor.u32 v7, v49;
	v10 =	vshll.u32 v59, $0x7;
	[tilespmem:v2+s19+$0x0] =	vst.idx.msk $0xffff, v4;
	v30 =	vld.idx.msk [tilespmem:v30+s14+$0x0], $0xffff  }
0x2a9: {  	v16 =	vor.u32 v7, v44;
	[tilespmem:v13+s19+$0x0] =	vst.idx.msk $0xffff, v1;
	v10 =	vand.u32 $0x1C00, v10;
	v24 =	vld.idx.msk [tilespmem:v24+s14+$0x0], $0xffff  }
0x2aa: {  	v52 =	vmovc v32;
	v7 =	vor.u32 v7, v45;
	v32 =	vld.idx.msk [tilespmem:v58+s14+$0x0], $0xffff;
	v10 =	vor.u32 v12, v10;
	v59 =	vor.u32 s29, v0  }
0x2ab: {  	v36 =	vor.u32 v10, v50;
	v19 =	vld.idx.msk [tilespmem:v57+s14+$0x0], $0xffff;
	v60 =	vand.u32 v18, v59  }
0x2ac: {  	v0 =	vld [tilespmem:$0x1FF10];
	v37 =	vor.u32 v51, v60  }
0x2ad: {  	s2 =	simm.s32 $0x40  }
0x2ae: {  	s0 =	sand.u32 $0x40, s2;
	[tilespmem:v16+s19+$0x0] =	vst.idx.msk $0xffff, v30  }
0x2af: {  	v41 =	vmovc v31;
	s28 =	simm.s32 $0x8;
	v31 =	vor.u32 s0, v9;
	v22 =	vor.u32 v47, v27;
	v26 =	vshll.u32 v59, $0x7;
	[tilespmem:v7+s19+$0x0] =	vst.idx.msk $0xffff, v24  }
0x2b0: {  	s26 =	sand.u32 $0x30, s28;
	v34 =	vmovc v20;
	v20 =	vmov v33;
	v29 =	vor.u32 v46, v27;
	v57 =	vand.u32 $0x1C00, v26;
	[tilespmem:v36+s19+$0x0] =	vst.idx.msk $0xffff, v19  }
0x2b1: {  	v33 =	vor.u32 s26, v9;
	[tilespmem:v3+s19+$0x0] =	vst.idx.msk $0xffff, v32;
	v59 =	vor.u32 v34, v57;
	v26 =	vor.u32 s29, v0;
	v28 =	vld.idx.msk [tilespmem:v37+s14+$0x0], $0xffff  }
0x2b2: {  	s3 =	sor.u32 $0x30, s0;
	v27 =	vor.u32 v48, v27;
	v13 =	vor.u32 v59, v50;
	v57 =	vand.u32 v17, v26;
	v25 =	vld [tilespmem:$0x1FFC0]  }
0x2b3: {  	v5 =	vmovc v34;
	v2 =	vor.u32 v10, v49;
	v34 =	vor.u32 s3, v9;
	v19 =	vor.u32 v51, v57  }
0x2b4: {  	v4 =	vor.u32 v10, v44;
	v16 =	vand.u32 v8, v33;
	v22 =	vld.idx.msk [tilespmem:v22+s14+$0x0], $0xffff;
	v37 =	vshll.u32 v34, $0x6  }
0x2b5: {  	s31 =	sor.u32 $0x10, s0;
	v10 =	vor.u32 v10, v45;
	v26 =	vshll.u32 v26, $0x7;
	v7 =	vor.u32 v37, v16  }
0x2b6: {  	v3 =	vor.u32 s31, v9;
	v30 =	vor.u32 s26, v40;
	v24 =	vld.idx.msk [tilespmem:v29+s14+$0x0], $0xffff;
	v58 =	vand.u32 $0x1C00, v26  }
0x2b7: {  	v26 =	vld.idx.msk [tilespmem:v27+s14+$0x0], $0xffff;
	v58 =	vor.u32 v55, v58;
	v29 =	vor.u32 s29, v25;
	v25 =	vshll.u32 v33, $0x7;
	[tilespmem:v13+s19+$0x0] =	vst.idx.msk $0xffff, v28  }
0x2b8: {  	v6 =	vmovc v38;
	v40 =	vand.u32 v41, v34;
	v13 =	vor.u32 v58, v50;
	v33 =	vand.u32 $0x1C00, v25;
	v19 =	vld.idx.msk [tilespmem:v19+s14+$0x0], $0xffff  }
0x2b9: {  	v8 =	vmov v55;
	[tilespmem:v4+s19+$0x0] =	vst.idx.msk $0xffff, v22;
	v55 =	vand.u32 v23, v29;
	v28 =	vor.u32 v39, v33  }
0x2ba: {  	s0 =	sor.u32 $0x20, s0;
	v7 =	vld.idx.msk [tilespmem:v7+s14+$0x0], $0xffff;
	v32 =	vor.u32 v51, v55;
	v33 =	vand.u32 v56, v30;
	v34 =	vor.u32 v28, v40  }
0x2bb: {  	v38 =	vshll.u32 v3, $0x6;
	v17 =	vmovc v42;
	v27 =	vor.u32 s0, v9;
	[tilespmem:v2+s19+$0x0] =	vst.idx.msk $0xffff, v24;
	v42 =	vor.u32 v37, v33  }
0x2bc: {  	v0 =	vmovc v43;
	v4 =	vor.u32 v38, v16;
	v43 =	vshll.u32 v27, $0x6;
	[tilespmem:v10+s19+$0x0] =	vst.idx.msk $0xffff, v26;
	v29 =	vshll.u32 v29, $0x7  }
0x2bd: {  	v2 =	vand.u32 $0x1C00, v29;
	v25 =	vmovc v39;
	v39 =	vand.u32 v53, v3;
	v3 =	vshll.u32 v30, $0x7;
	[tilespmem:v13+s19+$0x0] =	vst.idx.msk $0xffff, v19  }
0x2be: {  	v10 =	vor.u32 v43, v16;
	v56 =	vor.u32 v61, v2;
	v3 =	vand.u32 $0x1C00, v3;
	v2 =	vld [tilespmem:$0x1FFD0]  }
0x2bf: {  	v3 =	vor.u32 v15, v3;
	v19 =	vor.u32 v56, v50;
	v13 =	vld.idx.msk [tilespmem:v32+s14+$0x0], $0xffff;
	[tilespmem:v34+s19+$0x0] =	vst.idx.msk $0xffff, v7  }
0x2c0: {  	v36 =	vshll.u32 v31, $0x6;
	v24 =	vor.u32 v3, v40;
	v22 =	vld.idx.msk [tilespmem:v42+s14+$0x0], $0xffff  }
0x2c1: {  	v41 =	vand.u32 v35, v31;
	v16 =	vor.u32 v36, v16  }
0x2c2: {  	v31 =	vor.u32 v28, v41;
	v29 =	vor.u32 v28, v39;
	v7 =	vor.u32 s26, v52  }
0x2c3: {  	v4 =	vld.idx.msk [tilespmem:v4+s14+$0x0], $0xffff;
	v42 =	vand.u32 v54, v27;
	v27 =	vand.u32 v11, v7;
	v2 =	vor.u32 s29, v2  }
0x2c4: {  	v10 =	vld.idx.msk [tilespmem:v10+s14+$0x0], $0xffff;
	v7 =	vshll.u32 v7, $0x7;
	[tilespmem:v19+s19+$0x0] =	vst.idx.msk $0xffff, v13;
	v53 =	vand.u32 v63, v2;
	v2 =	vshll.u32 v2, $0x7  }
0x2c5: {  	v30 =	vor.u32 v37, v27;
	v34 =	vor.u32 v51, v53;
	v2 =	vand.u32 $0x1C00, v2;
	[tilespmem:v24+s19+$0x0] =	vst.idx.msk $0xffff, v22  }
0x2c6: {  	v28 =	vor.u32 v28, v42;
	v54 =	vor.u32 v6, v2;
	v2 =	vand.u32 $0x1C00, v7;
	v7 =	vld [tilespmem:$0x1FF50]  }
0x2c7: {  	v19 =	vor.u32 v43, v33  }
0x2c8: {  	v1 =	vor.u32 v47, v60  }
0x2c9: {  	v16 =	vld.idx.msk [tilespmem:v16+s14+$0x0], $0xffff;
	v13 =	vor.u32 v38, v33  }
0x2ca: {  	[tilespmem:v29+s19+$0x0] =	vst.idx.msk $0xffff, v4;
	v2 =	vor.u32 v12, v2;
	v22 =	vld.idx.msk [tilespmem:v34+s14+$0x0], $0xffff;
	v34 =	vor.u32 v54, v50  }
0x2cb: {  	v4 =	vld.idx.msk [tilespmem:v30+s14+$0x0], $0xffff;
	[tilespmem:v28+s19+$0x0] =	vst.idx.msk $0xffff, v10;
	v26 =	vor.u32 v2, v40;
	v7 =	vor.u32 s29, v7  }
0x2cc: {  	v24 =	vor.u32 v3, v42;
	v19 =	vld.idx.msk [tilespmem:v19+s14+$0x0], $0xffff;
	v52 =	vand.u32 v14, v7  }
0x2cd: {  	v1 =	vld.idx.msk [tilespmem:v1+s14+$0x0], $0xffff;
	v28 =	vor.u32 s26, v62;
	v29 =	vor.u32 v36, v33;
	v10 =	vor.u32 v51, v52  }
0x2ce: {  	[tilespmem:v31+s19+$0x0] =	vst.idx.msk $0xffff, v16;
	v16 =	vand.u32 v18, v28;
	v13 =	vld.idx.msk [tilespmem:v13+s14+$0x0], $0xffff;
	v51 =	vor.u32 v59, v44  }
0x2cf: {  	v33 =	vor.u32 v37, v16;
	v7 =	vshll.u32 v7, $0x7;
	[tilespmem:v34+s19+$0x0] =	vst.idx.msk $0xffff, v22;
	v34 =	vor.u32 v3, v39  }
0x2d0: {  	v7 =	vand.u32 $0x1C00, v7;
	[tilespmem:v26+s19+$0x0] =	vst.idx.msk $0xffff, v4  }
0x2d1: {  	v4 =	vor.u32 v48, v60;
	[tilespmem:v24+s19+$0x0] =	vst.idx.msk $0xffff, v19;
	v62 =	vor.u32 v20, v7;
	v7 =	vshll.u32 v28, $0x7  }
0x2d2: {  	v28 =	vor.u32 v38, v27;
	v26 =	vor.u32 v62, v50;
	v7 =	vand.u32 $0x1C00, v7;
	v10 =	vld.idx.msk [tilespmem:v10+s14+$0x0], $0xffff  }
0x2d3: {  	v29 =	vld.idx.msk [tilespmem:v29+s14+$0x0], $0xffff;
	v3 =	vor.u32 v3, v41;
	v7 =	vor.u32 v5, v7;
	[tilespmem:v51+s19+$0x0] =	vst.idx.msk $0xffff, v1  }
0x2d4: {  	v50 =	vld.idx.msk [tilespmem:v33+s14+$0x0], $0xffff;
	v1 =	vor.u32 v43, v27;
	v51 =	vor.u32 v7, v40;
	[tilespmem:v34+s19+$0x0] =	vst.idx.msk $0xffff, v13  }
0x2d5: {  	v9 =	vmovc v21;
	v21 =	vmov v11;
	v11 =	vmov v5;
	v33 =	vor.u32 v36, v27;
	v5 =	vld [tilespmem:$0x1FFE0];
	_ =	sdelay $0x1  }
0x2d6: {  	v4 =	vld.idx.msk [tilespmem:v4+s14+$0x0], $0xffff;
	v13 =	vor.u32 v46, v60;
	[tilespmem:v26+s19+$0x0] =	vst.idx.msk $0xffff, v10;
	v10 =	vor.u32 v59, v45  }
0x2d7: {  	v34 =	vor.u32 s26, v0;
	[tilespmem:v3+s19+$0x0] =	vst.idx.msk $0xffff, v29;
	v3 =	vor.u32 v2, v39;
	v28 =	vld.idx.msk [tilespmem:v28+s14+$0x0], $0xffff  }
0x2d8: {  	v29 =	vor.u32 v38, v16;
	[tilespmem:v51+s19+$0x0] =	vst.idx.msk $0xffff, v50;
	v50 =	vor.u32 v2, v42;
	v1 =	vld.idx.msk [tilespmem:v1+s14+$0x0], $0xffff  }
0x2d9: {  	v22 =	vld.idx.msk [tilespmem:v33+s14+$0x0], $0xffff;
	v2 =	vor.u32 v2, v41;
	v51 =	vor.u32 v43, v16;
	v24 =	vand.u32 v5, v34  }
0x2da: {  	v26 =	vor.u32 v37, v24  }
0x2db: {  	v27 =	vshll.u32 v34, $0x7;
	v13 =	vld.idx.msk [tilespmem:v13+s14+$0x0], $0xffff;
	[tilespmem:v10+s19+$0x0] =	vst.idx.msk $0xffff, v4  }
0x2dc: {  	v19 =	vor.u32 v47, v57;
	v60 =	vor.u32 v59, v49;
	v27 =	vand.u32 $0x1C00, v27;
	v0 =	vld [tilespmem:$0x1FE90];
	[tilespmem:v3+s19+$0x0] =	vst.idx.msk $0xffff, v28  }
0x2dd: {  	v16 =	vor.u32 v36, v16;
	[tilespmem:v50+s19+$0x0] =	vst.idx.msk $0xffff, v1;
	v1 =	vor.u32 v7, v39;
	v29 =	vld.idx.msk [tilespmem:v29+s14+$0x0], $0xffff  }
0x2de: {  	v27 =	vor.u32 v8, v27;
	[tilespmem:v2+s19+$0x0] =	vst.idx.msk $0xffff, v22;
	v2 =	vor.u32 v7, v42;
	v50 =	vld.idx.msk [tilespmem:v51+s14+$0x0], $0xffff  }
0x2df: {  	v33 =	vor.u32 v27, v40;
	v3 =	vor.u32 v48, v57;
	v10 =	vld.idx.msk [tilespmem:v26+s14+$0x0], $0xffff;
	_ =	sdelay $0x1  }
0x2e0: {  	v19 =	vld.idx.msk [tilespmem:v19+s14+$0x0], $0xffff;
	[tilespmem:v60+s19+$0x0] =	vst.idx.msk $0xffff, v13  }
0x2e1: {  	v7 =	vor.u32 v7, v41;
	v16 =	vld.idx.msk [tilespmem:v16+s14+$0x0], $0xffff;
	v51 =	vor.u32 v38, v24;
	[tilespmem:v1+s19+$0x0] =	vst.idx.msk $0xffff, v29  }
0x2e2: {  	v60 =	vor.u32 v58, v45;
	v4 =	vor.u32 s26, v0;
	v1 =	vor.u32 v36, v24;
	[tilespmem:v2+s19+$0x0] =	vst.idx.msk $0xffff, v50  }
0x2e3: {  	v3 =	vld.idx.msk [tilespmem:v3+s14+$0x0], $0xffff;
	v28 =	vand.u32 v23, v4;
	v2 =	vor.u32 v46, v57;
	[tilespmem:v33+s19+$0x0] =	vst.idx.msk $0xffff, v10  }
0x2e4: {  	v59 =	vor.u32 v58, v44;
	v34 =	vor.u32 v37, v28;
	v0 =	vld [tilespmem:$0x1FEA0]  }
0x2e5: {  	v4 =	vshll.u32 v4, $0x7  }
0x2e6: {  	v4 =	vand.u32 $0x1C00, v4;
	v13 =	vld.idx.msk [tilespmem:v51+s14+$0x0], $0xffff;
	[tilespmem:v7+s19+$0x0] =	vst.idx.msk $0xffff, v16  }
0x2e7: {  	v50 =	vor.u32 v27, v39;
	v10 =	vor.u32 v43, v24;
	v4 =	vor.u32 v61, v4;
	v1 =	vld.idx.msk [tilespmem:v1+s14+$0x0], $0xffff  }
0x2e8: {  	v61 =	vor.u32 v58, v49;
	[tilespmem:v60+s19+$0x0] =	vst.idx.msk $0xffff, v3;
	v3 =	vor.u32 v27, v41;
	v2 =	vld.idx.msk [tilespmem:v2+s14+$0x0], $0xffff  }
0x2e9: {  	[tilespmem:v59+s19+$0x0] =	vst.idx.msk $0xffff, v19;
	v59 =	vor.u32 v38, v28;
	v32 =	vld.idx.msk [tilespmem:v34+s14+$0x0], $0xffff;
	v34 =	vor.u32 s26, v0  }
0x2ea: {  	v33 =	vor.u32 v4, v40;
	v7 =	vand.u32 v63, v34  }
0x2eb: {  	v57 =	vor.u32 v27, v42;
	v51 =	vor.u32 v37, v7  }
0x2ec: {  	v60 =	vor.u32 v43, v28;
	v28 =	vor.u32 v36, v28;
	[tilespmem:v50+s19+$0x0] =	vst.idx.msk $0xffff, v13;
	v10 =	vld.idx.msk [tilespmem:v10+s14+$0x0], $0xffff  }
0x2ed: {  	v50 =	vor.u32 v4, v39;
	v22 =	vshll.u32 v34, $0x7;
	[tilespmem:v3+s19+$0x0] =	vst.idx.msk $0xffff, v1  }
0x2ee: {  	v27 =	vld.idx.msk [tilespmem:v59+s14+$0x0], $0xffff;
	v63 =	vor.u32 v47, v55;
	v22 =	vand.u32 $0x1C00, v22;
	[tilespmem:v61+s19+$0x0] =	vst.idx.msk $0xffff, v2  }
0x2ef: {  	v2 =	vor.u32 v38, v7;
	[tilespmem:v33+s19+$0x0] =	vst.idx.msk $0xffff, v32;
	v22 =	vor.u32 v6, v22  }
0x2f0: {  	v32 =	vor.u32 s26, v17;
	v34 =	vor.u32 v22, v40;
	v33 =	vld.idx.msk [tilespmem:v51+s14+$0x0], $0xffff;
	v51 =	vor.u32 v48, v55  }
0x2f1: {  	v28 =	vld.idx.msk [tilespmem:v28+s14+$0x0], $0xffff;
	[tilespmem:v57+s19+$0x0] =	vst.idx.msk $0xffff, v10;
	v10 =	vand.u32 v14, v32  }
0x2f2: {  	v3 =	vor.u32 v4, v41;
	v4 =	vor.u32 v4, v42;
	v1 =	vor.u32 v37, v10;
	v24 =	vld.idx.msk [tilespmem:v60+s14+$0x0], $0xffff  }
0x2f3: {  	[tilespmem:v50+s19+$0x0] =	vst.idx.msk $0xffff, v27;
	v30 =	vld.idx.msk [tilespmem:v63+s14+$0x0], $0xffff  }
0x2f4: {  	v58 =	vor.u32 v36, v7;
	v7 =	vor.u32 v43, v7;
	v2 =	vld.idx.msk [tilespmem:v2+s14+$0x0], $0xffff  }
0x2f5: {  	v13 =	vshll.u32 v32, $0x7;
	v57 =	vor.u32 v56, v44;
	[tilespmem:v34+s19+$0x0] =	vst.idx.msk $0xffff, v33;
	v14 =	vld.idx.msk [tilespmem:v51+s14+$0x0], $0xffff  }
0x2f6: {  	v13 =	vand.u32 $0x1C00, v13;
	v33 =	vor.u32 v56, v45;
	v59 =	vld [tilespmem:$0x1FED0]  }
0x2f7: {  	v13 =	vor.u32 v20, v13;
	v34 =	vor.u32 v22, v39;
	v1 =	vld.idx.msk [tilespmem:v1+s14+$0x0], $0xffff;
	[tilespmem:v4+s19+$0x0] =	vst.idx.msk $0xffff, v24  }
0x2f8: {  	v61 =	vor.u32 v13, v40;
	v0 =	vld [tilespmem:$0x1FE50]  }
0x2f9: {  	v51 =	vor.u32 v22, v42;
	[tilespmem:v3+s19+$0x0] =	vst.idx.msk $0xffff, v28;
	v7 =	vld.idx.msk [tilespmem:v7+s14+$0x0], $0xffff  }
0x2fa: {  	[tilespmem:v57+s19+$0x0] =	vst.idx.msk $0xffff, v30  }
0x2fb: {  	[tilespmem:v33+s19+$0x0] =	vst.idx.msk $0xffff, v14  }
0x2fc: {  	[tilespmem:v34+s19+$0x0] =	vst.idx.msk $0xffff, v2  }
0x2fd: {  	v63 =	vor.u32 v46, v55;
	v60 =	vor.u32 s26, v59;
	[tilespmem:v61+s19+$0x0] =	vst.idx.msk $0xffff, v1  }
0x2fe: {  	v50 =	vor.u32 v38, v10;
	v4 =	vand.u32 v0, v60;
	[tilespmem:v51+s19+$0x0] =	vst.idx.msk $0xffff, v7  }
0x2ff: {  	v3 =	vor.u32 v37, v4;
	v0 =	vld [tilespmem:$0x1FDD0]  }
0x300: {  	v57 =	vor.u32 v43, v10;
	v19 =	vld.idx.msk [tilespmem:v58+s14+$0x0], $0xffff;
	v1 =	vor.u32 v22, v41  }
0x301: {  	v26 =	vshll.u32 v60, $0x7  }
0x302: {  	v31 =	vld.idx.msk [tilespmem:v63+s14+$0x0], $0xffff;
	v56 =	vor.u32 v56, v49;
	v10 =	vor.u32 v36, v10;
	v55 =	vand.u32 $0x1C00, v26  }
0x303: {  	v2 =	vor.u32 v13, v39;
	v16 =	vld.idx.msk [tilespmem:v50+s14+$0x0], $0xffff;
	v60 =	vor.u32 s26, v9;
	v22 =	vor.u32 v25, v55  }
0x304: {  	v7 =	vor.u32 v48, v53;
	v58 =	vor.u32 v22, v40;
	v3 =	vld.idx.msk [tilespmem:v3+s14+$0x0], $0xffff;
	v61 =	vand.u32 v0, v60  }
0x305: {  	v20 =	vor.u32 v13, v42;
	v27 =	vld.idx.msk [tilespmem:v57+s14+$0x0], $0xffff;
	[tilespmem:v1+s19+$0x0] =	vst.idx.msk $0xffff, v19;
	v1 =	vor.u32 v37, v61;
	_ =	sdelay $0x1  }
0x306: {  	v13 =	vor.u32 v13, v41;
	[tilespmem:v56+s19+$0x0] =	vst.idx.msk $0xffff, v31;
	v28 =	vshll.u32 v60, $0x7  }
0x307: {  	v59 =	vor.u32 v47, v53;
	v28 =	vand.u32 $0x1C00, v28;
	[tilespmem:v2+s19+$0x0] =	vst.idx.msk $0xffff, v16;
	v10 =	vld.idx.msk [tilespmem:v10+s14+$0x0], $0xffff  }
0x308: {  	v63 =	vor.u32 v38, v4;
	v34 =	vor.u32 v15, v28;
	v7 =	vld.idx.msk [tilespmem:v7+s14+$0x0], $0xffff;
	[tilespmem:v58+s19+$0x0] =	vst.idx.msk $0xffff, v3  }
0x309: {  	v2 =	vor.u32 v54, v45;
	[tilespmem:v20+s19+$0x0] =	vst.idx.msk $0xffff, v27;
	v3 =	vor.u32 v43, v4;
	v1 =	vld.idx.msk [tilespmem:v1+s14+$0x0], $0xffff  }
0x30a: {  	v51 =	vor.u32 v34, v40;
	v4 =	vor.u32 v36, v4;
	v0 =	vld [tilespmem:$0x1FF00];
	_ =	sdelay $0x1  }
0x30b: {  	v33 =	vor.u32 v54, v44;
	v23 =	vld.idx.msk [tilespmem:v59+s14+$0x0], $0xffff  }
0x30c: {  	v50 =	vor.u32 v46, v53;
	v53 =	vor.u32 v22, v39;
	v19 =	vld.idx.msk [tilespmem:v63+s14+$0x0], $0xffff;
	[tilespmem:v13+s19+$0x0] =	vst.idx.msk $0xffff, v10  }
0x30d: {  	[tilespmem:v2+s19+$0x0] =	vst.idx.msk $0xffff, v7;
	v2 =	vor.u32 v38, v61;
	v7 =	vor.u32 v22, v42;
	v3 =	vld.idx.msk [tilespmem:v3+s14+$0x0], $0xffff  }
0x30e: {  	v4 =	vld.idx.msk [tilespmem:v4+s14+$0x0], $0xffff;
	v55 =	vor.u32 s26, v0;
	[tilespmem:v51+s19+$0x0] =	vst.idx.msk $0xffff, v1;
	v1 =	vor.u32 v22, v41  }
0x30f: {  	v10 =	vand.u32 v21, v55  }
0x310: {  	[tilespmem:v33+s19+$0x0] =	vst.idx.msk $0xffff, v23;
	v56 =	vor.u32 v37, v10  }
0x311: {  	[tilespmem:v53+s19+$0x0] =	vst.idx.msk $0xffff, v19  }
0x312: {  	v59 =	vld.idx.msk [tilespmem:v50+s14+$0x0], $0xffff;
	v57 =	vshll.u32 v55, $0x7;
	[tilespmem:v7+s19+$0x0] =	vst.idx.msk $0xffff, v3  }
0x313: {  	v58 =	vor.u32 v54, v49;
	v2 =	vld.idx.msk [tilespmem:v2+s14+$0x0], $0xffff;
	v22 =	vand.u32 $0x1C00, v57;
	[tilespmem:v1+s19+$0x0] =	vst.idx.msk $0xffff, v4  }
0x314: {  	v22 =	vor.u32 v12, v22;
	v7 =	vor.u32 v34, v39;
	v0 =	vld [tilespmem:$0x1FE20]  }
0x315: {  	v60 =	vor.u32 v47, v52;
	v20 =	vor.u32 v22, v40;
	v13 =	vld.idx.msk [tilespmem:v56+s14+$0x0], $0xffff;
	_ =	sdelay $0x1  }
0x316: {  	v19 =	vor.u32 v36, v61;
	v61 =	vor.u32 v43, v61  }
0x317: {  	v63 =	vor.u32 v48, v52;
	[tilespmem:v58+s19+$0x0] =	vst.idx.msk $0xffff, v59  }
0x318: {  	v23 =	vor.u32 v46, v52;
	[tilespmem:v7+s19+$0x0] =	vst.idx.msk $0xffff, v2;
	v21 =	vor.u32 s26, v0  }
0x319: {  	v48 =	vld.idx.msk [tilespmem:v60+s14+$0x0], $0xffff;
	v1 =	vor.u32 v38, v10;
	v25 =	vand.u32 v18, v21;
	[tilespmem:v20+s19+$0x0] =	vst.idx.msk $0xffff, v13  }
0x31a: {  	v58 =	vor.u32 v36, v10;
	v59 =	vor.u32 v43, v10;
	v10 =	vor.u32 v37, v25;
	v0 =	vld [tilespmem:$0x1FF10]  }
0x31b: {  	v16 =	vor.u32 v34, v42;
	v50 =	vor.u32 v62, v45;
	v52 =	vor.u32 v62, v49;
	v57 =	vld.idx.msk [tilespmem:v61+s14+$0x0], $0xffff  }
0x31c: {  	v53 =	vor.u32 v62, v44;
	v47 =	vld.idx.msk [tilespmem:v63+s14+$0x0], $0xffff;
	v55 =	vor.u32 v34, v41;
	v3 =	vor.u32 v22, v39  }
0x31d: {  	v4 =	vor.u32 v22, v42;
	v61 =	vld.idx.msk [tilespmem:v19+s14+$0x0], $0xffff;
	v56 =	vor.u32 v22, v41;
	v2 =	vshll.u32 v21, $0x7  }
0x31e: {  	v49 =	vld.idx.msk [tilespmem:v23+s14+$0x0], $0xffff;
	v51 =	vor.u32 v38, v25;
	v60 =	vor.u32 v36, v25;
	v2 =	vand.u32 $0x1C00, v2  }
0x31f: {  	v63 =	vor.u32 v43, v25;
	v44 =	vor.u32 v11, v2;
	v46 =	vor.u32 s26, v0;
	v45 =	vld.idx.msk [tilespmem:v10+s14+$0x0], $0xffff  }
0x320: {  	s30 =	simm.s32 $0x80;
	s29 =	simm.s32 $0x4;
	[tilespmem:v16+s19+$0x0] =	vst.idx.msk $0xffff, v57;
	v7 =	vor.u32 v44, v40;
	v10 =	vld.idx.msk [tilespmem:v1+s14+$0x0], $0xffff;
	v54 =	vand.u32 v5, v46  }
.LBB2_11:
0x321: {  	v1 =	vld.idx.msk [tilespmem:v59+s14+$0x0], $0xffff  }
0x322: {  	v5 =	vld [tilespmem:$0x1FE50]  }
0x323: {  	v23 =	vld [tilespmem:$0x1FFB0]  }
0x324: {  	v15 =	vld [tilespmem:$0x1FE60]  }
0x325: {  	s0 =	sand.u32 $0x40, s30;
	v2 =	vor.u32 v37, v54;
	s28 =	sadd.s32 $0x8, s28;
	v0 =	vlaneseq.u32;
	v27 =	vshll.u32 v46, $0x7;
	v6 =	vld [tilespmem:$0x1FEB0]  }
0x326: {  	v25 =	vld [tilespmem:$0x1FE30];
	v13 =	vor.u32 s0, v0;
	s31 =	sand.u32 $0x30, s28;
	s2 =	sor.u32 $0x30, s0;
	s3 =	sor.u32 $0x10, s0;
	v27 =	vand.u32 $0x1C00, v27  }
0x327: {  	v18 =	vmovc v9;
	v9 =	vld [tilespmem:$0x1FF30];
	s0 =	sor.u32 $0x20, s0;
	v16 =	vor.u32 s31, v0;
	v19 =	vor.u32 s2, v0;
	v28 =	vor.u32 s3, v0;
	[tilespmem:v55+s19+$0x0] =	vst.idx.msk $0xffff, v61  }
0x328: {  	v26 =	vshll.u32 v19, $0x6;
	[tilespmem:v7+s19+$0x0] =	vst.idx.msk $0xffff, v45;
	v7 =	vor.u32 s0, v0;
	v0 =	vld [tilespmem:$0x1FFC0];
	v24 =	vand.u32 v5, v16  }
0x329: {  	[tilespmem:v50+s19+$0x0] =	vst.idx.msk $0xffff, v47;
	v22 =	vld.idx.msk [tilespmem:v58+s14+$0x0], $0xffff;
	v58 =	vor.u32 v23, v27;
	v29 =	vor.u32 v26, v24  }
0x32a: {  	v2 =	vld.idx.msk [tilespmem:v2+s14+$0x0], $0xffff;
	[tilespmem:v4+s19+$0x0] =	vst.idx.msk $0xffff, v1;
	v1 =	vor.u32 v58, v40  }
0x32b: {  	v5 =	vld [tilespmem:$0x1FF90]  }
0x32c: {  	v14 =	vor.u32 s31, v6;
	v6 =	vld [tilespmem:$0x1FF40]  }
0x32d: {  	v27 =	vor.u32 s26, v0;
	v0 =	vld [tilespmem:$0x1FFD0]  }
0x32e: {  	v29 =	vld.idx.msk [tilespmem:v29+s14+$0x0], $0xffff  }
0x32f: {  	[tilespmem:v1+s19+$0x0] =	vst.idx.msk $0xffff, v2;
	v1 =	vld [tilespmem:$0x1FF20]  }
0x330: {  	[tilespmem:v53+s19+$0x0] =	vst.idx.msk $0xffff, v48;
	v17 =	vld [tilespmem:$0x1FE70]  }
0x331: {  	v57 =	vor.u32 v44, v41;
	v12 =	vld [tilespmem:$0x1FE80];
	[tilespmem:v3+s19+$0x0] =	vst.idx.msk $0xffff, v10;
	v3 =	vshll.u32 v16, $0x7  }
0x332: {  	v3 =	vand.u32 $0x1C00, v3;
	v55 =	vand.u32 v5, v27;
	v19 =	vand.u32 v6, v19;
	v6 =	vld [tilespmem:$0x1FDD0]  }
0x333: {  	v62 =	vor.u32 v44, v39;
	v8 =	vld [tilespmem:$0x1FFA0];
	v3 =	vor.u32 v15, v3;
	v10 =	vor.u32 v37, v55  }
0x334: {  	v32 =	vor.u32 v3, v19;
	v45 =	vand.u32 v1, v28;
	v1 =	vor.u32 s26, v0;
	v0 =	vld [tilespmem:$0x1FEC0]  }
0x335: {  	v59 =	vor.u32 v44, v42;
	v11 =	vld [tilespmem:$0x1FE00];
	v44 =	vshll.u32 v13, $0x6;
	v48 =	vshll.u32 v28, $0x6  }
0x336: {  	v47 =	vshll.u32 v7, $0x6;
	v46 =	vand.u32 v9, v7;
	v9 =	vld [tilespmem:$0x1FE40];
	v53 =	vor.u32 v48, v24  }
0x337: {  	[tilespmem:v52+s19+$0x0] =	vst.idx.msk $0xffff, v49;
	v30 =	vor.u32 v47, v24;
	v33 =	vld.idx.msk [tilespmem:v63+s14+$0x0], $0xffff;
	v31 =	vand.u32 v6, v14  }
0x338: {  	v49 =	vand.u32 v35, v13;
	v27 =	vshll.u32 v27, $0x7;
	v34 =	vor.u32 v26, v31;
	v2 =	vld.idx.msk [tilespmem:v10+s14+$0x0], $0xffff  }
0x339: {  	v52 =	vshll.u32 v14, $0x7;
	v27 =	vand.u32 $0x1C00, v27;
	[tilespmem:v32+s19+$0x0] =	vst.idx.msk $0xffff, v29;
	v29 =	vor.u32 s31, v0;
	v0 =	vld [tilespmem:$0x1FF50]  }
0x33a: {  	v20 =	vld [tilespmem:$0x1FF70];
	v24 =	vor.u32 v44, v24;
	v13 =	vand.u32 $0x1C00, v52;
	[tilespmem:v56+s19+$0x0] =	vst.idx.msk $0xffff, v22;
	v56 =	vor.u32 v25, v27  }
0x33b: {  	v13 =	vor.u32 v17, v13;
	v7 =	vor.u32 v56, v40;
	v10 =	vld.idx.msk [tilespmem:v53+s14+$0x0], $0xffff;
	v53 =	vand.u32 v9, v1  }
0x33c: {  	v16 =	vld.idx.msk [tilespmem:v30+s14+$0x0], $0xffff;
	v28 =	vor.u32 v3, v45;
	v1 =	vshll.u32 v1, $0x7;
	v63 =	vor.u32 v37, v53  }
0x33d: {  	v14 =	vor.u32 v13, v19;
	v1 =	vand.u32 $0x1C00, v1;
	v30 =	vld.idx.msk [tilespmem:v34+s14+$0x0], $0xffff  }
0x33e: {  	v52 =	vor.u32 v8, v1;
	v1 =	vor.u32 s26, v0;
	v0 =	vld [tilespmem:$0x1FF60]  }
0x33f: {  	v4 =	vld.idx.msk [tilespmem:v51+s14+$0x0], $0xffff;
	v27 =	vor.u32 v3, v49;
	v3 =	vor.u32 v3, v46  }
0x340: {  	v24 =	vld.idx.msk [tilespmem:v24+s14+$0x0], $0xffff;
	[tilespmem:v7+s19+$0x0] =	vst.idx.msk $0xffff, v2  }
0x341: {  	v2 =	vor.u32 v47, v31;
	[tilespmem:v28+s19+$0x0] =	vst.idx.msk $0xffff, v10;
	v7 =	vld.idx.msk [tilespmem:v63+s14+$0x0], $0xffff  }
0x342: {  	v35 =	vor.u32 v48, v31;
	v32 =	vand.u32 v12, v29;
	[tilespmem:v14+s19+$0x0] =	vst.idx.msk $0xffff, v30;
	v14 =	vld [tilespmem:$0x1FDE0]  }
0x343: {  	v10 =	vld.idx.msk [tilespmem:v60+s14+$0x0], $0xffff;
	v60 =	vor.u32 v52, v40;
	v50 =	vor.u32 v26, v32;
	v51 =	vand.u32 v0, v1  }
0x344: {  	v21 =	vld [tilespmem:$0x1FFF0];
	[tilespmem:v3+s19+$0x0] =	vst.idx.msk $0xffff, v16;
	v3 =	vor.u32 v37, v51  }
0x345: {  	v29 =	vshll.u32 v29, $0x7;
	v16 =	vor.u32 v13, v49;
	[tilespmem:v27+s19+$0x0] =	vst.idx.msk $0xffff, v24;
	v63 =	vor.u32 v44, v31;
	v37 =	vld [tilespmem:$0x1FDF0]  }
0x346: {  	v29 =	vand.u32 $0x1C00, v29;
	v31 =	vor.u32 v13, v45;
	v13 =	vor.u32 v13, v46;
	v2 =	vld.idx.msk [tilespmem:v2+s14+$0x0], $0xffff  }
0x347: {  	v28 =	vor.u32 v47, v32;
	v30 =	vld.idx.msk [tilespmem:v35+s14+$0x0], $0xffff;
	v24 =	vor.u32 v14, v29;
	v1 =	vshll.u32 v1, $0x7  }
0x348: {  	v29 =	vld.idx.msk [tilespmem:v50+s14+$0x0], $0xffff;
	[tilespmem:v60+s19+$0x0] =	vst.idx.msk $0xffff, v7;
	v34 =	vor.u32 v24, v19;
	v1 =	vand.u32 $0x1C00, v1  }
0x349: {  	s26 =	smov.u32 s31;
	v7 =	vor.u32 v48, v32;
	v50 =	vor.u32 v20, v1;
	v1 =	vld.idx.msk [tilespmem:v3+s14+$0x0], $0xffff  }
0x34a: {  	[tilespmem:v62+s19+$0x0] =	vst.idx.msk $0xffff, v4;
	v27 =	vor.u32 s26, v37;
	v3 =	vld.idx.msk [tilespmem:v63+s14+$0x0], $0xffff  }
0x34b: {  	v22 =	vor.u32 v44, v32;
	v62 =	vld [tilespmem:$0x1FF80];
	[tilespmem:v13+s19+$0x0] =	vst.idx.msk $0xffff, v2;
	v37 =	vmov v26;
	v26 =	vand.u32 v11, v27  }
0x34c: {  	v61 =	vor.u32 v38, v54;
	[tilespmem:v31+s19+$0x0] =	vst.idx.msk $0xffff, v30;
	v13 =	vld.idx.msk [tilespmem:v28+s14+$0x0], $0xffff;
	v35 =	vor.u32 v37, v26  }
0x34d: {  	v60 =	vor.u32 v24, v49;
	v32 =	vor.u32 v50, v40;
	[tilespmem:v34+s19+$0x0] =	vst.idx.msk $0xffff, v29;
	v29 =	vor.u32 s26, v21;
	v21 =	vld [tilespmem:$0x1FFE0]  }
0x34e: {  	[tilespmem:v59+s19+$0x0] =	vst.idx.msk $0xffff, v33;
	v7 =	vld.idx.msk [tilespmem:v7+s14+$0x0], $0xffff;
	v63 =	vor.u32 v24, v45;
	v27 =	vshll.u32 v27, $0x7  }
0x34f: {  	v59 =	vld [tilespmem:$0x1FE90];
	v24 =	vor.u32 v24, v46;
	v4 =	vand.u32 $0x1C00, v27;
	v27 =	vor.u32 v48, v26;
	[tilespmem:v16+s19+$0x0] =	vst.idx.msk $0xffff, v3  }
0x350: {  	v40 =	vmov v19;
	v28 =	vor.u32 v47, v26;
	v4 =	vor.u32 v62, v4;
	v22 =	vld.idx.msk [tilespmem:v22+s14+$0x0], $0xffff  }
0x351: {  	v2 =	vor.u32 v4, v40;
	v30 =	vld.idx.msk [tilespmem:v35+s14+$0x0], $0xffff  }
0x352: {  	v19 =	vand.u32 v21, v29;
	[tilespmem:v32+s19+$0x0] =	vst.idx.msk $0xffff, v1;
	v1 =	vor.u32 v44, v26  }
0x353: {  	v3 =	vor.u32 v4, v49;
	v16 =	vld.idx.msk [tilespmem:v61+s14+$0x0], $0xffff;
	[tilespmem:v63+s19+$0x0] =	vst.idx.msk $0xffff, v7;
	v31 =	vor.u32 v37, v19  }
0x354: {  	v33 =	vor.u32 s26, v59;
	v29 =	vshll.u32 v29, $0x7;
	[tilespmem:v24+s19+$0x0] =	vst.idx.msk $0xffff, v13;
	v26 =	vor.u32 v4, v45;
	v27 =	vld.idx.msk [tilespmem:v27+s14+$0x0], $0xffff  }
0x355: {  	v34 =	vor.u32 v44, v19;
	v32 =	vor.u32 v48, v19;
	v28 =	vld.idx.msk [tilespmem:v28+s14+$0x0], $0xffff;
	[tilespmem:v60+s19+$0x0] =	vst.idx.msk $0xffff, v22  }
0x356: {  	v29 =	vand.u32 $0x1C00, v29;
	v4 =	vor.u32 v4, v46;
	v60 =	vld [tilespmem:$0x1FEA0];
	[tilespmem:v2+s19+$0x0] =	vst.idx.msk $0xffff, v30;
	v30 =	vor.u32 v43, v54  }
0x357: {  	v19 =	vor.u32 v47, v19;
	v29 =	vor.u32 v23, v29;
	v2 =	vor.u32 v36, v54;
	v1 =	vld.idx.msk [tilespmem:v1+s14+$0x0], $0xffff  }
0x358: {  	v61 =	vor.u32 v29, v40;
	[tilespmem:v57+s19+$0x0] =	vst.idx.msk $0xffff, v10;
	v7 =	vld.idx.msk [tilespmem:v31+s14+$0x0], $0xffff;
	v31 =	vand.u32 v5, v33  }
0x359: {  	v24 =	vor.u32 v29, v49;
	v10 =	vshll.u32 v33, $0x7;
	[tilespmem:v26+s19+$0x0] =	vst.idx.msk $0xffff, v27;
	v63 =	vor.u32 v37, v31  }
0x35a: {  	v35 =	vor.u32 v29, v45;
	v57 =	vor.u32 v58, v39;
	v10 =	vand.u32 $0x1C00, v10;
	v32 =	vld.idx.msk [tilespmem:v32+s14+$0x0], $0xffff  }
0x35b: {  	v22 =	vor.u32 v48, v31;
	v10 =	vor.u32 v25, v10;
	v30 =	vld.idx.msk [tilespmem:v30+s14+$0x0], $0xffff;
	[tilespmem:v4+s19+$0x0] =	vst.idx.msk $0xffff, v28  }
0x35c: {  	v54 =	vor.u32 v10, v45;
	v2 =	vld.idx.msk [tilespmem:v2+s14+$0x0], $0xffff;
	v4 =	vor.u32 v10, v40;
	[tilespmem:v3+s19+$0x0] =	vst.idx.msk $0xffff, v1  }
0x35d: {  	v13 =	vor.u32 s26, v60;
	v28 =	vor.u32 v10, v49;
	v3 =	vor.u32 v10, v46;
	[tilespmem:v61+s19+$0x0] =	vst.idx.msk $0xffff, v7  }
0x35e: {  	v7 =	vor.u32 v58, v42;
	v61 =	vld.idx.msk [tilespmem:v63+s14+$0x0], $0xffff;
	v63 =	vand.u32 v9, v13;
	v13 =	vshll.u32 v13, $0x7  }
0x35f: {  	[tilespmem:v57+s19+$0x0] =	vst.idx.msk $0xffff, v16;
	v16 =	vor.u32 v38, v55;
	v10 =	vld.idx.msk [tilespmem:v34+s14+$0x0], $0xffff;
	v13 =	vand.u32 $0x1C00, v13  }
0x360: {  	v59 =	vor.u32 v44, v31;
	v13 =	vor.u32 v8, v13;
	v8 =	vld [tilespmem:$0x1FE10]  }
0x361: {  	v29 =	vor.u32 v29, v46;
	v19 =	vld.idx.msk [tilespmem:v19+s14+$0x0], $0xffff  }
0x362: {  	v31 =	vor.u32 v47, v31;
	[tilespmem:v35+s19+$0x0] =	vst.idx.msk $0xffff, v32  }
0x363: {  	v22 =	vld.idx.msk [tilespmem:v22+s14+$0x0], $0xffff;
	v23 =	vor.u32 v37, v63;
	[tilespmem:v7+s19+$0x0] =	vst.idx.msk $0xffff, v30  }
0x364: {  	v33 =	vor.u32 v58, v41;
	v16 =	vld.idx.msk [tilespmem:v16+s14+$0x0], $0xffff;
	v7 =	vor.u32 v43, v55;
	[tilespmem:v24+s19+$0x0] =	vst.idx.msk $0xffff, v10  }
0x365: {  	[tilespmem:v4+s19+$0x0] =	vst.idx.msk $0xffff, v61;
	v4 =	vor.u32 v36, v55;
	v24 =	vld.idx.msk [tilespmem:v59+s14+$0x0], $0xffff;
	v30 =	vor.u32 s26, v8  }
0x366: {  	[tilespmem:v29+s19+$0x0] =	vst.idx.msk $0xffff, v19;
	v61 =	vand.u32 v0, v30;
	v0 =	vld [tilespmem:$0x1FED0]  }
0x367: {  	v34 =	vor.u32 v44, v63;
	v31 =	vld.idx.msk [tilespmem:v31+s14+$0x0], $0xffff  }
0x368: {  	v26 =	vor.u32 v56, v41;
	v1 =	vor.u32 v48, v63;
	v27 =	vor.u32 v47, v63;
	v60 =	vld.idx.msk [tilespmem:v23+s14+$0x0], $0xffff  }
0x369: {  	v63 =	vor.u32 v13, v40;
	v29 =	vor.u32 v13, v49;
	[tilespmem:v33+s19+$0x0] =	vst.idx.msk $0xffff, v2;
	v7 =	vld.idx.msk [tilespmem:v7+s14+$0x0], $0xffff  }
0x36a: {  	v55 =	vor.u32 v13, v45;
	v13 =	vor.u32 v13, v46;
	[tilespmem:v54+s19+$0x0] =	vst.idx.msk $0xffff, v22;
	v4 =	vld.idx.msk [tilespmem:v4+s14+$0x0], $0xffff  }
0x36b: {  	v33 =	vor.u32 v56, v42;
	v23 =	vor.u32 v37, v61;
	[tilespmem:v28+s19+$0x0] =	vst.idx.msk $0xffff, v24;
	v32 =	vor.u32 s26, v0;
	v0 =	vld [tilespmem:$0x1FE50]  }
0x36c: {  	v19 =	vor.u32 v38, v53;
	v2 =	vshll.u32 v30, $0x7;
	[tilespmem:v3+s19+$0x0] =	vst.idx.msk $0xffff, v31;
	v28 =	vld.idx.msk [tilespmem:v34+s14+$0x0], $0xffff  }
0x36d: {  	v22 =	vor.u32 v52, v41;
	v58 =	vor.u32 v44, v61;
	v2 =	vand.u32 $0x1C00, v2;
	v27 =	vld.idx.msk [tilespmem:v27+s14+$0x0], $0xffff  }
0x36e: {  	v30 =	vor.u32 v56, v39;
	v35 =	vor.u32 v47, v61;
	v2 =	vor.u32 v20, v2  }
0x36f: {  	v10 =	vor.u32 v48, v61;
	[tilespmem:v63+s19+$0x0] =	vst.idx.msk $0xffff, v60;
	v3 =	vor.u32 v2, v40  }
0x370: {  	v31 =	vor.u32 v2, v49;
	v60 =	vld.idx.msk [tilespmem:v23+s14+$0x0], $0xffff;
	[tilespmem:v33+s19+$0x0] =	vst.idx.msk $0xffff, v7;
	v61 =	vand.u32 v0, v32  }
0x371: {  	v1 =	vld.idx.msk [tilespmem:v1+s14+$0x0], $0xffff;
	v56 =	vor.u32 v2, v45;
	[tilespmem:v29+s19+$0x0] =	vst.idx.msk $0xffff, v28;
	v63 =	vor.u32 v37, v61  }
0x372: {  	v2 =	vor.u32 v2, v46;
	v59 =	vshll.u32 v32, $0x7;
	[tilespmem:v13+s19+$0x0] =	vst.idx.msk $0xffff, v27;
	v29 =	vld.idx.msk [tilespmem:v58+s14+$0x0], $0xffff  }
0x373: {  	[tilespmem:v30+s19+$0x0] =	vst.idx.msk $0xffff, v16;
	v7 =	vor.u32 v43, v53;
	v16 =	vand.u32 $0x1C00, v59;
	v35 =	vld.idx.msk [tilespmem:v35+s14+$0x0], $0xffff  }
0x374: {  	v30 =	vor.u32 v36, v53;
	v16 =	vor.u32 v15, v16;
	[tilespmem:v26+s19+$0x0] =	vst.idx.msk $0xffff, v4;
	v0 =	vld [tilespmem:$0x1FF00]  }
0x375: {  	v53 =	vor.u32 v50, v39;
	v27 =	vor.u32 v16, v49;
	[tilespmem:v3+s19+$0x0] =	vst.idx.msk $0xffff, v60;
	v3 =	vld.idx.msk [tilespmem:v19+s14+$0x0], $0xffff  }
0x376: {  	v24 =	vor.u32 v48, v61;
	[tilespmem:v55+s19+$0x0] =	vst.idx.msk $0xffff, v1;
	v1 =	vld.idx.msk [tilespmem:v63+s14+$0x0], $0xffff;
	v63 =	vor.u32 v16, v40  }
0x377: {  	v34 =	vor.u32 v44, v61;
	v54 =	vor.u32 v47, v61;
	v60 =	vor.u32 s26, v18;
	v10 =	vld.idx.msk [tilespmem:v10+s14+$0x0], $0xffff  }
0x378: {  	v9 =	vmovc v18;
	v7 =	vld.idx.msk [tilespmem:v7+s14+$0x0], $0xffff;
	v61 =	vand.u32 v6, v60;
	v4 =	vshll.u32 v60, $0x7;
	v60 =	vor.u32 v52, v39  }
0x379: {  	v19 =	vld.idx.msk [tilespmem:v30+s14+$0x0], $0xffff;
	v23 =	vor.u32 v37, v61;
	v28 =	vor.u32 v48, v61;
	v57 =	vor.u32 v44, v61  }
0x37a: {  	v32 =	vor.u32 v47, v61;
	v61 =	vor.u32 v52, v42;
	v4 =	vand.u32 $0x1C00, v4;
	[tilespmem:v2+s19+$0x0] =	vst.idx.msk $0xffff, v35  }
0x37b: {  	v4 =	vor.u32 v17, v4;
	v17 =	vor.u32 s26, v0;
	v0 =	vld [tilespmem:$0x1FE20];
	[tilespmem:v63+s19+$0x0] =	vst.idx.msk $0xffff, v1;
	v1 =	vor.u32 v38, v51  }
0x37c: {  	v33 =	vor.u32 v16, v45;
	v20 =	vld.idx.msk [tilespmem:v54+s14+$0x0], $0xffff;
	[tilespmem:v56+s19+$0x0] =	vst.idx.msk $0xffff, v10;
	v63 =	vor.u32 v43, v51  }
0x37d: {  	[tilespmem:v31+s19+$0x0] =	vst.idx.msk $0xffff, v29;
	v2 =	vor.u32 v4, v40;
	v55 =	vor.u32 v4, v49;
	v24 =	vld.idx.msk [tilespmem:v24+s14+$0x0], $0xffff  }
0x37e: {  	v35 =	vor.u32 v4, v45;
	v31 =	vor.u32 v4, v46;
	v18 =	vand.u32 v12, v17;
	v10 =	vld.idx.msk [tilespmem:v23+s14+$0x0], $0xffff  }
0x37f: {  	v16 =	vor.u32 v16, v46;
	v4 =	vld.idx.msk [tilespmem:v34+s14+$0x0], $0xffff;
	[tilespmem:v60+s19+$0x0] =	vst.idx.msk $0xffff, v3;
	v23 =	vor.u32 v37, v18  }
0x380: {  	v26 =	vor.u32 v36, v51;
	v36 =	vmov v44;
	[tilespmem:v61+s19+$0x0] =	vst.idx.msk $0xffff, v7;
	v38 =	vmov v48;
	v48 =	vld.idx.msk [tilespmem:v1+s14+$0x0], $0xffff  }
0x381: {  	v52 =	vor.u32 v50, v41;
	v50 =	vor.u32 v50, v42;
	v3 =	vshll.u32 v17, $0x7;
	v43 =	vmovc v47;
	v47 =	vld.idx.msk [tilespmem:v63+s14+$0x0], $0xffff  }
0x382: {  	v58 =	vor.u32 v44, v18;
	v29 =	vor.u32 v38, v18;
	v1 =	vand.u32 $0x1C00, v3;
	[tilespmem:v33+s19+$0x0] =	vst.idx.msk $0xffff, v24;
	v33 =	vld [tilespmem:$0x1FF10]  }
0x383: {  	v41 =	vmov v49;
	[tilespmem:v2+s19+$0x0] =	vst.idx.msk $0xffff, v10;
	v1 =	vor.u32 v14, v1;
	v2 =	vor.u32 s26, v0;
	v34 =	vld.idx.msk [tilespmem:v28+s14+$0x0], $0xffff  }
0x384: {  	s29 =	sadd.s32 $0x4, s29;
	[tilespmem:v16+s19+$0x0] =	vst.idx.msk $0xffff, v20;
	v7 =	vld.idx.msk [tilespmem:v23+s14+$0x0], $0xffff;
	v10 =	vand.u32 v11, v2;
	v20 =	vor.u32 v1, v40  }
0x385: {  	p0 =	slt.u32 s29, $0x1C;
	[tilespmem:v27+s19+$0x0] =	vst.idx.msk $0xffff, v4;
	v59 =	vor.u32 v43, v18;
	v23 =	vld.idx.msk [tilespmem:v32+s14+$0x0], $0xffff;
	v25 =	vor.u32 v37, v10  }
.Ltmp7:
0x386: {  	v61 =	vld.idx.msk [tilespmem:v57+s14+$0x0], $0xffff;
	[tilespmem:v22+s19+$0x0] =	vst.idx.msk $0xffff, v19;
	v56 =	vor.u32 v1, v41;
	v3 =	vor.u32 v1, v45;
	(pc) =	sbr.rel @p0 .LBB2_11-.Ltmp7, $4  }
0x387: {  	v39 =	vmovc v45;
	v49 =	vld.idx.msk [tilespmem:v26+s14+$0x0], $0xffff;
	v4 =	vor.u32 v1, v46;
	v1 =	vshll.u32 v2, $0x7;
	v51 =	vor.u32 v38, v10  }
0x388: {  	v60 =	vor.u32 v36, v10;
	v63 =	vor.u32 v43, v10;
	v1 =	vand.u32 $0x1C00, v1;
	[tilespmem:v35+s19+$0x0] =	vst.idx.msk $0xffff, v34;
	v35 =	vld [tilespmem:$0x1FEE0]  }
0x389: {  	v42 =	vmov v46;
	v44 =	vor.u32 v62, v1;
	v46 =	vor.u32 s26, v33;
	[tilespmem:v20+s19+$0x0] =	vst.idx.msk $0xffff, v7;
	v10 =	vld.idx.msk [tilespmem:v29+s14+$0x0], $0xffff  }
0x38a: {  	s30 =	sadd.s32 $0x40, s30;
	v54 =	vand.u32 v21, v46;
	[tilespmem:v31+s19+$0x0] =	vst.idx.msk $0xffff, v23;
	v7 =	vor.u32 v44, v40;
	v45 =	vld.idx.msk [tilespmem:v25+s14+$0x0], $0xffff  }
0x38b: {  	_ = 	snop  }
0x38c: {  	v57 =	vld [tilespmem:$0x1FFE0]  }
0x38d: {  	v62 =	vld [tilespmem:$0x1FFF0]  }
0x38e: {  	v20 =	vld [tilespmem:$0x1FF80]  }
0x38f: {  	v1 =	vld.idx.msk [tilespmem:v59+s14+$0x0], $0xffff;
	[tilespmem:v55+s19+$0x0] =	vst.idx.msk $0xffff, v61  }
0x390: {  	v2 =	vld.idx.msk [tilespmem:v58+s14+$0x0], $0xffff;
	_ =	sdelay $0x1  }
0x391: {  	[tilespmem:v3+s19+$0x0] =	vst.idx.msk $0xffff, v10  }
0x392: {  	[tilespmem:v7+s19+$0x0] =	vst.idx.msk $0xffff, v45  }
0x393: {  	[tilespmem:v4+s19+$0x0] =	vst.idx.msk $0xffff, v1  }
0x394: {  	[tilespmem:v56+s19+$0x0] =	vst.idx.msk $0xffff, v2  }
0x395: {  	v11 =	vld [tilespmem:$0x1FFB0]  }
0x396: {  	v10 =	vor.u32 v37, v54  }
0x397: {  	v51 =	vld.idx.msk [tilespmem:v51+s14+$0x0], $0xffff  }
0x398: {  	v34 =	vor.u32 v44, v39;
	v19 =	vshll.u32 v46, $0x7;
	v56 =	vld.idx.msk [tilespmem:v63+s14+$0x0], $0xffff  }
0x399: {  	v13 =	vor.u32 v44, v42;
	v19 =	vand.u32 $0x1C00, v19;
	v22 =	vld.idx.msk [tilespmem:v60+s14+$0x0], $0xffff  }
0x39a: {  	v16 =	vor.u32 v44, v41;
	v30 =	vld [tilespmem:$0x1FFC0];
	v58 =	vor.u32 v11, v19  }
0x39b: {  	v10 =	vld.idx.msk [tilespmem:v10+s14+$0x0], $0xffff;
	v28 =	vor.u32 v58, v40  }
0x39c: {  	v17 =	vld [tilespmem:$0x1FF90]  }
0x39d: {  	[tilespmem:v34+s19+$0x0] =	vst.idx.msk $0xffff, v51  }
0x39e: {  	v55 =	vor.u32 v38, v54;
	[tilespmem:v13+s19+$0x0] =	vst.idx.msk $0xffff, v56  }
0x39f: {  	v24 =	vor.u32 v43, v54;
	[tilespmem:v16+s19+$0x0] =	vst.idx.msk $0xffff, v22  }
0x3a0: {  	v26 =	vor.u32 v36, v54;
	v19 =	vor.u32 s26, v30;
	[tilespmem:v28+s19+$0x0] =	vst.idx.msk $0xffff, v10  }
0x3a1: {  	v27 =	vand.u32 v17, v19;
	v25 =	vld [tilespmem:$0x1FE30]  }
0x3a2: {  	v59 =	vor.u32 v37, v27  }
0x3a3: {  	v3 =	vld.idx.msk [tilespmem:v55+s14+$0x0], $0xffff  }
0x3a4: {  	v61 =	vld.idx.msk [tilespmem:v24+s14+$0x0], $0xffff;
	v60 =	vor.u32 v58, v39;
	v19 =	vshll.u32 v19, $0x7  }
0x3a5: {  	v63 =	vor.u32 v58, v42;
	v22 =	vld.idx.msk [tilespmem:v26+s14+$0x0], $0xffff;
	v19 =	vand.u32 $0x1C00, v19  }
0x3a6: {  	v7 =	vor.u32 v58, v41;
	v34 =	vld [tilespmem:$0x1FFD0];
	v10 =	vor.u32 v25, v19  }
0x3a7: {  	v1 =	vld.idx.msk [tilespmem:v59+s14+$0x0], $0xffff;
	v28 =	vor.u32 v10, v40  }
0x3a8: {  	v32 =	vld [tilespmem:$0x1FE40]  }
0x3a9: {  	[tilespmem:v60+s19+$0x0] =	vst.idx.msk $0xffff, v3  }
0x3aa: {  	v16 =	vor.u32 v38, v27;
	[tilespmem:v63+s19+$0x0] =	vst.idx.msk $0xffff, v61  }
0x3ab: {  	v24 =	vor.u32 v43, v27;
	[tilespmem:v7+s19+$0x0] =	vst.idx.msk $0xffff, v22  }
0x3ac: {  	v26 =	vor.u32 v36, v27;
	v19 =	vor.u32 s26, v34;
	[tilespmem:v28+s19+$0x0] =	vst.idx.msk $0xffff, v1  }
0x3ad: {  	v27 =	vand.u32 v32, v19;
	v21 =	vld [tilespmem:$0x1FFA0]  }
0x3ae: {  	v45 =	vor.u32 v37, v27  }
0x3af: {  	v3 =	vld.idx.msk [tilespmem:v16+s14+$0x0], $0xffff;
	v46 =	vor.u32 v10, v39  }
0x3b0: {  	v51 =	vld.idx.msk [tilespmem:v24+s14+$0x0], $0xffff;
	v54 =	vor.u32 v10, v42;
	v19 =	vshll.u32 v19, $0x7  }
0x3b1: {  	v22 =	vld.idx.msk [tilespmem:v26+s14+$0x0], $0xffff;
	v10 =	vor.u32 v10, v41;
	v19 =	vand.u32 $0x1C00, v19  }
0x3b2: {  	v15 =	vld [tilespmem:$0x1FF50];
	v55 =	vor.u32 v21, v19  }
0x3b3: {  	v2 =	vld.idx.msk [tilespmem:v45+s14+$0x0], $0xffff;
	v28 =	vor.u32 v55, v40  }
0x3b4: {  	v6 =	vld [tilespmem:$0x1FF60];
	[tilespmem:v46+s19+$0x0] =	vst.idx.msk $0xffff, v3  }
0x3b5: {  	v16 =	vor.u32 v38, v27;
	[tilespmem:v54+s19+$0x0] =	vst.idx.msk $0xffff, v51  }
0x3b6: {  	v24 =	vor.u32 v43, v27;
	[tilespmem:v10+s19+$0x0] =	vst.idx.msk $0xffff, v22  }
0x3b7: {  	v26 =	vor.u32 v36, v27;
	[tilespmem:v53+s19+$0x0] =	vst.idx.msk $0xffff, v48  }
0x3b8: {  	v19 =	vor.u32 s26, v15;
	[tilespmem:v28+s19+$0x0] =	vst.idx.msk $0xffff, v2  }
0x3b9: {  	v27 =	vand.u32 v6, v19;
	v0 =	vld [tilespmem:$0x1FF70]  }
0x3ba: {  	v4 =	vld.idx.msk [tilespmem:v16+s14+$0x0], $0xffff;
	v58 =	vor.u32 v55, v39;
	v56 =	vor.u32 v37, v27  }
0x3bb: {  	v13 =	vld.idx.msk [tilespmem:v24+s14+$0x0], $0xffff;
	v10 =	vor.u32 v55, v42;
	v16 =	vor.u32 v38, v27  }
0x3bc: {  	v22 =	vld.idx.msk [tilespmem:v26+s14+$0x0], $0xffff;
	v19 =	vshll.u32 v19, $0x7;
	v1 =	vor.u32 v55, v41;
	v24 =	vor.u32 v43, v27  }
0x3bd: {  	v19 =	vand.u32 $0x1C00, v19;
	v26 =	vor.u32 v36, v27  }
0x3be: {  	v59 =	vor.u32 v0, v19  }
0x3bf: {  	v3 =	vld.idx.msk [tilespmem:v56+s14+$0x0], $0xffff;
	[tilespmem:v58+s19+$0x0] =	vst.idx.msk $0xffff, v4;
	v19 =	vor.u32 v59, v40  }
0x3c0: {  	[tilespmem:v10+s19+$0x0] =	vst.idx.msk $0xffff, v13;
	v4 =	vld.idx.msk [tilespmem:v16+s14+$0x0], $0xffff;
	v60 =	vor.u32 v59, v39  }
0x3c1: {  	[tilespmem:v1+s19+$0x0] =	vst.idx.msk $0xffff, v22;
	v10 =	vld.idx.msk [tilespmem:v24+s14+$0x0], $0xffff;
	v61 =	vor.u32 v59, v42  }
0x3c2: {  	[tilespmem:v50+s19+$0x0] =	vst.idx.msk $0xffff, v47;
	v63 =	vld.idx.msk [tilespmem:v26+s14+$0x0], $0xffff;
	v2 =	vor.u32 v59, v41  }
0x3c3: {  	p0 =	seq.s32 s23, $0x63;
	[tilespmem:v52+s19+$0x0] =	vst.idx.msk $0xffff, v49  }
.Ltmp8:
0x3c4: {  	[tilespmem:v19+s19+$0x0] =	vst.idx.msk $0xffff, v3;
	(pc) =	sbr.rel @p0 .LBB2_14-.Ltmp8, $4  }
0x3c5: {  	[tilespmem:v60+s19+$0x0] =	vst.idx.msk $0xffff, v4  }
0x3c6: {  	[tilespmem:v61+s19+$0x0] =	vst.idx.msk $0xffff, v10  }
0x3c7: {  	s0 =	sadd.s32 s25, s7;
	[tilespmem:v2+s19+$0x0] =	vst.idx.msk $0xffff, v63  }
0x3c8: {  	v22 =	vmov v6;
	v16 =	vmov v0;
	v19 =	vmov v32;
	[hbm4b:s0+s9] =	stream.strided.scatter [tilespmem:s19], [sflag:$0x4], $0x2000, s10, s9, $0x38;
	[tilespmem:$0xE400] =	vst v63  }
0x3c9: {  	v1 =	vld [tilespmem:$0x1FE50]  }
0x3ca: {  	v47 =	vld [tilespmem:$0x1FE60]  }
0x3cb: {  	v29 =	vld [tilespmem:$0x1FEB0]  }
0x3cc: {  	v2 =	vld [tilespmem:$0x1FDD0]  }
0x3cd: {  	v63 =	vld [tilespmem:$0x1FE70]  }
0x3ce: {  	v32 =	vld [tilespmem:$0x1FEC0]  }
0x3cf: {  	v58 =	vld [tilespmem:$0x1FE80]  }
0x3d0: {  	v0 =	vld [tilespmem:$0x1FDE0]  }
0x3d1: {  	v6 =	vld [tilespmem:$0x1FDF0]  }
0x3d2: {  	v28 =	vld [tilespmem:$0x1FE90]  }
0x3d3: {  	v45 =	vld [tilespmem:$0x1FEA0]  }
.Ltmp9:
0x3d4: {  	v46 =	vld [tilespmem:$0x1FED0];
	(pc) =	sbr.rel .LBB2_4-.Ltmp9, $4  }
0x3d5: {  	v24 =	vld [tilespmem:$0x1FF00]  }
0x3d6: {  	s0 =	sadd.s32 $0x180, s24;
	v15 =	vld [tilespmem:$0x1FF20]  }
0x3d7: {  	s23 =	sadd.s32 $0x1, s23;
	v5 =	vld [tilespmem:$0x1FF30];
	s0 =	sand.u32 $0xFF80, s0  }
0x3d8: {  	v31 =	vld [tilespmem:$0x1FF40];
	[tilespmem:s14], [sflag:$0x2] =	stream.indirect.gather [hbm4b:s5+s12], $0x40, s0, s12, $0xb8  }
.LBB2_15:
0x3d9: {  	_ =	sfence.sel $0x180000  }
0x3da: {  	[bflag:$0x0] =	sbarrier.arrive $0xFFFF  }
0x3db: {  	_ =	strace $0x90000047  }
0x3dc: {  	s0 =	stileid.u32;
	[bflag:$0x2] =	sbarrier.arrive $0xFFFF  }
0x3dd: {  	p0 =	sne.s32 s0, $0x0;
	s0 =	rddreg [dreg:$0x3]  }
0x3de: {  	s0 =	sadd.s32 @!p0 $0x100000, s0  }
0x3df: {  	[sflag:s0] =	ssyncadd.tile.s32 @!p0 $0x1;
	_ =	shalt  }
.Lfunc_end2:
_tile_overlayer_lowered:
.L_overlay_start_2:
0x3e0: {  	(tag) =	ssettag $0x2  }
0x3e1: {  	s0 =	rddreg [dreg:$0x0];
	s2 =	stileid.u32  }
0x3e2: {  	s1 =	rddreg [dreg:$0x1];
	p0 =	sne.s32 s2, $0x0  }
0x3e3: {  	s3 =	rddreg [dreg:$0x2];
	[bflag:$0x3] =	sbarrier.arrive $0xFFFF;
	s2 =	simm.s32 @!p0 $0x1C05  }
0x3e4: {  	[timem:s3], [sflag:s2] =	dma.local @!p0 [hbm:s0], s1  }
0x3e5: {  	s0 =	simm.s32 @!p0 $0x5  }
0x3e6: {  	_ =	swait.ge @!p0 [sflag:s0], s1  }
0x3e7: {  	s1 =	ssub.s32 @!p0 $0x0, s1;
	[sflag:s0] =	ssyncset.done @!p0 $0x0  }
0x3e8: {  	[sflag:s0] =	ssyncadd.s32 @!p0 s1  }
0x3e9: {  	[bflag:$0x3] =	sbarrier.arrive $0xFFFF  }
0x3ea: {  	_ =	shalt  }

</sc_bundles>
